<compile_context>
chip_gen: v7x
topology: tpu7x:2x2x1
jax: 0.10.2.dev20260603
libtpu: 0.0.44.dev20260713+nightly
codegen_flags: <defaults>
</compile_context>

<pallas_src>
import functools

import jax
import jax.numpy as jnp
from jax import lax
from jax.experimental import pallas as pl
from jax.experimental.pallas import tpu as pltpu
from jax.experimental.pallas import tpu_sc as plsc

B = 16384
D = 32
N_ROWS = 1000000
NC = 2
NS = 16
NW = NC * NS
B_PER_W = B // NW
IDX_CH = B_PER_W // 128
CB = 4096
N_WIDE = (pl.cdiv(N_ROWS, 512)) * 128


def _transpose_body(ut_ref, it_ref, u_ref, i_ref):
  def pack(x):
    outs = []
    for g in range(CB // 512):
      c0 = g * 512
      stacked = jnp.concatenate(
          [x[:, c0 + 128 * a: c0 + 128 * (a + 1)] for a in range(4)], axis=0)
      outs.append(jnp.swapaxes(stacked, 0, 1))
    return jnp.concatenate(outs, axis=0)

  u_ref[...] = pack(ut_ref[...])
  i_ref[...] = pack(it_ref[...])


def _tc_transpose(utab_t, itab_t):
  grid = (pl.cdiv(N_ROWS, CB),)
  return pl.pallas_call(
      _transpose_body,
      grid=grid,
      in_specs=[
          pl.BlockSpec((D, CB), lambda i: (0, i)),
          pl.BlockSpec((D, CB), lambda i: (0, i)),
      ],
      out_specs=[
          pl.BlockSpec((CB // 4, 128), lambda i: (i, 0)),
          pl.BlockSpec((CB // 4, 128), lambda i: (i, 0)),
      ],
      out_shape=[
          jax.ShapeDtypeStruct((N_WIDE, 128), jnp.float32),
          jax.ShapeDtypeStruct((N_WIDE, 128), jnp.float32),
      ],
  )(utab_t, itab_t)


def _sc_gather(uids, iids, user_table, item_table):
  mesh = plsc.VectorSubcoreMesh(
      core_axis_name="c", subcore_axis_name="s", num_cores=NC, num_subcores=NS
  )

  @functools.partial(
      pl.kernel,
      out_type=[
          jax.ShapeDtypeStruct((B, 128), jnp.float32),
          jax.ShapeDtypeStruct((B, 128), jnp.float32),
      ],
      mesh=mesh,
      compiler_params=pltpu.CompilerParams(use_tc_tiling_on_sc=False),
      scratch_types=[
          pltpu.VMEM((IDX_CH, 128), jnp.int32),
          pltpu.VMEM((IDX_CH, 128), jnp.int32),
          pltpu.VMEM((B_PER_W, 128), jnp.float32),
          pltpu.SemaphoreType.DMA,
      ],
  )
  def gather_kernel(uids_hbm, iids_hbm, utab_hbm, itab_hbm, out_u, out_i,
                    ids_v, wrow_v, wide_v, sem):
    wid = lax.axis_index("s") * NC + lax.axis_index("c")
    base = wid * B_PER_W

    def one_table(ids_hbm, tab_hbm, out_hbm):
      pltpu.sync_copy(ids_hbm.at[wid], ids_v)

      for t in range(IDX_CH * 8):
        ch, k = t // 8, t % 8
        v = ids_v.at[ch][pl.ds(k * 16, 16)]
        wrow_v.at[ch][pl.ds(k * 16, 16)] = ((v >> 9) << 7) | (v & 127)

      copies = []
      for j in range(IDX_CH):
        copies.append(pltpu.async_copy(
            tab_hbm.at[wrow_v.at[j]], wide_v.at[pl.ds(j * 128, 128)], sem))
      for c in copies:
        c.wait()
      pltpu.sync_copy(wide_v, out_hbm.at[pl.ds(base, B_PER_W)])

    one_table(uids_hbm, utab_hbm, out_u)
    one_table(iids_hbm, itab_hbm, out_i)

  return gather_kernel(uids, iids, user_table, item_table)


def _mlp_body(u_ref, v_ref, idu_ref, idv_ref, w1u_ref, w1v_ref, b1_ref,
              w2_ref, b2_ref, w3_ref, b3_ref, o_ref):
  bs = u_ref.shape[0]
  lanes = jax.lax.broadcasted_iota(jnp.int32, (bs, 128), 1)

  def masked(x, ids):
    lb = (((ids >> 7) & 3) << 5)[:, None]
    keep = (lanes >= lb) & (lanes < lb + D)
    return jnp.where(keep, x, 0.0)

  u = masked(u_ref[...], idu_ref[...])
  v = masked(v_ref[...], idv_ref[...])
  h = u @ w1u_ref[...] + v @ w1v_ref[...] + b1_ref[...]
  h = jnp.maximum(h, 0.0)
  h2 = jnp.maximum(h @ w2_ref[...] + b2_ref[...], 0.0)
  o_ref[...] = jnp.sum(h2 * w3_ref[...], axis=1) + b3_ref[...]


def _tc_mlp(wide_u, wide_i, idu, idv, w1u_s, w1v_s, b1, w2, b2, w3, b3,
            block_b=2048):
  grid = (B // block_b,)
  return pl.pallas_call(
      _mlp_body,
      grid=grid,
      in_specs=[
          pl.BlockSpec((block_b, 128), lambda i: (i, 0)),
          pl.BlockSpec((block_b, 128), lambda i: (i, 0)),
          pl.BlockSpec((block_b,), lambda i: (i,)),
          pl.BlockSpec((block_b,), lambda i: (i,)),
          pl.BlockSpec((128, 64), lambda i: (0, 0)),
          pl.BlockSpec((128, 64), lambda i: (0, 0)),
          pl.BlockSpec((64,), lambda i: (0,)),
          pl.BlockSpec((64, 16), lambda i: (0, 0)),
          pl.BlockSpec((16,), lambda i: (0,)),
          pl.BlockSpec((1, 16), lambda i: (0, 0)),
          pl.BlockSpec((1,), lambda i: (0,)),
      ],
      out_specs=pl.BlockSpec((block_b,), lambda i: (i,)),
      out_shape=jax.ShapeDtypeStruct((B,), jnp.float32),
  )(wide_u, wide_i, idu, idv, w1u_s, w1v_s, b1, w2, b2, w3, b3)


def kernel(user_ids, item_ids, user_table, item_table, W1, b1, W2, b2, W3, b3):
  idu = user_ids.astype(jnp.int32)
  idv = item_ids.astype(jnp.int32)
  uids = idu.reshape(NW, IDX_CH, 128)
  iids = idv.reshape(NW, IDX_CH, 128)
  tabu_w, tabi_w = _tc_transpose(user_table.T, item_table.T)
  wide_u, wide_i = _sc_gather(uids, iids, tabu_w, tabi_w)
  w1u_s = jnp.tile(W1[:, :D].T, (4, 1))
  w1v_s = jnp.tile(W1[:, D:].T, (4, 1))
  return _tc_mlp(wide_u, wide_i, idu, idv, w1u_s, w1v_s, b1, W2.T, b2, W3, b3)

# --- scband reference (transcript-rebuilt; emitter-appended) ---
"""Pipeline reference for scband-ncf-41523743818236 (READ-ONLY COPY).

The authoritative reference and input builder live on the scoring server;
editing this copy changes nothing except your own understanding.
"""

import jax, jax.numpy as jnp
import numpy as np

N_USERS = 1000000
N_ITEMS = 1000000
EMBED_DIM = 32
BATCH = 16384


def setup_inputs(seed: int = 0) -> dict:
    key = jax.random.key(seed)
    k1, k2, k3, k4, k5, k6, k7 = jax.random.split(key, 7)
    user_ids = jax.random.randint(k1, (BATCH,), 0, N_USERS, dtype=jnp.int64) if jax.config.jax_enable_x64 else jax.random.randint(k1, (BATCH,), 0, N_USERS, dtype=jnp.int32)
    item_ids = jax.random.randint(k2, (BATCH,), 0, N_ITEMS, dtype=jnp.int32)
    user_table = jax.random.normal(k3, (N_USERS, EMBED_DIM), dtype=jnp.float32) * 0.02
    item_table = jax.random.normal(k4, (N_ITEMS, EMBED_DIM), dtype=jnp.float32) * 0.02
    # MLP params: Linear(64,64), Linear(64,16), Linear(16,1)
    k5a, k5b, k5c = jax.random.split(k5, 3)
    W1 = jax.random.normal(k5a, (64, EMBED_DIM * 2), dtype=jnp.float32) * (1.0 / np.sqrt(EMBED_DIM * 2))
    b1 = jnp.zeros((64,), dtype=jnp.float32)
    W2 = jax.random.normal(k5b, (16, 64), dtype=jnp.float32) * (1.0 / np.sqrt(64))
    b2 = jnp.zeros((16,), dtype=jnp.float32)
    W3 = jax.random.normal(k5c, (1, 16), dtype=jnp.float32) * (1.0 / np.sqrt(16))
    b3 = jnp.zeros((1,), dtype=jnp.float32)
    return {
        "user_ids": user_ids,
        "item_ids": item_ids,
        "user_table": user_table,
        "item_table": item_table,
        "W1": W1, "b1": b1,
        "W2": W2, "b2": b2,
        "W3": W3, "b3": b3,
    }


def reference(user_ids, item_ids, user_table, item_table, W1, b1, W2, b2, W3, b3):
    user_embed = jnp.take(user_table, user_ids, axis=0)   # [B, 32]
    item_embed = jnp.take(item_table, item_ids, axis=0)   # [B, 32]
    x = jnp.concatenate([user_embed, item_embed], axis=-1)  # [B, 64]
    h = jax.nn.relu(x @ W1.T + b1)                          # [B, 64]
    h = jax.nn.relu(h @ W2.T + b2)                          # [B, 16]
    out = h @ W3.T + b3                                     # [B, 1]
    return jnp.squeeze(out, axis=-1)                        # [B]

if __name__ == "__main__":
    import jax
    _d = setup_inputs()
    print(jax.jit(kernel)(*tuple(_d.values())))

</pallas_src>

<mosaic_0001>
#map = affine_map<(d0, d1) -> (0, 0, 0)>
#map1 = affine_map<(d0, d1) -> (0, 0)>
module attributes {stable_mosaic.version = 14 : i64} {
  func.func @gather_kernel(%arg0: i32, %arg1: i32, %arg2: memref<32x4x128xi32, #tpu.memory_space<hbm>>, %arg3: memref<32x4x128xi32, #tpu.memory_space<hbm>>, %arg4: memref<250112x128xf32, #tpu.memory_space<hbm>>, %arg5: memref<250112x128xf32, #tpu.memory_space<hbm>>, %arg6: memref<16384x128xf32, #tpu.memory_space<hbm>>, %arg7: memref<16384x128xf32, #tpu.memory_space<hbm>>, %arg8: memref<4x128xi32, #tpu.memory_space<vmem>>, %arg9: memref<4x128xi32, #tpu.memory_space<vmem>>, %arg10: memref<512x128xf32, #tpu.memory_space<vmem>>, %arg11: memref<!tpu.dma_semaphore, #tpu.memory_space<semaphore_mem>>) attributes {dimension_semantics = [#tpu.dimension_semantics<core_parallel>, #tpu.dimension_semantics<subcore_parallel>], iteration_bounds = array<i64: 2, 16>, scalar_prefetch = 0 : i64, scratch_operands = 4 : i64, tpu.core_type = #tpu.core_type<sc_vector_subcore>, window_params = [{transform_indices = #map}, {transform_indices = #map}, {transform_indices = #map1}, {transform_indices = #map1}, {transform_indices = #map1}, {transform_indices = #map1}]} {
    %mul3A = arith.constant 2 : i32
    %mul3A_0 = arith.muli %arg1, %mul3A : i32
    %add3A = arith.addi %mul3A_0, %arg0 : i32
    %mul3A_1 = arith.constant 512 : i32
    %mul3A_2 = arith.muli %add3A, %mul3A_1 : i32
    "tpu.region"() ({
      %run_scoped3A = tpu.sem_alloc : memref<!tpu.dma_semaphore, #tpu.memory_space<semaphore_mem>>
      %dma_start3A_1755 = arith.constant 0 : i32
      %dma_start3A_1756 = arith.constant 0 : i32
      %dma_start3A_1757 = tpu.memref_slice %arg2[%add3A, %dma_start3A_1755, %dma_start3A_1756] : memref<32x4x128xi32, #tpu.memory_space<hbm>> -> memref<1x4x128xi32, #tpu.memory_space<hbm>>
      %dma_start3A_1758 = tpu.memref_squeeze %dma_start3A_1757 : memref<1x4x128xi32, #tpu.memory_space<hbm>> -> memref<4x128xi32, #tpu.memory_space<hbm>>
      %dma_start3A_1759 = arith.constant 0 : i32
      %dma_start3A_1760 = arith.constant 0 : i32
      %dma_start3A_1761 = tpu.memref_slice %arg2[%add3A, %dma_start3A_1759, %dma_start3A_1760] : memref<32x4x128xi32, #tpu.memory_space<hbm>> -> memref<1x4x128xi32, #tpu.memory_space<hbm>>
      %dma_start3A_1762 = tpu.memref_squeeze %dma_start3A_1761 : memref<1x4x128xi32, #tpu.memory_space<hbm>> -> memref<4x128xi32, #tpu.memory_space<hbm>>
      tpu.enqueue_dma source(%dma_start3A_1762 : memref<4x128xi32, #tpu.memory_space<hbm>>) target(%arg8 : memref<4x128xi32, #tpu.memory_space<vmem>>) target_semaphore(%run_scoped3A : memref<!tpu.dma_semaphore, #tpu.memory_space<semaphore_mem>>)
      %dma_wait3A_1763 = arith.constant 0 : i32
      %dma_wait3A_1764 = arith.constant 0 : i32
      %dma_wait3A_1765 = tpu.memref_slice %arg2[%add3A, %dma_wait3A_1763, %dma_wait3A_1764] : memref<32x4x128xi32, #tpu.memory_space<hbm>> -> memref<1x4x128xi32, #tpu.memory_space<hbm>>
      %dma_wait3A_1766 = tpu.memref_squeeze %dma_wait3A_1765 : memref<1x4x128xi32, #tpu.memory_space<hbm>> -> memref<4x128xi32, #tpu.memory_space<hbm>>
      %dma_wait3A_1767 = arith.constant 0 : i32
      %dma_wait3A_1768 = arith.constant 0 : i32
      %dma_wait3A_1769 = tpu.memref_slice %arg2[%add3A, %dma_wait3A_1767, %dma_wait3A_1768] : memref<32x4x128xi32, #tpu.memory_space<hbm>> -> memref<1x4x128xi32, #tpu.memory_space<hbm>>
      %dma_wait3A_1770 = tpu.memref_squeeze %dma_wait3A_1769 : memref<1x4x128xi32, #tpu.memory_space<hbm>> -> memref<4x128xi32, #tpu.memory_space<hbm>>
      tpu.wait_dma2 semaphore(%run_scoped3A : memref<!tpu.dma_semaphore, #tpu.memory_space<semaphore_mem>>) src(%dma_wait3A_1770 : memref<4x128xi32, #tpu.memory_space<hbm>>) dst(%arg8 : memref<4x128xi32, #tpu.memory_space<vmem>>)
      tpu.yield
    }) : () -> ()
    %get3A = arith.constant 0 : i32
    %get3A_3 = arith.constant 0 : i32
    %get3A_4 = tpu.memref_slice %arg8[%get3A, %get3A_3] : memref<4x128xi32, #tpu.memory_space<vmem>> -> memref<1x128xi32, #tpu.memory_space<vmem>>
    %get3A_5 = tpu.memref_squeeze %get3A_4 : memref<1x128xi32, #tpu.memory_space<vmem>> -> memref<128xi32, #tpu.memory_space<vmem>>
    %get3A_6 = arith.constant 0 : index
    %get3A_7 = tpu.vector_load %get3A_5[%get3A_6] {strides = array<i32>} : memref<128xi32, #tpu.memory_space<vmem>>, vector<16xi32>,
    %get3A_8 = vector.shape_cast %get3A_7 : vector<16xi32> to vector<16xi32>
    %shift_right_arithmetic3A = arith.constant 9 : i32
    %shift_right_arithmetic3A_9 = vector.broadcast %shift_right_arithmetic3A : i32 to vector<16xi32>
    %shift_right_arithmetic3A_10 = arith.shrsi %get3A_8, %shift_right_arithmetic3A_9 : vector<16xi32>
    %shift_left3A = arith.constant 7 : i32
    %shift_left3A_11 = vector.broadcast %shift_left3A : i32 to vector<16xi32>
    %shift_left3A_12 = arith.shli %shift_right_arithmetic3A_10, %shift_left3A_11 : vector<16xi32>
    %and3A = arith.constant 127 : i32
    %and3A_13 = vector.broadcast %and3A : i32 to vector<16xi32>
    %and3A_14 = arith.andi %get3A_8, %and3A_13 : vector<16xi32>
    %or3A = arith.ori %shift_left3A_12, %and3A_14 : vector<16xi32>
    %swap3A = arith.constant 0 : i32
    %swap3A_15 = arith.constant 0 : i32
    %swap3A_16 = tpu.memref_slice %arg9[%swap3A, %swap3A_15] : memref<4x128xi32, #tpu.memory_space<vmem>> -> memref<1x128xi32, #tpu.memory_space<vmem>>
    %swap3A_17 = tpu.memref_squeeze %swap3A_16 : memref<1x128xi32, #tpu.memory_space<vmem>> -> memref<128xi32, #tpu.memory_space<vmem>>
    %swap3A_18 = arith.constant 0 : index
    %swap3A_19 = tpu.vector_load %swap3A_17[%swap3A_18] {strides = array<i32>} : memref<128xi32, #tpu.memory_space<vmem>>, vector<16xi32>,
    %swap3A_20 = vector.shape_cast %swap3A_19 : vector<16xi32> to vector<16xi32>
    %swap3A_21 = vector.shape_cast %or3A : vector<16xi32> to vector<16xi32>
    tpu.vector_store %swap3A_17[%swap3A_18], %swap3A_21 {strides = array<i32>} : memref<128xi32, #tpu.memory_space<vmem>>, vector<16xi32>,
    %get3A_22 = arith.constant 0 : i32
    %get3A_23 = arith.constant 0 : i32
    %get3A_24 = tpu.memref_slice %arg8[%get3A_22, %get3A_23] : memref<4x128xi32, #tpu.memory_space<vmem>> -> memref<1x128xi32, #tpu.memory_space<vmem>>
    %get3A_25 = tpu.memref_squeeze %get3A_24 : memref<1x128xi32, #tpu.memory_space<vmem>> -> memref<128xi32, #tpu.memory_space<vmem>>
    %get3A_26 = arith.constant 16 : index
    %get3A_27 = tpu.vector_load %get3A_25[%get3A_26] {strides = array<i32>} : memref<128xi32, #tpu.memory_space<vmem>>, vector<16xi32>,
    %get3A_28 = vector.shape_cast %get3A_27 : vector<16xi32> to vector<16xi32>
    %shift_right_arithmetic3A_29 = arith.constant 9 : i32
    %shift_right_arithmetic3A_30 = vector.broadcast %shift_right_arithmetic3A_29 : i32 to vector<16xi32>
    %shift_right_arithmetic3A_31 = arith.shrsi %get3A_28, %shift_right_arithmetic3A_30 : vector<16xi32>
    %shift_left3A_32 = arith.constant 7 : i32
    %shift_left3A_33 = vector.broadcast %shift_left3A_32 : i32 to vector<16xi32>
    %shift_left3A_34 = arith.shli %shift_right_arithmetic3A_31, %shift_left3A_33 : vector<16xi32>
    %and3A_35 = arith.constant 127 : i32
    %and3A_36 = vector.broadcast %and3A_35 : i32 to vector<16xi32>
    %and3A_37 = arith.andi %get3A_28, %and3A_36 : vector<16xi32>
    %or3A_38 = arith.ori %shift_left3A_34, %and3A_37 : vector<16xi32>
    %swap3A_39 = arith.constant 0 : i32
    %swap3A_40 = arith.constant 0 : i32
    %swap3A_41 = tpu.memref_slice %arg9[%swap3A_39, %swap3A_40] : memref<4x128xi32, #tpu.memory_space<vmem>> -> memref<1x128xi32, #tpu.memory_space<vmem>>
    %swap3A_42 = tpu.memref_squeeze %swap3A_41 : memref<1x128xi32, #tpu.memory_space<vmem>> -> memref<128xi32, #tpu.memory_space<vmem>>
    %swap3A_43 = arith.constant 16 : index
    %swap3A_44 = tpu.vector_load %swap3A_42[%swap3A_43] {strides = array<i32>} : memref<128xi32, #tpu.memory_space<vmem>>, vector<16xi32>,
    %swap3A_45 = vector.shape_cast %swap3A_44 : vector<16xi32> to vector<16xi32>
    %swap3A_46 = vector.shape_cast %or3A_38 : vector<16xi32> to vector<16xi32>
    tpu.vector_store %swap3A_42[%swap3A_43], %swap3A_46 {strides = array<i32>} : memref<128xi32, #tpu.memory_space<vmem>>, vector<16xi32>,
    %get3A_47 = arith.constant 0 : i32
    %get3A_48 = arith.constant 0 : i32
    %get3A_49 = tpu.memref_slice %arg8[%get3A_47, %get3A_48] : memref<4x128xi32, #tpu.memory_space<vmem>> -> memref<1x128xi32, #tpu.memory_space<vmem>>
    %get3A_50 = tpu.memref_squeeze %get3A_49 : memref<1x128xi32, #tpu.memory_space<vmem>> -> memref<128xi32, #tpu.memory_space<vmem>>
    %get3A_51 = arith.constant 32 : index
    %get3A_52 = tpu.vector_load %get3A_50[%get3A_51] {strides = array<i32>} : memref<128xi32, #tpu.memory_space<vmem>>, vector<16xi32>,
    %get3A_53 = vector.shape_cast %get3A_52 : vector<16xi32> to vector<16xi32>
    %shift_right_arithmetic3A_54 = arith.constant 9 : i32
    %shift_right_arithmetic3A_55 = vector.broadcast %shift_right_arithmetic3A_54 : i32 to vector<16xi32>
    %shift_right_arithmetic3A_56 = arith.shrsi %get3A_53, %shift_right_arithmetic3A_55 : vector<16xi32>
    %shift_left3A_57 = arith.constant 7 : i32
    %shift_left3A_58 = vector.broadcast %shift_left3A_57 : i32 to vector<16xi32>
    %shift_left3A_59 = arith.shli %shift_right_arithmetic3A_56, %shift_left3A_58 : vector<16xi32>
    %and3A_60 = arith.constant 127 : i32
    %and3A_61 = vector.broadcast %and3A_60 : i32 to vector<16xi32>
    %and3A_62 = arith.andi %get3A_53, %and3A_61 : vector<16xi32>
    %or3A_63 = arith.ori %shift_left3A_59, %and3A_62 : vector<16xi32>
    %swap3A_64 = arith.constant 0 : i32
    %swap3A_65 = arith.constant 0 : i32
    %swap3A_66 = tpu.memref_slice %arg9[%swap3A_64, %swap3A_65] : memref<4x128xi32, #tpu.memory_space<vmem>> -> memref<1x128xi32, #tpu.memory_space<vmem>>
    %swap3A_67 = tpu.memref_squeeze %swap3A_66 : memref<1x128xi32, #tpu.memory_space<vmem>> -> memref<128xi32, #tpu.memory_space<vmem>>
    %swap3A_68 = arith.constant 32 : index
    %swap3A_69 = tpu.vector_load %swap3A_67[%swap3A_68] {strides = array<i32>} : memref<128xi32, #tpu.memory_space<vmem>>, vector<16xi32>,
    %swap3A_70 = vector.shape_cast %swap3A_69 : vector<16xi32> to vector<16xi32>
    %swap3A_71 = vector.shape_cast %or3A_63 : vector<16xi32> to vector<16xi32>
    tpu.vector_store %swap3A_67[%swap3A_68], %swap3A_71 {strides = array<i32>} : memref<128xi32, #tpu.memory_space<vmem>>, vector<16xi32>,
    %get3A_72 = arith.constant 0 : i32
    %get3A_73 = arith.constant 0 : i32
    %get3A_74 = tpu.memref_slice %arg8[%get3A_72, %get3A_73] : memref<4x128xi32, #tpu.memory_space<vmem>> -> memref<1x128xi32, #tpu.memory_space<vmem>>
    %get3A_75 = tpu.memref_squeeze %get3A_74 : memref<1x128xi32, #tpu.memory_space<vmem>> -> memref<128xi32, #tpu.memory_space<vmem>>
    %get3A_76 = arith.constant 48 : index
    %get3A_77 = tpu.vector_load %get3A_75[%get3A_76] {strides = array<i32>} : memref<128xi32, #tpu.memory_space<vmem>>, vector<16xi32>,
    %get3A_78 = vector.shape_cast %get3A_77 : vector<16xi32> to vector<16xi32>
    %shift_right_arithmetic3A_79 = arith.constant 9 : i32
    %shift_right_arithmetic3A_80 = vector.broadcast %shift_right_arithmetic3A_79 : i32 to vector<16xi32>
    %shift_right_arithmetic3A_81 = arith.shrsi %get3A_78, %shift_right_arithmetic3A_80 : vector<16xi32>
    %shift_left3A_82 = arith.constant 7 : i32
    %shift_left3A_83 = vector.broadcast %shift_left3A_82 : i32 to vector<16xi32>
    %shift_left3A_84 = arith.shli %shift_right_arithmetic3A_81, %shift_left3A_83 : vector<16xi32>
    %and3A_85 = arith.constant 127 : i32
    %and3A_86 = vector.broadcast %and3A_85 : i32 to vector<16xi32>
    %and3A_87 = arith.andi %get3A_78, %and3A_86 : vector<16xi32>
    %or3A_88 = arith.ori %shift_left3A_84, %and3A_87 : vector<16xi32>
    %swap3A_89 = arith.constant 0 : i32
    %swap3A_90 = arith.constant 0 : i32
    %swap3A_91 = tpu.memref_slice %arg9[%swap3A_89, %swap3A_90] : memref<4x128xi32, #tpu.memory_space<vmem>> -> memref<1x128xi32, #tpu.memory_space<vmem>>
    %swap3A_92 = tpu.memref_squeeze %swap3A_91 : memref<1x128xi32, #tpu.memory_space<vmem>> -> memref<128xi32, #tpu.memory_space<vmem>>
    %swap3A_93 = arith.constant 48 : index
    %swap3A_94 = tpu.vector_load %swap3A_92[%swap3A_93] {strides = array<i32>} : memref<128xi32, #tpu.memory_space<vmem>>, vector<16xi32>,
    %swap3A_95 = vector.shape_cast %swap3A_94 : vector<16xi32> to vector<16xi32>
    %swap3A_96 = vector.shape_cast %or3A_88 : vector<16xi32> to vector<16xi32>
    tpu.vector_store %swap3A_92[%swap3A_93], %swap3A_96 {strides = array<i32>} : memref<128xi32, #tpu.memory_space<vmem>>, vector<16xi32>,
    %get3A_97 = arith.constant 0 : i32
    %get3A_98 = arith.constant 0 : i32
    %get3A_99 = tpu.memref_slice %arg8[%get3A_97, %get3A_98] : memref<4x128xi32, #tpu.memory_space<vmem>> -> memref<1x128xi32, #tpu.memory_space<vmem>>
    %get3A_100 = tpu.memref_squeeze %get3A_99 : memref<1x128xi32, #tpu.memory_space<vmem>> -> memref<128xi32, #tpu.memory_space<vmem>>
    %get3A_101 = arith.constant 64 : index
    %get3A_102 = tpu.vector_load %get3A_100[%get3A_101] {strides = array<i32>} : memref<128xi32, #tpu.memory_space<vmem>>, vector<16xi32>,
    %get3A_103 = vector.shape_cast %get3A_102 : vector<16xi32> to vector<16xi32>
    %shift_right_arithmetic3A_104 = arith.constant 9 : i32
    %shift_right_arithmetic3A_105 = vector.broadcast %shift_right_arithmetic3A_104 : i32 to vector<16xi32>
    %shift_right_arithmetic3A_106 = arith.shrsi %get3A_103, %shift_right_arithmetic3A_105 : vector<16xi32>
    %shift_left3A_107 = arith.constant 7 : i32
    %shift_left3A_108 = vector.broadcast %shift_left3A_107 : i32 to vector<16xi32>
    %shift_left3A_109 = arith.shli %shift_right_arithmetic3A_106, %shift_left3A_108 : vector<16xi32>
    %and3A_110 = arith.constant 127 : i32
    %and3A_111 = vector.broadcast %and3A_110 : i32 to vector<16xi32>
    %and3A_112 = arith.andi %get3A_103, %and3A_111 : vector<16xi32>
    %or3A_113 = arith.ori %shift_left3A_109, %and3A_112 : vector<16xi32>
    %swap3A_114 = arith.constant 0 : i32
    %swap3A_115 = arith.constant 0 : i32
    %swap3A_116 = tpu.memref_slice %arg9[%swap3A_114, %swap3A_115] : memref<4x128xi32, #tpu.memory_space<vmem>> -> memref<1x128xi32, #tpu.memory_space<vmem>>
    %swap3A_117 = tpu.memref_squeeze %swap3A_116 : memref<1x128xi32, #tpu.memory_space<vmem>> -> memref<128xi32, #tpu.memory_space<vmem>>
    %swap3A_118 = arith.constant 64 : index
    %swap3A_119 = tpu.vector_load %swap3A_117[%swap3A_118] {strides = array<i32>} : memref<128xi32, #tpu.memory_space<vmem>>, vector<16xi32>,
    %swap3A_120 = vector.shape_cast %swap3A_119 : vector<16xi32> to vector<16xi32>
    %swap3A_121 = vector.shape_cast %or3A_113 : vector<16xi32> to vector<16xi32>
    tpu.vector_store %swap3A_117[%swap3A_118], %swap3A_121 {strides = array<i32>} : memref<128xi32, #tpu.memory_space<vmem>>, vector<16xi32>,
    %get3A_122 = arith.constant 0 : i32
    %get3A_123 = arith.constant 0 : i32
    %get3A_124 = tpu.memref_slice %arg8[%get3A_122, %get3A_123] : memref<4x128xi32, #tpu.memory_space<vmem>> -> memref<1x128xi32, #tpu.memory_space<vmem>>
    %get3A_125 = tpu.memref_squeeze %get3A_124 : memref<1x128xi32, #tpu.memory_space<vmem>> -> memref<128xi32, #tpu.memory_space<vmem>>
    %get3A_126 = arith.constant 80 : index
    %get3A_127 = tpu.vector_load %get3A_125[%get3A_126] {strides = array<i32>} : memref<128xi32, #tpu.memory_space<vmem>>, vector<16xi32>,
    %get3A_128 = vector.shape_cast %get3A_127 : vector<16xi32> to vector<16xi32>
    %shift_right_arithmetic3A_129 = arith.constant 9 : i32
    %shift_right_arithmetic3A_130 = vector.broadcast %shift_right_arithmetic3A_129 : i32 to vector<16xi32>
    %shift_right_arithmetic3A_131 = arith.shrsi %get3A_128, %shift_right_arithmetic3A_130 : vector<16xi32>
    %shift_left3A_132 = arith.constant 7 : i32
    %shift_left3A_133 = vector.broadcast %shift_left3A_132 : i32 to vector<16xi32>
    %shift_left3A_134 = arith.shli %shift_right_arithmetic3A_131, %shift_left3A_133 : vector<16xi32>
    %and3A_135 = arith.constant 127 : i32
    %and3A_136 = vector.broadcast %and3A_135 : i32 to vector<16xi32>
    %and3A_137 = arith.andi %get3A_128, %and3A_136 : vector<16xi32>
    %or3A_138 = arith.ori %shift_left3A_134, %and3A_137 : vector<16xi32>
    %swap3A_139 = arith.constant 0 : i32
    %swap3A_140 = arith.constant 0 : i32
    %swap3A_141 = tpu.memref_slice %arg9[%swap3A_139, %swap3A_140] : memref<4x128xi32, #tpu.memory_space<vmem>> -> memref<1x128xi32, #tpu.memory_space<vmem>>
    %swap3A_142 = tpu.memref_squeeze %swap3A_141 : memref<1x128xi32, #tpu.memory_space<vmem>> -> memref<128xi32, #tpu.memory_space<vmem>>
    %swap3A_143 = arith.constant 80 : index
    %swap3A_144 = tpu.vector_load %swap3A_142[%swap3A_143] {strides = array<i32>} : memref<128xi32, #tpu.memory_space<vmem>>, vector<16xi32>,
    %swap3A_145 = vector.shape_cast %swap3A_144 : vector<16xi32> to vector<16xi32>
    %swap3A_146 = vector.shape_cast %or3A_138 : vector<16xi32> to vector<16xi32>
    tpu.vector_store %swap3A_142[%swap3A_143], %swap3A_146 {strides = array<i32>} : memref<128xi32, #tpu.memory_space<vmem>>, vector<16xi32>,
    %get3A_147 = arith.constant 0 : i32
    %get3A_148 = arith.constant 0 : i32
    %get3A_149 = tpu.memref_slice %arg8[%get3A_147, %get3A_148] : memref<4x128xi32, #tpu.memory_space<vmem>> -> memref<1x128xi32, #tpu.memory_space<vmem>>
    %get3A_150 = tpu.memref_squeeze %get3A_149 : memref<1x128xi32, #tpu.memory_space<vmem>> -> memref<128xi32, #tpu.memory_space<vmem>>
    %get3A_151 = arith.constant 96 : index
    %get3A_152 = tpu.vector_load %get3A_150[%get3A_151] {strides = array<i32>} : memref<128xi32, #tpu.memory_space<vmem>>, vector<16xi32>,
    %get3A_153 = vector.shape_cast %get3A_152 : vector<16xi32> to vector<16xi32>
    %shift_right_arithmetic3A_154 = arith.constant 9 : i32
    %shift_right_arithmetic3A_155 = vector.broadcast %shift_right_arithmetic3A_154 : i32 to vector<16xi32>
    %shift_right_arithmetic3A_156 = arith.shrsi %get3A_153, %shift_right_arithmetic3A_155 : vector<16xi32>
    %shift_left3A_157 = arith.constant 7 : i32
    %shift_left3A_158 = vector.broadcast %shift_left3A_157 : i32 to vector<16xi32>
    %shift_left3A_159 = arith.shli %shift_right_arithmetic3A_156, %shift_left3A_158 : vector<16xi32>
    %and3A_160 = arith.constant 127 : i32
    %and3A_161 = vector.broadcast %and3A_160 : i32 to vector<16xi32>
    %and3A_162 = arith.andi %get3A_153, %and3A_161 : vector<16xi32>
    %or3A_163 = arith.ori %shift_left3A_159, %and3A_162 : vector<16xi32>
    %swap3A_164 = arith.constant 0 : i32
    %swap3A_165 = arith.constant 0 : i32
    %swap3A_166 = tpu.memref_slice %arg9[%swap3A_164, %swap3A_165] : memref<4x128xi32, #tpu.memory_space<vmem>> -> memref<1x128xi32, #tpu.memory_space<vmem>>
    %swap3A_167 = tpu.memref_squeeze %swap3A_166 : memref<1x128xi32, #tpu.memory_space<vmem>> -> memref<128xi32, #tpu.memory_space<vmem>>
    %swap3A_168 = arith.constant 96 : index
    %swap3A_169 = tpu.vector_load %swap3A_167[%swap3A_168] {strides = array<i32>} : memref<128xi32, #tpu.memory_space<vmem>>, vector<16xi32>,
    %swap3A_170 = vector.shape_cast %swap3A_169 : vector<16xi32> to vector<16xi32>
    %swap3A_171 = vector.shape_cast %or3A_163 : vector<16xi32> to vector<16xi32>
    tpu.vector_store %swap3A_167[%swap3A_168], %swap3A_171 {strides = array<i32>} : memref<128xi32, #tpu.memory_space<vmem>>, vector<16xi32>,
    %get3A_172 = arith.constant 0 : i32
    %get3A_173 = arith.constant 0 : i32
    %get3A_174 = tpu.memref_slice %arg8[%get3A_172, %get3A_173] : memref<4x128xi32, #tpu.memory_space<vmem>> -> memref<1x128xi32, #tpu.memory_space<vmem>>
    %get3A_175 = tpu.memref_squeeze %get3A_174 : memref<1x128xi32, #tpu.memory_space<vmem>> -> memref<128xi32, #tpu.memory_space<vmem>>
    %get3A_176 = arith.constant 112 : index
    %get3A_177 = tpu.vector_load %get3A_175[%get3A_176] {strides = array<i32>} : memref<128xi32, #tpu.memory_space<vmem>>, vector<16xi32>,
    %get3A_178 = vector.shape_cast %get3A_177 : vector<16xi32> to vector<16xi32>
    %shift_right_arithmetic3A_179 = arith.constant 9 : i32
    %shift_right_arithmetic3A_180 = vector.broadcast %shift_right_arithmetic3A_179 : i32 to vector<16xi32>
    %shift_right_arithmetic3A_181 = arith.shrsi %get3A_178, %shift_right_arithmetic3A_180 : vector<16xi32>
    %shift_left3A_182 = arith.constant 7 : i32
    %shift_left3A_183 = vector.broadcast %shift_left3A_182 : i32 to vector<16xi32>
    %shift_left3A_184 = arith.shli %shift_right_arithmetic3A_181, %shift_left3A_183 : vector<16xi32>
    %and3A_185 = arith.constant 127 : i32
    %and3A_186 = vector.broadcast %and3A_185 : i32 to vector<16xi32>
    %and3A_187 = arith.andi %get3A_178, %and3A_186 : vector<16xi32>
    %or3A_188 = arith.ori %shift_left3A_184, %and3A_187 : vector<16xi32>
    %swap3A_189 = arith.constant 0 : i32
    %swap3A_190 = arith.constant 0 : i32
    %swap3A_191 = tpu.memref_slice %arg9[%swap3A_189, %swap3A_190] : memref<4x128xi32, #tpu.memory_space<vmem>> -> memref<1x128xi32, #tpu.memory_space<vmem>>
    %swap3A_192 = tpu.memref_squeeze %swap3A_191 : memref<1x128xi32, #tpu.memory_space<vmem>> -> memref<128xi32, #tpu.memory_space<vmem>>
    %swap3A_193 = arith.constant 112 : index
    %swap3A_194 = tpu.vector_load %swap3A_192[%swap3A_193] {strides = array<i32>} : memref<128xi32, #tpu.memory_space<vmem>>, vector<16xi32>,
    %swap3A_195 = vector.shape_cast %swap3A_194 : vector<16xi32> to vector<16xi32>
    %swap3A_196 = vector.shape_cast %or3A_188 : vector<16xi32> to vector<16xi32>
    tpu.vector_store %swap3A_192[%swap3A_193], %swap3A_196 {strides = array<i32>} : memref<128xi32, #tpu.memory_space<vmem>>, vector<16xi32>,
    %get3A_197 = arith.constant 1 : i32
    %get3A_198 = arith.constant 0 : i32
    %get3A_199 = tpu.memref_slice %arg8[%get3A_197, %get3A_198] : memref<4x128xi32, #tpu.memory_space<vmem>> -> memref<1x128xi32, #tpu.memory_space<vmem>>
    %get3A_200 = tpu.memref_squeeze %get3A_199 : memref<1x128xi32, #tpu.memory_space<vmem>> -> memref<128xi32, #tpu.memory_space<vmem>>
    %get3A_201 = arith.constant 0 : index
    %get3A_202 = tpu.vector_load %get3A_200[%get3A_201] {strides = array<i32>} : memref<128xi32, #tpu.memory_space<vmem>>, vector<16xi32>,
    %get3A_203 = vector.shape_cast %get3A_202 : vector<16xi32> to vector<16xi32>
    %shift_right_arithmetic3A_204 = arith.constant 9 : i32
    %shift_right_arithmetic3A_205 = vector.broadcast %shift_right_arithmetic3A_204 : i32 to vector<16xi32>
    %shift_right_arithmetic3A_206 = arith.shrsi %get3A_203, %shift_right_arithmetic3A_205 : vector<16xi32>
    %shift_left3A_207 = arith.constant 7 : i32
    %shift_left3A_208 = vector.broadcast %shift_left3A_207 : i32 to vector<16xi32>
    %shift_left3A_209 = arith.shli %shift_right_arithmetic3A_206, %shift_left3A_208 : vector<16xi32>
    %and3A_210 = arith.constant 127 : i32
    %and3A_211 = vector.broadcast %and3A_210 : i32 to vector<16xi32>
    %and3A_212 = arith.andi %get3A_203, %and3A_211 : vector<16xi32>
    %or3A_213 = arith.ori %shift_left3A_209, %and3A_212 : vector<16xi32>
    %swap3A_214 = arith.constant 1 : i32
    %swap3A_215 = arith.constant 0 : i32
    %swap3A_216 = tpu.memref_slice %arg9[%swap3A_214, %swap3A_215] : memref<4x128xi32, #tpu.memory_space<vmem>> -> memref<1x128xi32, #tpu.memory_space<vmem>>
    %swap3A_217 = tpu.memref_squeeze %swap3A_216 : memref<1x128xi32, #tpu.memory_space<vmem>> -> memref<128xi32, #tpu.memory_space<vmem>>
    %swap3A_218 = arith.constant 0 : index
    %swap3A_219 = tpu.vector_load %swap3A_217[%swap3A_218] {strides = array<i32>} : memref<128xi32, #tpu.memory_space<vmem>>, vector<16xi32>,
    %swap3A_220 = vector.shape_cast %swap3A_219 : vector<16xi32> to vector<16xi32>
    %swap3A_221 = vector.shape_cast %or3A_213 : vector<16xi32> to vector<16xi32>
    tpu.vector_store %swap3A_217[%swap3A_218], %swap3A_221 {strides = array<i32>} : memref<128xi32, #tpu.memory_space<vmem>>, vector<16xi32>,
    %get3A_222 = arith.constant 1 : i32
    %get3A_223 = arith.constant 0 : i32
    %get3A_224 = tpu.memref_slice %arg8[%get3A_222, %get3A_223] : memref<4x128xi32, #tpu.memory_space<vmem>> -> memref<1x128xi32, #tpu.memory_space<vmem>>
    %get3A_225 = tpu.memref_squeeze %get3A_224 : memref<1x128xi32, #tpu.memory_space<vmem>> -> memref<128xi32, #tpu.memory_space<vmem>>
    %get3A_226 = arith.constant 16 : index
    %get3A_227 = tpu.vector_load %get3A_225[%get3A_226] {strides = array<i32>} : memref<128xi32, #tpu.memory_space<vmem>>, vector<16xi32>,
    %get3A_228 = vector.shape_cast %get3A_227 : vector<16xi32> to vector<16xi32>
    %shift_right_arithmetic3A_229 = arith.constant 9 : i32
    %shift_right_arithmetic3A_230 = vector.broadcast %shift_right_arithmetic3A_229 : i32 to vector<16xi32>
    %shift_right_arithmetic3A_231 = arith.shrsi %get3A_228, %shift_right_arithmetic3A_230 : vector<16xi32>
    %shift_left3A_232 = arith.constant 7 : i32
    %shift_left3A_233 = vector.broadcast %shift_left3A_232 : i32 to vector<16xi32>
    %shift_left3A_234 = arith.shli %shift_right_arithmetic3A_231, %shift_left3A_233 : vector<16xi32>
    %and3A_235 = arith.constant 127 : i32
    %and3A_236 = vector.broadcast %and3A_235 : i32 to vector<16xi32>
    %and3A_237 = arith.andi %get3A_228, %and3A_236 : vector<16xi32>
    %or3A_238 = arith.ori %shift_left3A_234, %and3A_237 : vector<16xi32>
    %swap3A_239 = arith.constant 1 : i32
    %swap3A_240 = arith.constant 0 : i32
    %swap3A_241 = tpu.memref_slice %arg9[%swap3A_239, %swap3A_240] : memref<4x128xi32, #tpu.memory_space<vmem>> -> memref<1x128xi32, #tpu.memory_space<vmem>>
    %swap3A_242 = tpu.memref_squeeze %swap3A_241 : memref<1x128xi32, #tpu.memory_space<vmem>> -> memref<128xi32, #tpu.memory_space<vmem>>
    %swap3A_243 = arith.constant 16 : index
    %swap3A_244 = tpu.vector_load %swap3A_242[%swap3A_243] {strides = array<i32>} : memref<128xi32, #tpu.memory_space<vmem>>, vector<16xi32>,
    %swap3A_245 = vector.shape_cast %swap3A_244 : vector<16xi32> to vector<16xi32>
    %swap3A_246 = vector.shape_cast %or3A_238 : vector<16xi32> to vector<16xi32>
    tpu.vector_store %swap3A_242[%swap3A_243], %swap3A_246 {strides = array<i32>} : memref<128xi32, #tpu.memory_space<vmem>>, vector<16xi32>,
    %get3A_247 = arith.constant 1 : i32
    %get3A_248 = arith.constant 0 : i32
    %get3A_249 = tpu.memref_slice %arg8[%get3A_247, %get3A_248] : memref<4x128xi32, #tpu.memory_space<vmem>> -> memref<1x128xi32, #tpu.memory_space<vmem>>
    %get3A_250 = tpu.memref_squeeze %get3A_249 : memref<1x128xi32, #tpu.memory_space<vmem>> -> memref<128xi32, #tpu.memory_space<vmem>>
    %get3A_251 = arith.constant 32 : index
    %get3A_252 = tpu.vector_load %get3A_250[%get3A_251] {strides = array<i32>} : memref<128xi32, #tpu.memory_space<vmem>>, vector<16xi32>,
    %get3A_253 = vector.shape_cast %get3A_252 : vector<16xi32> to vector<16xi32>
    %shift_right_arithmetic3A_254 = arith.constant 9 : i32
    %shift_right_arithmetic3A_255 = vector.broadcast %shift_right_arithmetic3A_254 : i32 to vector<16xi32>
    %shift_right_arithmetic3A_256 = arith.shrsi %get3A_253, %shift_right_arithmetic3A_255 : vector<16xi32>
    %shift_left3A_257 = arith.constant 7 : i32
    %shift_left3A_258 = vector.broadcast %shift_left3A_257 : i32 to vector<16xi32>
    %shift_left3A_259 = arith.shli %shift_right_arithmetic3A_256, %shift_left3A_258 : vector<16xi32>
    %and3A_260 = arith.constant 127 : i32
    %and3A_261 = vector.broadcast %and3A_260 : i32 to vector<16xi32>
    %and3A_262 = arith.andi %get3A_253, %and3A_261 : vector<16xi32>
    %or3A_263 = arith.ori %shift_left3A_259, %and3A_262 : vector<16xi32>
    %swap3A_264 = arith.constant 1 : i32
    %swap3A_265 = arith.constant 0 : i32
    %swap3A_266 = tpu.memref_slice %arg9[%swap3A_264, %swap3A_265] : memref<4x128xi32, #tpu.memory_space<vmem>> -> memref<1x128xi32, #tpu.memory_space<vmem>>
    %swap3A_267 = tpu.memref_squeeze %swap3A_266 : memref<1x128xi32, #tpu.memory_space<vmem>> -> memref<128xi32, #tpu.memory_space<vmem>>
    %swap3A_268 = arith.constant 32 : index
    %swap3A_269 = tpu.vector_load %swap3A_267[%swap3A_268] {strides = array<i32>} : memref<128xi32, #tpu.memory_space<vmem>>, vector<16xi32>,
    %swap3A_270 = vector.shape_cast %swap3A_269 : vector<16xi32> to vector<16xi32>
    %swap3A_271 = vector.shape_cast %or3A_263 : vector<16xi32> to vector<16xi32>
    tpu.vector_store %swap3A_267[%swap3A_268], %swap3A_271 {strides = array<i32>} : memref<128xi32, #tpu.memory_space<vmem>>, vector<16xi32>,
    %get3A_272 = arith.constant 1 : i32
    %get3A_273 = arith.constant 0 : i32
    %get3A_274 = tpu.memref_slice %arg8[%get3A_272, %get3A_273] : memref<4x128xi32, #tpu.memory_space<vmem>> -> memref<1x128xi32, #tpu.memory_space<vmem>>
    %get3A_275 = tpu.memref_squeeze %get3A_274 : memref<1x128xi32, #tpu.memory_space<vmem>> -> memref<128xi32, #tpu.memory_space<vmem>>
    %get3A_276 = arith.constant 48 : index
    %get3A_277 = tpu.vector_load %get3A_275[%get3A_276] {strides = array<i32>} : memref<128xi32, #tpu.memory_space<vmem>>, vector<16xi32>,
    %get3A_278 = vector.shape_cast %get3A_277 : vector<16xi32> to vector<16xi32>
    %shift_right_arithmetic3A_279 = arith.constant 9 : i32
    %shift_right_arithmetic3A_280 = vector.broadcast %shift_right_arithmetic3A_279 : i32 to vector<16xi32>
    %shift_right_arithmetic3A_281 = arith.shrsi %get3A_278, %shift_right_arithmetic3A_280 : vector<16xi32>
    %shift_left3A_282 = arith.constant 7 : i32
    %shift_left3A_283 = vector.broadcast %shift_left3A_282 : i32 to vector<16xi32>
    %shift_left3A_284 = arith.shli %shift_right_arithmetic3A_281, %shift_left3A_283 : vector<16xi32>
    %and3A_285 = arith.constant 127 : i32
    %and3A_286 = vector.broadcast %and3A_285 : i32 to vector<16xi32>
    %and3A_287 = arith.andi %get3A_278, %and3A_286 : vector<16xi32>
    %or3A_288 = arith.ori %shift_left3A_284, %and3A_287 : vector<16xi32>
    %swap3A_289 = arith.constant 1 : i32
    %swap3A_290 = arith.constant 0 : i32
    %swap3A_291 = tpu.memref_slice %arg9[%swap3A_289, %swap3A_290] : memref<4x128xi32, #tpu.memory_space<vmem>> -> memref<1x128xi32, #tpu.memory_space<vmem>>
    %swap3A_292 = tpu.memref_squeeze %swap3A_291 : memref<1x128xi32, #tpu.memory_space<vmem>> -> memref<128xi32, #tpu.memory_space<vmem>>
    %swap3A_293 = arith.constant 48 : index
    %swap3A_294 = tpu.vector_load %swap3A_292[%swap3A_293] {strides = array<i32>} : memref<128xi32, #tpu.memory_space<vmem>>, vector<16xi32>,
    %swap3A_295 = vector.shape_cast %swap3A_294 : vector<16xi32> to vector<16xi32>
    %swap3A_296 = vector.shape_cast %or3A_288 : vector<16xi32> to vector<16xi32>
    tpu.vector_store %swap3A_292[%swap3A_293], %swap3A_296 {strides = array<i32>} : memref<128xi32, #tpu.memory_space<vmem>>, vector<16xi32>,
    %get3A_297 = arith.constant 1 : i32
    %get3A_298 = arith.constant 0 : i32
    %get3A_299 = tpu.memref_slice %arg8[%get3A_297, %get3A_298] : memref<4x128xi32, #tpu.memory_space<vmem>> -> memref<1x128xi32, #tpu.memory_space<vmem>>
    %get3A_300 = tpu.memref_squeeze %get3A_299 : memref<1x128xi32, #tpu.memory_space<vmem>> -> memref<128xi32, #tpu.memory_space<vmem>>
    %get3A_301 = arith.constant 64 : index
    %get3A_302 = tpu.vector_load %get3A_300[%get3A_301] {strides = array<i32>} : memref<128xi32, #tpu.memory_space<vmem>>, vector<16xi32>,
    %get3A_303 = vector.shape_cast %get3A_302 : vector<16xi32> to vector<16xi32>
    %shift_right_arithmetic3A_304 = arith.constant 9 : i32
    %shift_right_arithmetic3A_305 = vector.broadcast %shift_right_arithmetic3A_304 : i32 to vector<16xi32>
    %shift_right_arithmetic3A_306 = arith.shrsi %get3A_303, %shift_right_arithmetic3A_305 : vector<16xi32>
    %shift_left3A_307 = arith.constant 7 : i32
    %shift_left3A_308 = vector.broadcast %shift_left3A_307 : i32 to vector<16xi32>
    %shift_left3A_309 = arith.shli %shift_right_arithmetic3A_306, %shift_left3A_308 : vector<16xi32>
    %and3A_310 = arith.constant 127 : i32
    %and3A_311 = vector.broadcast %and3A_310 : i32 to vector<16xi32>
    %and3A_312 = arith.andi %get3A_303, %and3A_311 : vector<16xi32>
    %or3A_313 = arith.ori %shift_left3A_309, %and3A_312 : vector<16xi32>
    %swap3A_314 = arith.constant 1 : i32
    %swap3A_315 = arith.constant 0 : i32
    %swap3A_316 = tpu.memref_slice %arg9[%swap3A_314, %swap3A_315] : memref<4x128xi32, #tpu.memory_space<vmem>> -> memref<1x128xi32, #tpu.memory_space<vmem>>
    %swap3A_317 = tpu.memref_squeeze %swap3A_316 : memref<1x128xi32, #tpu.memory_space<vmem>> -> memref<128xi32, #tpu.memory_space<vmem>>
    %swap3A_318 = arith.constant 64 : index
    %swap3A_319 = tpu.vector_load %swap3A_317[%swap3A_318] {strides = array<i32>} : memref<128xi32, #tpu.memory_space<vmem>>, vector<16xi32>,
    %swap3A_320 = vector.shape_cast %swap3A_319 : vector<16xi32> to vector<16xi32>
    %swap3A_321 = vector.shape_cast %or3A_313 : vector<16xi32> to vector<16xi32>
    tpu.vector_store %swap3A_317[%swap3A_318], %swap3A_321 {strides = array<i32>} : memref<128xi32, #tpu.memory_space<vmem>>, vector<16xi32>,
    %get3A_322 = arith.constant 1 : i32
    %get3A_323 = arith.constant 0 : i32
    %get3A_324 = tpu.memref_slice %arg8[%get3A_322, %get3A_323] : memref<4x128xi32, #tpu.memory_space<vmem>> -> memref<1x128xi32, #tpu.memory_space<vmem>>
    %get3A_325 = tpu.memref_squeeze %get3A_324 : memref<1x128xi32, #tpu.memory_space<vmem>> -> memref<128xi32, #tpu.memory_space<vmem>>
    %get3A_326 = arith.constant 80 : index
    %get3A_327 = tpu.vector_load %get3A_325[%get3A_326] {strides = array<i32>} : memref<128xi32, #tpu.memory_space<vmem>>, vector<16xi32>,
    %get3A_328 = vector.shape_cast %get3A_327 : vector<16xi32> to vector<16xi32>
    %shift_right_arithmetic3A_329 = arith.constant 9 : i32
    %shift_right_arithmetic3A_330 = vector.broadcast %shift_right_arithmetic3A_329 : i32 to vector<16xi32>
    %shift_right_arithmetic3A_331 = arith.shrsi %get3A_328, %shift_right_arithmetic3A_330 : vector<16xi32>
    %shift_left3A_332 = arith.constant 7 : i32
    %shift_left3A_333 = vector.broadcast %shift_left3A_332 : i32 to vector<16xi32>
    %shift_left3A_334 = arith.shli %shift_right_arithmetic3A_331, %shift_left3A_333 : vector<16xi32>
    %and3A_335 = arith.constant 127 : i32
    %and3A_336 = vector.broadcast %and3A_335 : i32 to vector<16xi32>
    %and3A_337 = arith.andi %get3A_328, %and3A_336 : vector<16xi32>
    %or3A_338 = arith.ori %shift_left3A_334, %and3A_337 : vector<16xi32>
    %swap3A_339 = arith.constant 1 : i32
    %swap3A_340 = arith.constant 0 : i32
    %swap3A_341 = tpu.memref_slice %arg9[%swap3A_339, %swap3A_340] : memref<4x128xi32, #tpu.memory_space<vmem>> -> memref<1x128xi32, #tpu.memory_space<vmem>>
    %swap3A_342 = tpu.memref_squeeze %swap3A_341 : memref<1x128xi32, #tpu.memory_space<vmem>> -> memref<128xi32, #tpu.memory_space<vmem>>
    %swap3A_343 = arith.constant 80 : index
    %swap3A_344 = tpu.vector_load %swap3A_342[%swap3A_343] {strides = array<i32>} : memref<128xi32, #tpu.memory_space<vmem>>, vector<16xi32>,
    %swap3A_345 = vector.shape_cast %swap3A_344 : vector<16xi32> to vector<16xi32>
    %swap3A_346 = vector.shape_cast %or3A_338 : vector<16xi32> to vector<16xi32>
    tpu.vector_store %swap3A_342[%swap3A_343], %swap3A_346 {strides = array<i32>} : memref<128xi32, #tpu.memory_space<vmem>>, vector<16xi32>,
    %get3A_347 = arith.constant 1 : i32
    %get3A_348 = arith.constant 0 : i32
    %get3A_349 = tpu.memref_slice %arg8[%get3A_347, %get3A_348] : memref<4x128xi32, #tpu.memory_space<vmem>> -> memref<1x128xi32, #tpu.memory_space<vmem>>
    %get3A_350 = tpu.memref_squeeze %get3A_349 : memref<1x128xi32, #tpu.memory_space<vmem>> -> memref<128xi32, #tpu.memory_space<vmem>>
    %get3A_351 = arith.constant 96 : index
    %get3A_352 = tpu.vector_load %get3A_350[%get3A_351] {strides = array<i32>} : memref<128xi32, #tpu.memory_space<vmem>>, vector<16xi32>,
    %get3A_353 = vector.shape_cast %get3A_352 : vector<16xi32> to vector<16xi32>
    %shift_right_arithmetic3A_354 = arith.constant 9 : i32
    %shift_right_arithmetic3A_355 = vector.broadcast %shift_right_arithmetic3A_354 : i32 to vector<16xi32>
    %shift_right_arithmetic3A_356 = arith.shrsi %get3A_353, %shift_right_arithmetic3A_355 : vector<16xi32>
    %shift_left3A_357 = arith.constant 7 : i32
    %shift_left3A_358 = vector.broadcast %shift_left3A_357 : i32 to vector<16xi32>
    %shift_left3A_359 = arith.shli %shift_right_arithmetic3A_356, %shift_left3A_358 : vector<16xi32>
    %and3A_360 = arith.constant 127 : i32
    %and3A_361 = vector.broadcast %and3A_360 : i32 to vector<16xi32>
    %and3A_362 = arith.andi %get3A_353, %and3A_361 : vector<16xi32>
    %or3A_363 = arith.ori %shift_left3A_359, %and3A_362 : vector<16xi32>
    %swap3A_364 = arith.constant 1 : i32
    %swap3A_365 = arith.constant 0 : i32
    %swap3A_366 = tpu.memref_slice %arg9[%swap3A_364, %swap3A_365] : memref<4x128xi32, #tpu.memory_space<vmem>> -> memref<1x128xi32, #tpu.memory_space<vmem>>
    %swap3A_367 = tpu.memref_squeeze %swap3A_366 : memref<1x128xi32, #tpu.memory_space<vmem>> -> memref<128xi32, #tpu.memory_space<vmem>>
    %swap3A_368 = arith.constant 96 : index
    %swap3A_369 = tpu.vector_load %swap3A_367[%swap3A_368] {strides = array<i32>} : memref<128xi32, #tpu.memory_space<vmem>>, vector<16xi32>,
    %swap3A_370 = vector.shape_cast %swap3A_369 : vector<16xi32> to vector<16xi32>
    %swap3A_371 = vector.shape_cast %or3A_363 : vector<16xi32> to vector<16xi32>
    tpu.vector_store %swap3A_367[%swap3A_368], %swap3A_371 {strides = array<i32>} : memref<128xi32, #tpu.memory_space<vmem>>, vector<16xi32>,
    %get3A_372 = arith.constant 1 : i32
    %get3A_373 = arith.constant 0 : i32
    %get3A_374 = tpu.memref_slice %arg8[%get3A_372, %get3A_373] : memref<4x128xi32, #tpu.memory_space<vmem>> -> memref<1x128xi32, #tpu.memory_space<vmem>>
    %get3A_375 = tpu.memref_squeeze %get3A_374 : memref<1x128xi32, #tpu.memory_space<vmem>> -> memref<128xi32, #tpu.memory_space<vmem>>
    %get3A_376 = arith.constant 112 : index
    %get3A_377 = tpu.vector_load %get3A_375[%get3A_376] {strides = array<i32>} : memref<128xi32, #tpu.memory_space<vmem>>, vector<16xi32>,
    %get3A_378 = vector.shape_cast %get3A_377 : vector<16xi32> to vector<16xi32>
    %shift_right_arithmetic3A_379 = arith.constant 9 : i32
    %shift_right_arithmetic3A_380 = vector.broadcast %shift_right_arithmetic3A_379 : i32 to vector<16xi32>
    %shift_right_arithmetic3A_381 = arith.shrsi %get3A_378, %shift_right_arithmetic3A_380 : vector<16xi32>
    %shift_left3A_382 = arith.constant 7 : i32
    %shift_left3A_383 = vector.broadcast %shift_left3A_382 : i32 to vector<16xi32>
    %shift_left3A_384 = arith.shli %shift_right_arithmetic3A_381, %shift_left3A_383 : vector<16xi32>
    %and3A_385 = arith.constant 127 : i32
    %and3A_386 = vector.broadcast %and3A_385 : i32 to vector<16xi32>
    %and3A_387 = arith.andi %get3A_378, %and3A_386 : vector<16xi32>
    %or3A_388 = arith.ori %shift_left3A_384, %and3A_387 : vector<16xi32>
    %swap3A_389 = arith.constant 1 : i32
    %swap3A_390 = arith.constant 0 : i32
    %swap3A_391 = tpu.memref_slice %arg9[%swap3A_389, %swap3A_390] : memref<4x128xi32, #tpu.memory_space<vmem>> -> memref<1x128xi32, #tpu.memory_space<vmem>>
    %swap3A_392 = tpu.memref_squeeze %swap3A_391 : memref<1x128xi32, #tpu.memory_space<vmem>> -> memref<128xi32, #tpu.memory_space<vmem>>
    %swap3A_393 = arith.constant 112 : index
    %swap3A_394 = tpu.vector_load %swap3A_392[%swap3A_393] {strides = array<i32>} : memref<128xi32, #tpu.memory_space<vmem>>, vector<16xi32>,
    %swap3A_395 = vector.shape_cast %swap3A_394 : vector<16xi32> to vector<16xi32>
    %swap3A_396 = vector.shape_cast %or3A_388 : vector<16xi32> to vector<16xi32>
    tpu.vector_store %swap3A_392[%swap3A_393], %swap3A_396 {strides = array<i32>} : memref<128xi32, #tpu.memory_space<vmem>>, vector<16xi32>,
    %get3A_397 = arith.constant 2 : i32
    %get3A_398 = arith.constant 0 : i32
    %get3A_399 = tpu.memref_slice %arg8[%get3A_397, %get3A_398] : memref<4x128xi32, #tpu.memory_space<vmem>> -> memref<1x128xi32, #tpu.memory_space<vmem>>
    %get3A_400 = tpu.memref_squeeze %get3A_399 : memref<1x128xi32, #tpu.memory_space<vmem>> -> memref<128xi32, #tpu.memory_space<vmem>>
    %get3A_401 = arith.constant 0 : index
    %get3A_402 = tpu.vector_load %get3A_400[%get3A_401] {strides = array<i32>} : memref<128xi32, #tpu.memory_space<vmem>>, vector<16xi32>,
    %get3A_403 = vector.shape_cast %get3A_402 : vector<16xi32> to vector<16xi32>
    %shift_right_arithmetic3A_404 = arith.constant 9 : i32
    %shift_right_arithmetic3A_405 = vector.broadcast %shift_right_arithmetic3A_404 : i32 to vector<16xi32>
    %shift_right_arithmetic3A_406 = arith.shrsi %get3A_403, %shift_right_arithmetic3A_405 : vector<16xi32>
    %shift_left3A_407 = arith.constant 7 : i32
    %shift_left3A_408 = vector.broadcast %shift_left3A_407 : i32 to vector<16xi32>
    %shift_left3A_409 = arith.shli %shift_right_arithmetic3A_406, %shift_left3A_408 : vector<16xi32>
    %and3A_410 = arith.constant 127 : i32
    %and3A_411 = vector.broadcast %and3A_410 : i32 to vector<16xi32>
    %and3A_412 = arith.andi %get3A_403, %and3A_411 : vector<16xi32>
    %or3A_413 = arith.ori %shift_left3A_409, %and3A_412 : vector<16xi32>
    %swap3A_414 = arith.constant 2 : i32
    %swap3A_415 = arith.constant 0 : i32
    %swap3A_416 = tpu.memref_slice %arg9[%swap3A_414, %swap3A_415] : memref<4x128xi32, #tpu.memory_space<vmem>> -> memref<1x128xi32, #tpu.memory_space<vmem>>
    %swap3A_417 = tpu.memref_squeeze %swap3A_416 : memref<1x128xi32, #tpu.memory_space<vmem>> -> memref<128xi32, #tpu.memory_space<vmem>>
    %swap3A_418 = arith.constant 0 : index
    %swap3A_419 = tpu.vector_load %swap3A_417[%swap3A_418] {strides = array<i32>} : memref<128xi32, #tpu.memory_space<vmem>>, vector<16xi32>,
    %swap3A_420 = vector.shape_cast %swap3A_419 : vector<16xi32> to vector<16xi32>
    %swap3A_421 = vector.shape_cast %or3A_413 : vector<16xi32> to vector<16xi32>
    tpu.vector_store %swap3A_417[%swap3A_418], %swap3A_421 {strides = array<i32>} : memref<128xi32, #tpu.memory_space<vmem>>, vector<16xi32>,
    %get3A_422 = arith.constant 2 : i32
    %get3A_423 = arith.constant 0 : i32
    %get3A_424 = tpu.memref_slice %arg8[%get3A_422, %get3A_423] : memref<4x128xi32, #tpu.memory_space<vmem>> -> memref<1x128xi32, #tpu.memory_space<vmem>>
    %get3A_425 = tpu.memref_squeeze %get3A_424 : memref<1x128xi32, #tpu.memory_space<vmem>> -> memref<128xi32, #tpu.memory_space<vmem>>
    %get3A_426 = arith.constant 16 : index
    %get3A_427 = tpu.vector_load %get3A_425[%get3A_426] {strides = array<i32>} : memref<128xi32, #tpu.memory_space<vmem>>, vector<16xi32>,
    %get3A_428 = vector.shape_cast %get3A_427 : vector<16xi32> to vector<16xi32>
    %shift_right_arithmetic3A_429 = arith.constant 9 : i32
    %shift_right_arithmetic3A_430 = vector.broadcast %shift_right_arithmetic3A_429 : i32 to vector<16xi32>
    %shift_right_arithmetic3A_431 = arith.shrsi %get3A_428, %shift_right_arithmetic3A_430 : vector<16xi32>
    %shift_left3A_432 = arith.constant 7 : i32
    %shift_left3A_433 = vector.broadcast %shift_left3A_432 : i32 to vector<16xi32>
    %shift_left3A_434 = arith.shli %shift_right_arithmetic3A_431, %shift_left3A_433 : vector<16xi32>
    %and3A_435 = arith.constant 127 : i32
    %and3A_436 = vector.broadcast %and3A_435 : i32 to vector<16xi32>
    %and3A_437 = arith.andi %get3A_428, %and3A_436 : vector<16xi32>
    %or3A_438 = arith.ori %shift_left3A_434, %and3A_437 : vector<16xi32>
    %swap3A_439 = arith.constant 2 : i32
    %swap3A_440 = arith.constant 0 : i32
    %swap3A_441 = tpu.memref_slice %arg9[%swap3A_439, %swap3A_440] : memref<4x128xi32, #tpu.memory_space<vmem>> -> memref<1x128xi32, #tpu.memory_space<vmem>>
    %swap3A_442 = tpu.memref_squeeze %swap3A_441 : memref<1x128xi32, #tpu.memory_space<vmem>> -> memref<128xi32, #tpu.memory_space<vmem>>
    %swap3A_443 = arith.constant 16 : index
    %swap3A_444 = tpu.vector_load %swap3A_442[%swap3A_443] {strides = array<i32>} : memref<128xi32, #tpu.memory_space<vmem>>, vector<16xi32>,
    %swap3A_445 = vector.shape_cast %swap3A_444 : vector<16xi32> to vector<16xi32>
    %swap3A_446 = vector.shape_cast %or3A_438 : vector<16xi32> to vector<16xi32>
    tpu.vector_store %swap3A_442[%swap3A_443], %swap3A_446 {strides = array<i32>} : memref<128xi32, #tpu.memory_space<vmem>>, vector<16xi32>,
    %get3A_447 = arith.constant 2 : i32
    %get3A_448 = arith.constant 0 : i32
    %get3A_449 = tpu.memref_slice %arg8[%get3A_447, %get3A_448] : memref<4x128xi32, #tpu.memory_space<vmem>> -> memref<1x128xi32, #tpu.memory_space<vmem>>
    %get3A_450 = tpu.memref_squeeze %get3A_449 : memref<1x128xi32, #tpu.memory_space<vmem>> -> memref<128xi32, #tpu.memory_space<vmem>>
    %get3A_451 = arith.constant 32 : index
    %get3A_452 = tpu.vector_load %get3A_450[%get3A_451] {strides = array<i32>} : memref<128xi32, #tpu.memory_space<vmem>>, vector<16xi32>,
    %get3A_453 = vector.shape_cast %get3A_452 : vector<16xi32> to vector<16xi32>
    %shift_right_arithmetic3A_454 = arith.constant 9 : i32
    %shift_right_arithmetic3A_455 = vector.broadcast %shift_right_arithmetic3A_454 : i32 to vector<16xi32>
    %shift_right_arithmetic3A_456 = arith.shrsi %get3A_453, %shift_right_arithmetic3A_455 : vector<16xi32>
    %shift_left3A_457 = arith.constant 7 : i32
    %shift_left3A_458 = vector.broadcast %shift_left3A_457 : i32 to vector<16xi32>
    %shift_left3A_459 = arith.shli %shift_right_arithmetic3A_456, %shift_left3A_458 : vector<16xi32>
    %and3A_460 = arith.constant 127 : i32
    %and3A_461 = vector.broadcast %and3A_460 : i32 to vector<16xi32>
    %and3A_462 = arith.andi %get3A_453, %and3A_461 : vector<16xi32>
    %or3A_463 = arith.ori %shift_left3A_459, %and3A_462 : vector<16xi32>
    %swap3A_464 = arith.constant 2 : i32
    %swap3A_465 = arith.constant 0 : i32
    %swap3A_466 = tpu.memref_slice %arg9[%swap3A_464, %swap3A_465] : memref<4x128xi32, #tpu.memory_space<vmem>> -> memref<1x128xi32, #tpu.memory_space<vmem>>
    %swap3A_467 = tpu.memref_squeeze %swap3A_466 : memref<1x128xi32, #tpu.memory_space<vmem>> -> memref<128xi32, #tpu.memory_space<vmem>>
    %swap3A_468 = arith.constant 32 : index
    %swap3A_469 = tpu.vector_load %swap3A_467[%swap3A_468] {strides = array<i32>} : memref<128xi32, #tpu.memory_space<vmem>>, vector<16xi32>,
    %swap3A_470 = vector.shape_cast %swap3A_469 : vector<16xi32> to vector<16xi32>
    %swap3A_471 = vector.shape_cast %or3A_463 : vector<16xi32> to vector<16xi32>
    tpu.vector_store %swap3A_467[%swap3A_468], %swap3A_471 {strides = array<i32>} : memref<128xi32, #tpu.memory_space<vmem>>, vector<16xi32>,
    %get3A_472 = arith.constant 2 : i32
    %get3A_473 = arith.constant 0 : i32
    %get3A_474 = tpu.memref_slice %arg8[%get3A_472, %get3A_473] : memref<4x128xi32, #tpu.memory_space<vmem>> -> memref<1x128xi32, #tpu.memory_space<vmem>>
    %get3A_475 = tpu.memref_squeeze %get3A_474 : memref<1x128xi32, #tpu.memory_space<vmem>> -> memref<128xi32, #tpu.memory_space<vmem>>
    %get3A_476 = arith.constant 48 : index
    %get3A_477 = tpu.vector_load %get3A_475[%get3A_476] {strides = array<i32>} : memref<128xi32, #tpu.memory_space<vmem>>, vector<16xi32>,
    %get3A_478 = vector.shape_cast %get3A_477 : vector<16xi32> to vector<16xi32>
    %shift_right_arithmetic3A_479 = arith.constant 9 : i32
    %shift_right_arithmetic3A_480 = vector.broadcast %shift_right_arithmetic3A_479 : i32 to vector<16xi32>
    %shift_right_arithmetic3A_481 = arith.shrsi %get3A_478, %shift_right_arithmetic3A_480 : vector<16xi32>
    %shift_left3A_482 = arith.constant 7 : i32
    %shift_left3A_483 = vector.broadcast %shift_left3A_482 : i32 to vector<16xi32>
    %shift_left3A_484 = arith.shli %shift_right_arithmetic3A_481, %shift_left3A_483 : vector<16xi32>
    %and3A_485 = arith.constant 127 : i32
    %and3A_486 = vector.broadcast %and3A_485 : i32 to vector<16xi32>
    %and3A_487 = arith.andi %get3A_478, %and3A_486 : vector<16xi32>
    %or3A_488 = arith.ori %shift_left3A_484, %and3A_487 : vector<16xi32>
    %swap3A_489 = arith.constant 2 : i32
    %swap3A_490 = arith.constant 0 : i32
    %swap3A_491 = tpu.memref_slice %arg9[%swap3A_489, %swap3A_490] : memref<4x128xi32, #tpu.memory_space<vmem>> -> memref<1x128xi32, #tpu.memory_space<vmem>>
    %swap3A_492 = tpu.memref_squeeze %swap3A_491 : memref<1x128xi32, #tpu.memory_space<vmem>> -> memref<128xi32, #tpu.memory_space<vmem>>
    %swap3A_493 = arith.constant 48 : index
    %swap3A_494 = tpu.vector_load %swap3A_492[%swap3A_493] {strides = array<i32>} : memref<128xi32, #tpu.memory_space<vmem>>, vector<16xi32>,
    %swap3A_495 = vector.shape_cast %swap3A_494 : vector<16xi32> to vector<16xi32>
    %swap3A_496 = vector.shape_cast %or3A_488 : vector<16xi32> to vector<16xi32>
    tpu.vector_store %swap3A_492[%swap3A_493], %swap3A_496 {strides = array<i32>} : memref<128xi32, #tpu.memory_space<vmem>>, vector<16xi32>,
    %get3A_497 = arith.constant 2 : i32
    %get3A_498 = arith.constant 0 : i32
    %get3A_499 = tpu.memref_slice %arg8[%get3A_497, %get3A_498] : memref<4x128xi32, #tpu.memory_space<vmem>> -> memref<1x128xi32, #tpu.memory_space<vmem>>
    %get3A_500 = tpu.memref_squeeze %get3A_499 : memref<1x128xi32, #tpu.memory_space<vmem>> -> memref<128xi32, #tpu.memory_space<vmem>>
    %get3A_501 = arith.constant 64 : index
    %get3A_502 = tpu.vector_load %get3A_500[%get3A_501] {strides = array<i32>} : memref<128xi32, #tpu.memory_space<vmem>>, vector<16xi32>,
    %get3A_503 = vector.shape_cast %get3A_502 : vector<16xi32> to vector<16xi32>
    %shift_right_arithmetic3A_504 = arith.constant 9 : i32
    %shift_right_arithmetic3A_505 = vector.broadcast %shift_right_arithmetic3A_504 : i32 to vector<16xi32>
    %shift_right_arithmetic3A_506 = arith.shrsi %get3A_503, %shift_right_arithmetic3A_505 : vector<16xi32>
    %shift_left3A_507 = arith.constant 7 : i32
    %shift_left3A_508 = vector.broadcast %shift_left3A_507 : i32 to vector<16xi32>
    %shift_left3A_509 = arith.shli %shift_right_arithmetic3A_506, %shift_left3A_508 : vector<16xi32>
    %and3A_510 = arith.constant 127 : i32
    %and3A_511 = vector.broadcast %and3A_510 : i32 to vector<16xi32>
    %and3A_512 = arith.andi %get3A_503, %and3A_511 : vector<16xi32>
    %or3A_513 = arith.ori %shift_left3A_509, %and3A_512 : vector<16xi32>
    %swap3A_514 = arith.constant 2 : i32
    %swap3A_515 = arith.constant 0 : i32
    %swap3A_516 = tpu.memref_slice %arg9[%swap3A_514, %swap3A_515] : memref<4x128xi32, #tpu.memory_space<vmem>> -> memref<1x128xi32, #tpu.memory_space<vmem>>
    %swap3A_517 = tpu.memref_squeeze %swap3A_516 : memref<1x128xi32, #tpu.memory_space<vmem>> -> memref<128xi32, #tpu.memory_space<vmem>>
    %swap3A_518 = arith.constant 64 : index
    %swap3A_519 = tpu.vector_load %swap3A_517[%swap3A_518] {strides = array<i32>} : memref<128xi32, #tpu.memory_space<vmem>>, vector<16xi32>,
    %swap3A_520 = vector.shape_cast %swap3A_519 : vector<16xi32> to vector<16xi32>
    %swap3A_521 = vector.shape_cast %or3A_513 : vector<16xi32> to vector<16xi32>
    tpu.vector_store %swap3A_517[%swap3A_518], %swap3A_521 {strides = array<i32>} : memref<128xi32, #tpu.memory_space<vmem>>, vector<16xi32>,
    %get3A_522 = arith.constant 2 : i32
    %get3A_523 = arith.constant 0 : i32
    %get3A_524 = tpu.memref_slice %arg8[%get3A_522, %get3A_523] : memref<4x128xi32, #tpu.memory_space<vmem>> -> memref<1x128xi32, #tpu.memory_space<vmem>>
    %get3A_525 = tpu.memref_squeeze %get3A_524 : memref<1x128xi32, #tpu.memory_space<vmem>> -> memref<128xi32, #tpu.memory_space<vmem>>
    %get3A_526 = arith.constant 80 : index
    %get3A_527 = tpu.vector_load %get3A_525[%get3A_526] {strides = array<i32>} : memref<128xi32, #tpu.memory_space<vmem>>, vector<16xi32>,
    %get3A_528 = vector.shape_cast %get3A_527 : vector<16xi32> to vector<16xi32>
    %shift_right_arithmetic3A_529 = arith.constant 9 : i32
    %shift_right_arithmetic3A_530 = vector.broadcast %shift_right_arithmetic3A_529 : i32 to vector<16xi32>
    %shift_right_arithmetic3A_531 = arith.shrsi %get3A_528, %shift_right_arithmetic3A_530 : vector<16xi32>
    %shift_left3A_532 = arith.constant 7 : i32
    %shift_left3A_533 = vector.broadcast %shift_left3A_532 : i32 to vector<16xi32>
    %shift_left3A_534 = arith.shli %shift_right_arithmetic3A_531, %shift_left3A_533 : vector<16xi32>
    %and3A_535 = arith.constant 127 : i32
    %and3A_536 = vector.broadcast %and3A_535 : i32 to vector<16xi32>
    %and3A_537 = arith.andi %get3A_528, %and3A_536 : vector<16xi32>
    %or3A_538 = arith.ori %shift_left3A_534, %and3A_537 : vector<16xi32>
    %swap3A_539 = arith.constant 2 : i32
    %swap3A_540 = arith.constant 0 : i32
    %swap3A_541 = tpu.memref_slice %arg9[%swap3A_539, %swap3A_540] : memref<4x128xi32, #tpu.memory_space<vmem>> -> memref<1x128xi32, #tpu.memory_space<vmem>>
    %swap3A_542 = tpu.memref_squeeze %swap3A_541 : memref<1x128xi32, #tpu.memory_space<vmem>> -> memref<128xi32, #tpu.memory_space<vmem>>
    %swap3A_543 = arith.constant 80 : index
    %swap3A_544 = tpu.vector_load %swap3A_542[%swap3A_543] {strides = array<i32>} : memref<128xi32, #tpu.memory_space<vmem>>, vector<16xi32>,
    %swap3A_545 = vector.shape_cast %swap3A_544 : vector<16xi32> to vector<16xi32>
    %swap3A_546 = vector.shape_cast %or3A_538 : vector<16xi32> to vector<16xi32>
    tpu.vector_store %swap3A_542[%swap3A_543], %swap3A_546 {strides = array<i32>} : memref<128xi32, #tpu.memory_space<vmem>>, vector<16xi32>,
    %get3A_547 = arith.constant 2 : i32
    %get3A_548 = arith.constant 0 : i32
    %get3A_549 = tpu.memref_slice %arg8[%get3A_547, %get3A_548] : memref<4x128xi32, #tpu.memory_space<vmem>> -> memref<1x128xi32, #tpu.memory_space<vmem>>
    %get3A_550 = tpu.memref_squeeze %get3A_549 : memref<1x128xi32, #tpu.memory_space<vmem>> -> memref<128xi32, #tpu.memory_space<vmem>>
    %get3A_551 = arith.constant 96 : index
    %get3A_552 = tpu.vector_load %get3A_550[%get3A_551] {strides = array<i32>} : memref<128xi32, #tpu.memory_space<vmem>>, vector<16xi32>,
    %get3A_553 = vector.shape_cast %get3A_552 : vector<16xi32> to vector<16xi32>
    %shift_right_arithmetic3A_554 = arith.constant 9 : i32
    %shift_right_arithmetic3A_555 = vector.broadcast %shift_right_arithmetic3A_554 : i32 to vector<16xi32>
    %shift_right_arithmetic3A_556 = arith.shrsi %get3A_553, %shift_right_arithmetic3A_555 : vector<16xi32>
    %shift_left3A_557 = arith.constant 7 : i32
    %shift_left3A_558 = vector.broadcast %shift_left3A_557 : i32 to vector<16xi32>
    %shift_left3A_559 = arith.shli %shift_right_arithmetic3A_556, %shift_left3A_558 : vector<16xi32>
    %and3A_560 = arith.constant 127 : i32
    %and3A_561 = vector.broadcast %and3A_560 : i32 to vector<16xi32>
    %and3A_562 = arith.andi %get3A_553, %and3A_561 : vector<16xi32>
    %or3A_563 = arith.ori %shift_left3A_559, %and3A_562 : vector<16xi32>
    %swap3A_564 = arith.constant 2 : i32
    %swap3A_565 = arith.constant 0 : i32
    %swap3A_566 = tpu.memref_slice %arg9[%swap3A_564, %swap3A_565] : memref<4x128xi32, #tpu.memory_space<vmem>> -> memref<1x128xi32, #tpu.memory_space<vmem>>
    %swap3A_567 = tpu.memref_squeeze %swap3A_566 : memref<1x128xi32, #tpu.memory_space<vmem>> -> memref<128xi32, #tpu.memory_space<vmem>>
    %swap3A_568 = arith.constant 96 : index
    %swap3A_569 = tpu.vector_load %swap3A_567[%swap3A_568] {strides = array<i32>} : memref<128xi32, #tpu.memory_space<vmem>>, vector<16xi32>,
    %swap3A_570 = vector.shape_cast %swap3A_569 : vector<16xi32> to vector<16xi32>
    %swap3A_571 = vector.shape_cast %or3A_563 : vector<16xi32> to vector<16xi32>
    tpu.vector_store %swap3A_567[%swap3A_568], %swap3A_571 {strides = array<i32>} : memref<128xi32, #tpu.memory_space<vmem>>, vector<16xi32>,
    %get3A_572 = arith.constant 2 : i32
    %get3A_573 = arith.constant 0 : i32
    %get3A_574 = tpu.memref_slice %arg8[%get3A_572, %get3A_573] : memref<4x128xi32, #tpu.memory_space<vmem>> -> memref<1x128xi32, #tpu.memory_space<vmem>>
    %get3A_575 = tpu.memref_squeeze %get3A_574 : memref<1x128xi32, #tpu.memory_space<vmem>> -> memref<128xi32, #tpu.memory_space<vmem>>
    %get3A_576 = arith.constant 112 : index
    %get3A_577 = tpu.vector_load %get3A_575[%get3A_576] {strides = array<i32>} : memref<128xi32, #tpu.memory_space<vmem>>, vector<16xi32>,
    %get3A_578 = vector.shape_cast %get3A_577 : vector<16xi32> to vector<16xi32>
    %shift_right_arithmetic3A_579 = arith.constant 9 : i32
    %shift_right_arithmetic3A_580 = vector.broadcast %shift_right_arithmetic3A_579 : i32 to vector<16xi32>
    %shift_right_arithmetic3A_581 = arith.shrsi %get3A_578, %shift_right_arithmetic3A_580 : vector<16xi32>
    %shift_left3A_582 = arith.constant 7 : i32
    %shift_left3A_583 = vector.broadcast %shift_left3A_582 : i32 to vector<16xi32>
    %shift_left3A_584 = arith.shli %shift_right_arithmetic3A_581, %shift_left3A_583 : vector<16xi32>
    %and3A_585 = arith.constant 127 : i32
    %and3A_586 = vector.broadcast %and3A_585 : i32 to vector<16xi32>
    %and3A_587 = arith.andi %get3A_578, %and3A_586 : vector<16xi32>
    %or3A_588 = arith.ori %shift_left3A_584, %and3A_587 : vector<16xi32>
    %swap3A_589 = arith.constant 2 : i32
    %swap3A_590 = arith.constant 0 : i32
    %swap3A_591 = tpu.memref_slice %arg9[%swap3A_589, %swap3A_590] : memref<4x128xi32, #tpu.memory_space<vmem>> -> memref<1x128xi32, #tpu.memory_space<vmem>>
    %swap3A_592 = tpu.memref_squeeze %swap3A_591 : memref<1x128xi32, #tpu.memory_space<vmem>> -> memref<128xi32, #tpu.memory_space<vmem>>
    %swap3A_593 = arith.constant 112 : index
    %swap3A_594 = tpu.vector_load %swap3A_592[%swap3A_593] {strides = array<i32>} : memref<128xi32, #tpu.memory_space<vmem>>, vector<16xi32>,
    %swap3A_595 = vector.shape_cast %swap3A_594 : vector<16xi32> to vector<16xi32>
    %swap3A_596 = vector.shape_cast %or3A_588 : vector<16xi32> to vector<16xi32>
    tpu.vector_store %swap3A_592[%swap3A_593], %swap3A_596 {strides = array<i32>} : memref<128xi32, #tpu.memory_space<vmem>>, vector<16xi32>,
    %get3A_597 = arith.constant 3 : i32
    %get3A_598 = arith.constant 0 : i32
    %get3A_599 = tpu.memref_slice %arg8[%get3A_597, %get3A_598] : memref<4x128xi32, #tpu.memory_space<vmem>> -> memref<1x128xi32, #tpu.memory_space<vmem>>
    %get3A_600 = tpu.memref_squeeze %get3A_599 : memref<1x128xi32, #tpu.memory_space<vmem>> -> memref<128xi32, #tpu.memory_space<vmem>>
    %get3A_601 = arith.constant 0 : index
    %get3A_602 = tpu.vector_load %get3A_600[%get3A_601] {strides = array<i32>} : memref<128xi32, #tpu.memory_space<vmem>>, vector<16xi32>,
    %get3A_603 = vector.shape_cast %get3A_602 : vector<16xi32> to vector<16xi32>
    %shift_right_arithmetic3A_604 = arith.constant 9 : i32
    %shift_right_arithmetic3A_605 = vector.broadcast %shift_right_arithmetic3A_604 : i32 to vector<16xi32>
    %shift_right_arithmetic3A_606 = arith.shrsi %get3A_603, %shift_right_arithmetic3A_605 : vector<16xi32>
    %shift_left3A_607 = arith.constant 7 : i32
    %shift_left3A_608 = vector.broadcast %shift_left3A_607 : i32 to vector<16xi32>
    %shift_left3A_609 = arith.shli %shift_right_arithmetic3A_606, %shift_left3A_608 : vector<16xi32>
    %and3A_610 = arith.constant 127 : i32
    %and3A_611 = vector.broadcast %and3A_610 : i32 to vector<16xi32>
    %and3A_612 = arith.andi %get3A_603, %and3A_611 : vector<16xi32>
    %or3A_613 = arith.ori %shift_left3A_609, %and3A_612 : vector<16xi32>
    %swap3A_614 = arith.constant 3 : i32
    %swap3A_615 = arith.constant 0 : i32
    %swap3A_616 = tpu.memref_slice %arg9[%swap3A_614, %swap3A_615] : memref<4x128xi32, #tpu.memory_space<vmem>> -> memref<1x128xi32, #tpu.memory_space<vmem>>
    %swap3A_617 = tpu.memref_squeeze %swap3A_616 : memref<1x128xi32, #tpu.memory_space<vmem>> -> memref<128xi32, #tpu.memory_space<vmem>>
    %swap3A_618 = arith.constant 0 : index
    %swap3A_619 = tpu.vector_load %swap3A_617[%swap3A_618] {strides = array<i32>} : memref<128xi32, #tpu.memory_space<vmem>>, vector<16xi32>,
    %swap3A_620 = vector.shape_cast %swap3A_619 : vector<16xi32> to vector<16xi32>
    %swap3A_621 = vector.shape_cast %or3A_613 : vector<16xi32> to vector<16xi32>
    tpu.vector_store %swap3A_617[%swap3A_618], %swap3A_621 {strides = array<i32>} : memref<128xi32, #tpu.memory_space<vmem>>, vector<16xi32>,
    %get3A_622 = arith.constant 3 : i32
    %get3A_623 = arith.constant 0 : i32
    %get3A_624 = tpu.memref_slice %arg8[%get3A_622, %get3A_623] : memref<4x128xi32, #tpu.memory_space<vmem>> -> memref<1x128xi32, #tpu.memory_space<vmem>>
    %get3A_625 = tpu.memref_squeeze %get3A_624 : memref<1x128xi32, #tpu.memory_space<vmem>> -> memref<128xi32, #tpu.memory_space<vmem>>
    %get3A_626 = arith.constant 16 : index
    %get3A_627 = tpu.vector_load %get3A_625[%get3A_626] {strides = array<i32>} : memref<128xi32, #tpu.memory_space<vmem>>, vector<16xi32>,
    %get3A_628 = vector.shape_cast %get3A_627 : vector<16xi32> to vector<16xi32>
    %shift_right_arithmetic3A_629 = arith.constant 9 : i32
    %shift_right_arithmetic3A_630 = vector.broadcast %shift_right_arithmetic3A_629 : i32 to vector<16xi32>
    %shift_right_arithmetic3A_631 = arith.shrsi %get3A_628, %shift_right_arithmetic3A_630 : vector<16xi32>
    %shift_left3A_632 = arith.constant 7 : i32
    %shift_left3A_633 = vector.broadcast %shift_left3A_632 : i32 to vector<16xi32>
    %shift_left3A_634 = arith.shli %shift_right_arithmetic3A_631, %shift_left3A_633 : vector<16xi32>
    %and3A_635 = arith.constant 127 : i32
    %and3A_636 = vector.broadcast %and3A_635 : i32 to vector<16xi32>
    %and3A_637 = arith.andi %get3A_628, %and3A_636 : vector<16xi32>
    %or3A_638 = arith.ori %shift_left3A_634, %and3A_637 : vector<16xi32>
    %swap3A_639 = arith.constant 3 : i32
    %swap3A_640 = arith.constant 0 : i32
    %swap3A_641 = tpu.memref_slice %arg9[%swap3A_639, %swap3A_640] : memref<4x128xi32, #tpu.memory_space<vmem>> -> memref<1x128xi32, #tpu.memory_space<vmem>>
    %swap3A_642 = tpu.memref_squeeze %swap3A_641 : memref<1x128xi32, #tpu.memory_space<vmem>> -> memref<128xi32, #tpu.memory_space<vmem>>
    %swap3A_643 = arith.constant 16 : index
    %swap3A_644 = tpu.vector_load %swap3A_642[%swap3A_643] {strides = array<i32>} : memref<128xi32, #tpu.memory_space<vmem>>, vector<16xi32>,
    %swap3A_645 = vector.shape_cast %swap3A_644 : vector<16xi32> to vector<16xi32>
    %swap3A_646 = vector.shape_cast %or3A_638 : vector<16xi32> to vector<16xi32>
    tpu.vector_store %swap3A_642[%swap3A_643], %swap3A_646 {strides = array<i32>} : memref<128xi32, #tpu.memory_space<vmem>>, vector<16xi32>,
    %get3A_647 = arith.constant 3 : i32
    %get3A_648 = arith.constant 0 : i32
    %get3A_649 = tpu.memref_slice %arg8[%get3A_647, %get3A_648] : memref<4x128xi32, #tpu.memory_space<vmem>> -> memref<1x128xi32, #tpu.memory_space<vmem>>
    %get3A_650 = tpu.memref_squeeze %get3A_649 : memref<1x128xi32, #tpu.memory_space<vmem>> -> memref<128xi32, #tpu.memory_space<vmem>>
    %get3A_651 = arith.constant 32 : index
    %get3A_652 = tpu.vector_load %get3A_650[%get3A_651] {strides = array<i32>} : memref<128xi32, #tpu.memory_space<vmem>>, vector<16xi32>,
    %get3A_653 = vector.shape_cast %get3A_652 : vector<16xi32> to vector<16xi32>
    %shift_right_arithmetic3A_654 = arith.constant 9 : i32
    %shift_right_arithmetic3A_655 = vector.broadcast %shift_right_arithmetic3A_654 : i32 to vector<16xi32>
    %shift_right_arithmetic3A_656 = arith.shrsi %get3A_653, %shift_right_arithmetic3A_655 : vector<16xi32>
    %shift_left3A_657 = arith.constant 7 : i32
    %shift_left3A_658 = vector.broadcast %shift_left3A_657 : i32 to vector<16xi32>
    %shift_left3A_659 = arith.shli %shift_right_arithmetic3A_656, %shift_left3A_658 : vector<16xi32>
    %and3A_660 = arith.constant 127 : i32
    %and3A_661 = vector.broadcast %and3A_660 : i32 to vector<16xi32>
    %and3A_662 = arith.andi %get3A_653, %and3A_661 : vector<16xi32>
    %or3A_663 = arith.ori %shift_left3A_659, %and3A_662 : vector<16xi32>
    %swap3A_664 = arith.constant 3 : i32
    %swap3A_665 = arith.constant 0 : i32
    %swap3A_666 = tpu.memref_slice %arg9[%swap3A_664, %swap3A_665] : memref<4x128xi32, #tpu.memory_space<vmem>> -> memref<1x128xi32, #tpu.memory_space<vmem>>
    %swap3A_667 = tpu.memref_squeeze %swap3A_666 : memref<1x128xi32, #tpu.memory_space<vmem>> -> memref<128xi32, #tpu.memory_space<vmem>>
    %swap3A_668 = arith.constant 32 : index
    %swap3A_669 = tpu.vector_load %swap3A_667[%swap3A_668] {strides = array<i32>} : memref<128xi32, #tpu.memory_space<vmem>>, vector<16xi32>,
    %swap3A_670 = vector.shape_cast %swap3A_669 : vector<16xi32> to vector<16xi32>
    %swap3A_671 = vector.shape_cast %or3A_663 : vector<16xi32> to vector<16xi32>
    tpu.vector_store %swap3A_667[%swap3A_668], %swap3A_671 {strides = array<i32>} : memref<128xi32, #tpu.memory_space<vmem>>, vector<16xi32>,
    %get3A_672 = arith.constant 3 : i32
    %get3A_673 = arith.constant 0 : i32
    %get3A_674 = tpu.memref_slice %arg8[%get3A_672, %get3A_673] : memref<4x128xi32, #tpu.memory_space<vmem>> -> memref<1x128xi32, #tpu.memory_space<vmem>>
    %get3A_675 = tpu.memref_squeeze %get3A_674 : memref<1x128xi32, #tpu.memory_space<vmem>> -> memref<128xi32, #tpu.memory_space<vmem>>
    %get3A_676 = arith.constant 48 : index
    %get3A_677 = tpu.vector_load %get3A_675[%get3A_676] {strides = array<i32>} : memref<128xi32, #tpu.memory_space<vmem>>, vector<16xi32>,
    %get3A_678 = vector.shape_cast %get3A_677 : vector<16xi32> to vector<16xi32>
    %shift_right_arithmetic3A_679 = arith.constant 9 : i32
    %shift_right_arithmetic3A_680 = vector.broadcast %shift_right_arithmetic3A_679 : i32 to vector<16xi32>
    %shift_right_arithmetic3A_681 = arith.shrsi %get3A_678, %shift_right_arithmetic3A_680 : vector<16xi32>
    %shift_left3A_682 = arith.constant 7 : i32
    %shift_left3A_683 = vector.broadcast %shift_left3A_682 : i32 to vector<16xi32>
    %shift_left3A_684 = arith.shli %shift_right_arithmetic3A_681, %shift_left3A_683 : vector<16xi32>
    %and3A_685 = arith.constant 127 : i32
    %and3A_686 = vector.broadcast %and3A_685 : i32 to vector<16xi32>
    %and3A_687 = arith.andi %get3A_678, %and3A_686 : vector<16xi32>
    %or3A_688 = arith.ori %shift_left3A_684, %and3A_687 : vector<16xi32>
    %swap3A_689 = arith.constant 3 : i32
    %swap3A_690 = arith.constant 0 : i32
    %swap3A_691 = tpu.memref_slice %arg9[%swap3A_689, %swap3A_690] : memref<4x128xi32, #tpu.memory_space<vmem>> -> memref<1x128xi32, #tpu.memory_space<vmem>>
    %swap3A_692 = tpu.memref_squeeze %swap3A_691 : memref<1x128xi32, #tpu.memory_space<vmem>> -> memref<128xi32, #tpu.memory_space<vmem>>
    %swap3A_693 = arith.constant 48 : index
    %swap3A_694 = tpu.vector_load %swap3A_692[%swap3A_693] {strides = array<i32>} : memref<128xi32, #tpu.memory_space<vmem>>, vector<16xi32>,
    %swap3A_695 = vector.shape_cast %swap3A_694 : vector<16xi32> to vector<16xi32>
    %swap3A_696 = vector.shape_cast %or3A_688 : vector<16xi32> to vector<16xi32>
    tpu.vector_store %swap3A_692[%swap3A_693], %swap3A_696 {strides = array<i32>} : memref<128xi32, #tpu.memory_space<vmem>>, vector<16xi32>,
    %get3A_697 = arith.constant 3 : i32
    %get3A_698 = arith.constant 0 : i32
    %get3A_699 = tpu.memref_slice %arg8[%get3A_697, %get3A_698] : memref<4x128xi32, #tpu.memory_space<vmem>> -> memref<1x128xi32, #tpu.memory_space<vmem>>
    %get3A_700 = tpu.memref_squeeze %get3A_699 : memref<1x128xi32, #tpu.memory_space<vmem>> -> memref<128xi32, #tpu.memory_space<vmem>>
    %get3A_701 = arith.constant 64 : index
    %get3A_702 = tpu.vector_load %get3A_700[%get3A_701] {strides = array<i32>} : memref<128xi32, #tpu.memory_space<vmem>>, vector<16xi32>,
    %get3A_703 = vector.shape_cast %get3A_702 : vector<16xi32> to vector<16xi32>
    %shift_right_arithmetic3A_704 = arith.constant 9 : i32
    %shift_right_arithmetic3A_705 = vector.broadcast %shift_right_arithmetic3A_704 : i32 to vector<16xi32>
    %shift_right_arithmetic3A_706 = arith.shrsi %get3A_703, %shift_right_arithmetic3A_705 : vector<16xi32>
    %shift_left3A_707 = arith.constant 7 : i32
    %shift_left3A_708 = vector.broadcast %shift_left3A_707 : i32 to vector<16xi32>
    %shift_left3A_709 = arith.shli %shift_right_arithmetic3A_706, %shift_left3A_708 : vector<16xi32>
    %and3A_710 = arith.constant 127 : i32
    %and3A_711 = vector.broadcast %and3A_710 : i32 to vector<16xi32>
    %and3A_712 = arith.andi %get3A_703, %and3A_711 : vector<16xi32>
    %or3A_713 = arith.ori %shift_left3A_709, %and3A_712 : vector<16xi32>
    %swap3A_714 = arith.constant 3 : i32
    %swap3A_715 = arith.constant 0 : i32
    %swap3A_716 = tpu.memref_slice %arg9[%swap3A_714, %swap3A_715] : memref<4x128xi32, #tpu.memory_space<vmem>> -> memref<1x128xi32, #tpu.memory_space<vmem>>
    %swap3A_717 = tpu.memref_squeeze %swap3A_716 : memref<1x128xi32, #tpu.memory_space<vmem>> -> memref<128xi32, #tpu.memory_space<vmem>>
    %swap3A_718 = arith.constant 64 : index
    %swap3A_719 = tpu.vector_load %swap3A_717[%swap3A_718] {strides = array<i32>} : memref<128xi32, #tpu.memory_space<vmem>>, vector<16xi32>,
    %swap3A_720 = vector.shape_cast %swap3A_719 : vector<16xi32> to vector<16xi32>
    %swap3A_721 = vector.shape_cast %or3A_713 : vector<16xi32> to vector<16xi32>
    tpu.vector_store %swap3A_717[%swap3A_718], %swap3A_721 {strides = array<i32>} : memref<128xi32, #tpu.memory_space<vmem>>, vector<16xi32>,
    %get3A_722 = arith.constant 3 : i32
    %get3A_723 = arith.constant 0 : i32
    %get3A_724 = tpu.memref_slice %arg8[%get3A_722, %get3A_723] : memref<4x128xi32, #tpu.memory_space<vmem>> -> memref<1x128xi32, #tpu.memory_space<vmem>>
    %get3A_725 = tpu.memref_squeeze %get3A_724 : memref<1x128xi32, #tpu.memory_space<vmem>> -> memref<128xi32, #tpu.memory_space<vmem>>
    %get3A_726 = arith.constant 80 : index
    %get3A_727 = tpu.vector_load %get3A_725[%get3A_726] {strides = array<i32>} : memref<128xi32, #tpu.memory_space<vmem>>, vector<16xi32>,
    %get3A_728 = vector.shape_cast %get3A_727 : vector<16xi32> to vector<16xi32>
    %shift_right_arithmetic3A_729 = arith.constant 9 : i32
    %shift_right_arithmetic3A_730 = vector.broadcast %shift_right_arithmetic3A_729 : i32 to vector<16xi32>
    %shift_right_arithmetic3A_731 = arith.shrsi %get3A_728, %shift_right_arithmetic3A_730 : vector<16xi32>
    %shift_left3A_732 = arith.constant 7 : i32
    %shift_left3A_733 = vector.broadcast %shift_left3A_732 : i32 to vector<16xi32>
    %shift_left3A_734 = arith.shli %shift_right_arithmetic3A_731, %shift_left3A_733 : vector<16xi32>
    %and3A_735 = arith.constant 127 : i32
    %and3A_736 = vector.broadcast %and3A_735 : i32 to vector<16xi32>
    %and3A_737 = arith.andi %get3A_728, %and3A_736 : vector<16xi32>
    %or3A_738 = arith.ori %shift_left3A_734, %and3A_737 : vector<16xi32>
    %swap3A_739 = arith.constant 3 : i32
    %swap3A_740 = arith.constant 0 : i32
    %swap3A_741 = tpu.memref_slice %arg9[%swap3A_739, %swap3A_740] : memref<4x128xi32, #tpu.memory_space<vmem>> -> memref<1x128xi32, #tpu.memory_space<vmem>>
    %swap3A_742 = tpu.memref_squeeze %swap3A_741 : memref<1x128xi32, #tpu.memory_space<vmem>> -> memref<128xi32, #tpu.memory_space<vmem>>
    %swap3A_743 = arith.constant 80 : index
    %swap3A_744 = tpu.vector_load %swap3A_742[%swap3A_743] {strides = array<i32>} : memref<128xi32, #tpu.memory_space<vmem>>, vector<16xi32>,
    %swap3A_745 = vector.shape_cast %swap3A_744 : vector<16xi32> to vector<16xi32>
    %swap3A_746 = vector.shape_cast %or3A_738 : vector<16xi32> to vector<16xi32>
    tpu.vector_store %swap3A_742[%swap3A_743], %swap3A_746 {strides = array<i32>} : memref<128xi32, #tpu.memory_space<vmem>>, vector<16xi32>,
    %get3A_747 = arith.constant 3 : i32
    %get3A_748 = arith.constant 0 : i32
    %get3A_749 = tpu.memref_slice %arg8[%get3A_747, %get3A_748] : memref<4x128xi32, #tpu.memory_space<vmem>> -> memref<1x128xi32, #tpu.memory_space<vmem>>
    %get3A_750 = tpu.memref_squeeze %get3A_749 : memref<1x128xi32, #tpu.memory_space<vmem>> -> memref<128xi32, #tpu.memory_space<vmem>>
    %get3A_751 = arith.constant 96 : index
    %get3A_752 = tpu.vector_load %get3A_750[%get3A_751] {strides = array<i32>} : memref<128xi32, #tpu.memory_space<vmem>>, vector<16xi32>,
    %get3A_753 = vector.shape_cast %get3A_752 : vector<16xi32> to vector<16xi32>
    %shift_right_arithmetic3A_754 = arith.constant 9 : i32
    %shift_right_arithmetic3A_755 = vector.broadcast %shift_right_arithmetic3A_754 : i32 to vector<16xi32>
    %shift_right_arithmetic3A_756 = arith.shrsi %get3A_753, %shift_right_arithmetic3A_755 : vector<16xi32>
    %shift_left3A_757 = arith.constant 7 : i32
    %shift_left3A_758 = vector.broadcast %shift_left3A_757 : i32 to vector<16xi32>
    %shift_left3A_759 = arith.shli %shift_right_arithmetic3A_756, %shift_left3A_758 : vector<16xi32>
    %and3A_760 = arith.constant 127 : i32
    %and3A_761 = vector.broadcast %and3A_760 : i32 to vector<16xi32>
    %and3A_762 = arith.andi %get3A_753, %and3A_761 : vector<16xi32>
    %or3A_763 = arith.ori %shift_left3A_759, %and3A_762 : vector<16xi32>
    %swap3A_764 = arith.constant 3 : i32
    %swap3A_765 = arith.constant 0 : i32
    %swap3A_766 = tpu.memref_slice %arg9[%swap3A_764, %swap3A_765] : memref<4x128xi32, #tpu.memory_space<vmem>> -> memref<1x128xi32, #tpu.memory_space<vmem>>
    %swap3A_767 = tpu.memref_squeeze %swap3A_766 : memref<1x128xi32, #tpu.memory_space<vmem>> -> memref<128xi32, #tpu.memory_space<vmem>>
    %swap3A_768 = arith.constant 96 : index
    %swap3A_769 = tpu.vector_load %swap3A_767[%swap3A_768] {strides = array<i32>} : memref<128xi32, #tpu.memory_space<vmem>>, vector<16xi32>,
    %swap3A_770 = vector.shape_cast %swap3A_769 : vector<16xi32> to vector<16xi32>
    %swap3A_771 = vector.shape_cast %or3A_763 : vector<16xi32> to vector<16xi32>
    tpu.vector_store %swap3A_767[%swap3A_768], %swap3A_771 {strides = array<i32>} : memref<128xi32, #tpu.memory_space<vmem>>, vector<16xi32>,
    %get3A_772 = arith.constant 3 : i32
    %get3A_773 = arith.constant 0 : i32
    %get3A_774 = tpu.memref_slice %arg8[%get3A_772, %get3A_773] : memref<4x128xi32, #tpu.memory_space<vmem>> -> memref<1x128xi32, #tpu.memory_space<vmem>>
    %get3A_775 = tpu.memref_squeeze %get3A_774 : memref<1x128xi32, #tpu.memory_space<vmem>> -> memref<128xi32, #tpu.memory_space<vmem>>
    %get3A_776 = arith.constant 112 : index
    %get3A_777 = tpu.vector_load %get3A_775[%get3A_776] {strides = array<i32>} : memref<128xi32, #tpu.memory_space<vmem>>, vector<16xi32>,
    %get3A_778 = vector.shape_cast %get3A_777 : vector<16xi32> to vector<16xi32>
    %shift_right_arithmetic3A_779 = arith.constant 9 : i32
    %shift_right_arithmetic3A_780 = vector.broadcast %shift_right_arithmetic3A_779 : i32 to vector<16xi32>
    %shift_right_arithmetic3A_781 = arith.shrsi %get3A_778, %shift_right_arithmetic3A_780 : vector<16xi32>
    %shift_left3A_782 = arith.constant 7 : i32
    %shift_left3A_783 = vector.broadcast %shift_left3A_782 : i32 to vector<16xi32>
    %shift_left3A_784 = arith.shli %shift_right_arithmetic3A_781, %shift_left3A_783 : vector<16xi32>
    %and3A_785 = arith.constant 127 : i32
    %and3A_786 = vector.broadcast %and3A_785 : i32 to vector<16xi32>
    %and3A_787 = arith.andi %get3A_778, %and3A_786 : vector<16xi32>
    %or3A_788 = arith.ori %shift_left3A_784, %and3A_787 : vector<16xi32>
    %swap3A_789 = arith.constant 3 : i32
    %swap3A_790 = arith.constant 0 : i32
    %swap3A_791 = tpu.memref_slice %arg9[%swap3A_789, %swap3A_790] : memref<4x128xi32, #tpu.memory_space<vmem>> -> memref<1x128xi32, #tpu.memory_space<vmem>>
    %swap3A_792 = tpu.memref_squeeze %swap3A_791 : memref<1x128xi32, #tpu.memory_space<vmem>> -> memref<128xi32, #tpu.memory_space<vmem>>
    %swap3A_793 = arith.constant 112 : index
    %swap3A_794 = tpu.vector_load %swap3A_792[%swap3A_793] {strides = array<i32>} : memref<128xi32, #tpu.memory_space<vmem>>, vector<16xi32>,
    %swap3A_795 = vector.shape_cast %swap3A_794 : vector<16xi32> to vector<16xi32>
    %swap3A_796 = vector.shape_cast %or3A_788 : vector<16xi32> to vector<16xi32>
    tpu.vector_store %swap3A_792[%swap3A_793], %swap3A_796 {strides = array<i32>} : memref<128xi32, #tpu.memory_space<vmem>>, vector<16xi32>,
    %dma_start3A = arith.constant 0 : i32
    %dma_start3A_797 = arith.constant 0 : i32
    %dma_start3A_798 = arith.constant 0 : i32
    %dma_start3A_799 = tpu.memref_slice %arg10[%dma_start3A_797, %dma_start3A_798] : memref<512x128xf32, #tpu.memory_space<vmem>> -> memref<128x128xf32, #tpu.memory_space<vmem>>
    %dma_start3A_800 = arith.constant 0 : i32
    %dma_start3A_801 = tpu.memref_slice %arg9[%dma_start3A, %dma_start3A_800] : memref<4x128xi32, #tpu.memory_space<vmem>> -> memref<1x128xi32, #tpu.memory_space<vmem>>
    %dma_start3A_802 = tpu.memref_squeeze %dma_start3A_801 : memref<1x128xi32, #tpu.memory_space<vmem>> -> memref<128xi32, #tpu.memory_space<vmem>>
    %dma_start3A_803 = arith.constant 0 : i32
    %dma_start3A_804 = arith.constant 0 : i32
    %dma_start3A_805 = tpu.memref_slice %arg4[%dma_start3A_803, %dma_start3A_804] : memref<250112x128xf32, #tpu.memory_space<hbm>> -> memref<250112x128xf32, #tpu.memory_space<hbm>>
    tpu.enqueue_indirect_dma source(%dma_start3A_805 : memref<250112x128xf32, #tpu.memory_space<hbm>>) target(%dma_start3A_799 : memref<128x128xf32, #tpu.memory_space<vmem>>) offsets(%dma_start3A_802 : memref<128xi32, #tpu.memory_space<vmem>>) semaphore(%arg11 : memref<!tpu.dma_semaphore, #tpu.memory_space<semaphore_mem>>)
    %dma_start3A_806 = arith.constant 1 : i32
    %dma_start3A_807 = arith.constant 128 : i32
    %dma_start3A_808 = arith.constant 0 : i32
    %dma_start3A_809 = tpu.memref_slice %arg10[%dma_start3A_807, %dma_start3A_808] : memref<512x128xf32, #tpu.memory_space<vmem>> -> memref<128x128xf32, #tpu.memory_space<vmem>>
    %dma_start3A_810 = arith.constant 0 : i32
    %dma_start3A_811 = tpu.memref_slice %arg9[%dma_start3A_806, %dma_start3A_810] : memref<4x128xi32, #tpu.memory_space<vmem>> -> memref<1x128xi32, #tpu.memory_space<vmem>>
    %dma_start3A_812 = tpu.memref_squeeze %dma_start3A_811 : memref<1x128xi32, #tpu.memory_space<vmem>> -> memref<128xi32, #tpu.memory_space<vmem>>
    %dma_start3A_813 = arith.constant 0 : i32
    %dma_start3A_814 = arith.constant 0 : i32
    %dma_start3A_815 = tpu.memref_slice %arg4[%dma_start3A_813, %dma_start3A_814] : memref<250112x128xf32, #tpu.memory_space<hbm>> -> memref<250112x128xf32, #tpu.memory_space<hbm>>
    tpu.enqueue_indirect_dma source(%dma_start3A_815 : memref<250112x128xf32, #tpu.memory_space<hbm>>) target(%dma_start3A_809 : memref<128x128xf32, #tpu.memory_space<vmem>>) offsets(%dma_start3A_812 : memref<128xi32, #tpu.memory_space<vmem>>) semaphore(%arg11 : memref<!tpu.dma_semaphore, #tpu.memory_space<semaphore_mem>>)
    %dma_start3A_816 = arith.constant 2 : i32
    %dma_start3A_817 = arith.constant 256 : i32
    %dma_start3A_818 = arith.constant 0 : i32
    %dma_start3A_819 = tpu.memref_slice %arg10[%dma_start3A_817, %dma_start3A_818] : memref<512x128xf32, #tpu.memory_space<vmem>> -> memref<128x128xf32, #tpu.memory_space<vmem>>
    %dma_start3A_820 = arith.constant 0 : i32
    %dma_start3A_821 = tpu.memref_slice %arg9[%dma_start3A_816, %dma_start3A_820] : memref<4x128xi32, #tpu.memory_space<vmem>> -> memref<1x128xi32, #tpu.memory_space<vmem>>
    %dma_start3A_822 = tpu.memref_squeeze %dma_start3A_821 : memref<1x128xi32, #tpu.memory_space<vmem>> -> memref<128xi32, #tpu.memory_space<vmem>>
    %dma_start3A_823 = arith.constant 0 : i32
    %dma_start3A_824 = arith.constant 0 : i32
    %dma_start3A_825 = tpu.memref_slice %arg4[%dma_start3A_823, %dma_start3A_824] : memref<250112x128xf32, #tpu.memory_space<hbm>> -> memref<250112x128xf32, #tpu.memory_space<hbm>>
    tpu.enqueue_indirect_dma source(%dma_start3A_825 : memref<250112x128xf32, #tpu.memory_space<hbm>>) target(%dma_start3A_819 : memref<128x128xf32, #tpu.memory_space<vmem>>) offsets(%dma_start3A_822 : memref<128xi32, #tpu.memory_space<vmem>>) semaphore(%arg11 : memref<!tpu.dma_semaphore, #tpu.memory_space<semaphore_mem>>)
    %dma_start3A_826 = arith.constant 3 : i32
    %dma_start3A_827 = arith.constant 384 : i32
    %dma_start3A_828 = arith.constant 0 : i32
    %dma_start3A_829 = tpu.memref_slice %arg10[%dma_start3A_827, %dma_start3A_828] : memref<512x128xf32, #tpu.memory_space<vmem>> -> memref<128x128xf32, #tpu.memory_space<vmem>>
    %dma_start3A_830 = arith.constant 0 : i32
    %dma_start3A_831 = tpu.memref_slice %arg9[%dma_start3A_826, %dma_start3A_830] : memref<4x128xi32, #tpu.memory_space<vmem>> -> memref<1x128xi32, #tpu.memory_space<vmem>>
    %dma_start3A_832 = tpu.memref_squeeze %dma_start3A_831 : memref<1x128xi32, #tpu.memory_space<vmem>> -> memref<128xi32, #tpu.memory_space<vmem>>
    %dma_start3A_833 = arith.constant 0 : i32
    %dma_start3A_834 = arith.constant 0 : i32
    %dma_start3A_835 = tpu.memref_slice %arg4[%dma_start3A_833, %dma_start3A_834] : memref<250112x128xf32, #tpu.memory_space<hbm>> -> memref<250112x128xf32, #tpu.memory_space<hbm>>
    tpu.enqueue_indirect_dma source(%dma_start3A_835 : memref<250112x128xf32, #tpu.memory_space<hbm>>) target(%dma_start3A_829 : memref<128x128xf32, #tpu.memory_space<vmem>>) offsets(%dma_start3A_832 : memref<128xi32, #tpu.memory_space<vmem>>) semaphore(%arg11 : memref<!tpu.dma_semaphore, #tpu.memory_space<semaphore_mem>>)
    %dma_wait3A = arith.constant 0 : i32
    %dma_wait3A_836 = arith.constant 0 : i32
    %dma_wait3A_837 = arith.constant 0 : i32
    %dma_wait3A_838 = tpu.memref_slice %arg10[%dma_wait3A_836, %dma_wait3A_837] : memref<512x128xf32, #tpu.memory_space<vmem>> -> memref<128x128xf32, #tpu.memory_space<vmem>>
    %dma_wait3A_839 = arith.constant 0 : i32
    %dma_wait3A_840 = tpu.memref_slice %arg9[%dma_wait3A, %dma_wait3A_839] : memref<4x128xi32, #tpu.memory_space<vmem>> -> memref<1x128xi32, #tpu.memory_space<vmem>>
    %dma_wait3A_841 = tpu.memref_squeeze %dma_wait3A_840 : memref<1x128xi32, #tpu.memory_space<vmem>> -> memref<128xi32, #tpu.memory_space<vmem>>
    %dma_wait3A_842 = arith.constant 0 : i32
    %dma_wait3A_843 = arith.constant 0 : i32
    %dma_wait3A_844 = tpu.memref_slice %arg4[%dma_wait3A_842, %dma_wait3A_843] : memref<250112x128xf32, #tpu.memory_space<hbm>> -> memref<250112x128xf32, #tpu.memory_space<hbm>>
    tpu.wait_indirect_dma semaphore(%arg11 : memref<!tpu.dma_semaphore, #tpu.memory_space<semaphore_mem>>) src(%dma_wait3A_844 : memref<250112x128xf32, #tpu.memory_space<hbm>>) dst(%dma_wait3A_838 : memref<128x128xf32, #tpu.memory_space<vmem>>)
    %dma_wait3A_845 = arith.constant 1 : i32
    %dma_wait3A_846 = arith.constant 128 : i32
    %dma_wait3A_847 = arith.constant 0 : i32
    %dma_wait3A_848 = tpu.memref_slice %arg10[%dma_wait3A_846, %dma_wait3A_847] : memref<512x128xf32, #tpu.memory_space<vmem>> -> memref<128x128xf32, #tpu.memory_space<vmem>>
    %dma_wait3A_849 = arith.constant 0 : i32
    %dma_wait3A_850 = tpu.memref_slice %arg9[%dma_wait3A_845, %dma_wait3A_849] : memref<4x128xi32, #tpu.memory_space<vmem>> -> memref<1x128xi32, #tpu.memory_space<vmem>>
    %dma_wait3A_851 = tpu.memref_squeeze %dma_wait3A_850 : memref<1x128xi32, #tpu.memory_space<vmem>> -> memref<128xi32, #tpu.memory_space<vmem>>
    %dma_wait3A_852 = arith.constant 0 : i32
    %dma_wait3A_853 = arith.constant 0 : i32
    %dma_wait3A_854 = tpu.memref_slice %arg4[%dma_wait3A_852, %dma_wait3A_853] : memref<250112x128xf32, #tpu.memory_space<hbm>> -> memref<250112x128xf32, #tpu.memory_space<hbm>>
    tpu.wait_indirect_dma semaphore(%arg11 : memref<!tpu.dma_semaphore, #tpu.memory_space<semaphore_mem>>) src(%dma_wait3A_854 : memref<250112x128xf32, #tpu.memory_space<hbm>>) dst(%dma_wait3A_848 : memref<128x128xf32, #tpu.memory_space<vmem>>)
    %dma_wait3A_855 = arith.constant 2 : i32
    %dma_wait3A_856 = arith.constant 256 : i32
    %dma_wait3A_857 = arith.constant 0 : i32
    %dma_wait3A_858 = tpu.memref_slice %arg10[%dma_wait3A_856, %dma_wait3A_857] : memref<512x128xf32, #tpu.memory_space<vmem>> -> memref<128x128xf32, #tpu.memory_space<vmem>>
    %dma_wait3A_859 = arith.constant 0 : i32
    %dma_wait3A_860 = tpu.memref_slice %arg9[%dma_wait3A_855, %dma_wait3A_859] : memref<4x128xi32, #tpu.memory_space<vmem>> -> memref<1x128xi32, #tpu.memory_space<vmem>>
    %dma_wait3A_861 = tpu.memref_squeeze %dma_wait3A_860 : memref<1x128xi32, #tpu.memory_space<vmem>> -> memref<128xi32, #tpu.memory_space<vmem>>
    %dma_wait3A_862 = arith.constant 0 : i32
    %dma_wait3A_863 = arith.constant 0 : i32
    %dma_wait3A_864 = tpu.memref_slice %arg4[%dma_wait3A_862, %dma_wait3A_863] : memref<250112x128xf32, #tpu.memory_space<hbm>> -> memref<250112x128xf32, #tpu.memory_space<hbm>>
    tpu.wait_indirect_dma semaphore(%arg11 : memref<!tpu.dma_semaphore, #tpu.memory_space<semaphore_mem>>) src(%dma_wait3A_864 : memref<250112x128xf32, #tpu.memory_space<hbm>>) dst(%dma_wait3A_858 : memref<128x128xf32, #tpu.memory_space<vmem>>)
    %dma_wait3A_865 = arith.constant 3 : i32
    %dma_wait3A_866 = arith.constant 384 : i32
    %dma_wait3A_867 = arith.constant 0 : i32
    %dma_wait3A_868 = tpu.memref_slice %arg10[%dma_wait3A_866, %dma_wait3A_867] : memref<512x128xf32, #tpu.memory_space<vmem>> -> memref<128x128xf32, #tpu.memory_space<vmem>>
    %dma_wait3A_869 = arith.constant 0 : i32
    %dma_wait3A_870 = tpu.memref_slice %arg9[%dma_wait3A_865, %dma_wait3A_869] : memref<4x128xi32, #tpu.memory_space<vmem>> -> memref<1x128xi32, #tpu.memory_space<vmem>>
    %dma_wait3A_871 = tpu.memref_squeeze %dma_wait3A_870 : memref<1x128xi32, #tpu.memory_space<vmem>> -> memref<128xi32, #tpu.memory_space<vmem>>
    %dma_wait3A_872 = arith.constant 0 : i32
    %dma_wait3A_873 = arith.constant 0 : i32
    %dma_wait3A_874 = tpu.memref_slice %arg4[%dma_wait3A_872, %dma_wait3A_873] : memref<250112x128xf32, #tpu.memory_space<hbm>> -> memref<250112x128xf32, #tpu.memory_space<hbm>>
    tpu.wait_indirect_dma semaphore(%arg11 : memref<!tpu.dma_semaphore, #tpu.memory_space<semaphore_mem>>) src(%dma_wait3A_874 : memref<250112x128xf32, #tpu.memory_space<hbm>>) dst(%dma_wait3A_868 : memref<128x128xf32, #tpu.memory_space<vmem>>)
    "tpu.region"() ({
      %run_scoped3A = tpu.sem_alloc : memref<!tpu.dma_semaphore, #tpu.memory_space<semaphore_mem>>
      %dma_start3A_1755 = arith.constant 0 : i32
      %dma_start3A_1756 = tpu.memref_slice %arg6[%mul3A_2, %dma_start3A_1755] : memref<16384x128xf32, #tpu.memory_space<hbm>> -> memref<512x128xf32, #tpu.memory_space<hbm>>
      %dma_start3A_1757 = arith.constant 0 : i32
      %dma_start3A_1758 = tpu.memref_slice %arg6[%mul3A_2, %dma_start3A_1757] : memref<16384x128xf32, #tpu.memory_space<hbm>> -> memref<512x128xf32, #tpu.memory_space<hbm>>
      tpu.enqueue_dma source(%arg10 : memref<512x128xf32, #tpu.memory_space<vmem>>) target(%dma_start3A_1758 : memref<512x128xf32, #tpu.memory_space<hbm>>) target_semaphore(%run_scoped3A : memref<!tpu.dma_semaphore, #tpu.memory_space<semaphore_mem>>)
      %dma_wait3A_1759 = arith.constant 0 : i32
      %dma_wait3A_1760 = tpu.memref_slice %arg6[%mul3A_2, %dma_wait3A_1759] : memref<16384x128xf32, #tpu.memory_space<hbm>> -> memref<512x128xf32, #tpu.memory_space<hbm>>
      %dma_wait3A_1761 = arith.constant 0 : i32
      %dma_wait3A_1762 = tpu.memref_slice %arg6[%mul3A_2, %dma_wait3A_1761] : memref<16384x128xf32, #tpu.memory_space<hbm>> -> memref<512x128xf32, #tpu.memory_space<hbm>>
      tpu.wait_dma2 semaphore(%run_scoped3A : memref<!tpu.dma_semaphore, #tpu.memory_space<semaphore_mem>>) src(%arg10 : memref<512x128xf32, #tpu.memory_space<vmem>>) dst(%dma_wait3A_1762 : memref<512x128xf32, #tpu.memory_space<hbm>>)
      tpu.yield
    }) : () -> ()
    "tpu.region"() ({
      %run_scoped3A = tpu.sem_alloc : memref<!tpu.dma_semaphore, #tpu.memory_space<semaphore_mem>>
      %dma_start3A_1755 = arith.constant 0 : i32
      %dma_start3A_1756 = arith.constant 0 : i32
      %dma_start3A_1757 = tpu.memref_slice %arg3[%add3A, %dma_start3A_1755, %dma_start3A_1756] : memref<32x4x128xi32, #tpu.memory_space<hbm>> -> memref<1x4x128xi32, #tpu.memory_space<hbm>>
      %dma_start3A_1758 = tpu.memref_squeeze %dma_start3A_1757 : memref<1x4x128xi32, #tpu.memory_space<hbm>> -> memref<4x128xi32, #tpu.memory_space<hbm>>
      %dma_start3A_1759 = arith.constant 0 : i32
      %dma_start3A_1760 = arith.constant 0 : i32
      %dma_start3A_1761 = tpu.memref_slice %arg3[%add3A, %dma_start3A_1759, %dma_start3A_1760] : memref<32x4x128xi32, #tpu.memory_space<hbm>> -> memref<1x4x128xi32, #tpu.memory_space<hbm>>
      %dma_start3A_1762 = tpu.memref_squeeze %dma_start3A_1761 : memref<1x4x128xi32, #tpu.memory_space<hbm>> -> memref<4x128xi32, #tpu.memory_space<hbm>>
      tpu.enqueue_dma source(%dma_start3A_1762 : memref<4x128xi32, #tpu.memory_space<hbm>>) target(%arg8 : memref<4x128xi32, #tpu.memory_space<vmem>>) target_semaphore(%run_scoped3A : memref<!tpu.dma_semaphore, #tpu.memory_space<semaphore_mem>>)
      %dma_wait3A_1763 = arith.constant 0 : i32
      %dma_wait3A_1764 = arith.constant 0 : i32
      %dma_wait3A_1765 = tpu.memref_slice %arg3[%add3A, %dma_wait3A_1763, %dma_wait3A_1764] : memref<32x4x128xi32, #tpu.memory_space<hbm>> -> memref<1x4x128xi32, #tpu.memory_space<hbm>>
      %dma_wait3A_1766 = tpu.memref_squeeze %dma_wait3A_1765 : memref<1x4x128xi32, #tpu.memory_space<hbm>> -> memref<4x128xi32, #tpu.memory_space<hbm>>
      %dma_wait3A_1767 = arith.constant 0 : i32
      %dma_wait3A_1768 = arith.constant 0 : i32
      %dma_wait3A_1769 = tpu.memref_slice %arg3[%add3A, %dma_wait3A_1767, %dma_wait3A_1768] : memref<32x4x128xi32, #tpu.memory_space<hbm>> -> memref<1x4x128xi32, #tpu.memory_space<hbm>>
      %dma_wait3A_1770 = tpu.memref_squeeze %dma_wait3A_1769 : memref<1x4x128xi32, #tpu.memory_space<hbm>> -> memref<4x128xi32, #tpu.memory_space<hbm>>
      tpu.wait_dma2 semaphore(%run_scoped3A : memref<!tpu.dma_semaphore, #tpu.memory_space<semaphore_mem>>) src(%dma_wait3A_1770 : memref<4x128xi32, #tpu.memory_space<hbm>>) dst(%arg8 : memref<4x128xi32, #tpu.memory_space<vmem>>)
      tpu.yield
    }) : () -> ()
    %get3A_875 = arith.constant 0 : i32
    %get3A_876 = arith.constant 0 : i32
    %get3A_877 = tpu.memref_slice %arg8[%get3A_875, %get3A_876] : memref<4x128xi32, #tpu.memory_space<vmem>> -> memref<1x128xi32, #tpu.memory_space<vmem>>
    %get3A_878 = tpu.memref_squeeze %get3A_877 : memref<1x128xi32, #tpu.memory_space<vmem>> -> memref<128xi32, #tpu.memory_space<vmem>>
    %get3A_879 = arith.constant 0 : index
    %get3A_880 = tpu.vector_load %get3A_878[%get3A_879] {strides = array<i32>} : memref<128xi32, #tpu.memory_space<vmem>>, vector<16xi32>,
    %get3A_881 = vector.shape_cast %get3A_880 : vector<16xi32> to vector<16xi32>
    %shift_right_arithmetic3A_882 = arith.constant 9 : i32
    %shift_right_arithmetic3A_883 = vector.broadcast %shift_right_arithmetic3A_882 : i32 to vector<16xi32>
    %shift_right_arithmetic3A_884 = arith.shrsi %get3A_881, %shift_right_arithmetic3A_883 : vector<16xi32>
    %shift_left3A_885 = arith.constant 7 : i32
    %shift_left3A_886 = vector.broadcast %shift_left3A_885 : i32 to vector<16xi32>
    %shift_left3A_887 = arith.shli %shift_right_arithmetic3A_884, %shift_left3A_886 : vector<16xi32>
    %and3A_888 = arith.constant 127 : i32
    %and3A_889 = vector.broadcast %and3A_888 : i32 to vector<16xi32>
    %and3A_890 = arith.andi %get3A_881, %and3A_889 : vector<16xi32>
    %or3A_891 = arith.ori %shift_left3A_887, %and3A_890 : vector<16xi32>
    %swap3A_892 = arith.constant 0 : i32
    %swap3A_893 = arith.constant 0 : i32
    %swap3A_894 = tpu.memref_slice %arg9[%swap3A_892, %swap3A_893] : memref<4x128xi32, #tpu.memory_space<vmem>> -> memref<1x128xi32, #tpu.memory_space<vmem>>
    %swap3A_895 = tpu.memref_squeeze %swap3A_894 : memref<1x128xi32, #tpu.memory_space<vmem>> -> memref<128xi32, #tpu.memory_space<vmem>>
    %swap3A_896 = arith.constant 0 : index
    %swap3A_897 = tpu.vector_load %swap3A_895[%swap3A_896] {strides = array<i32>} : memref<128xi32, #tpu.memory_space<vmem>>, vector<16xi32>,
    %swap3A_898 = vector.shape_cast %swap3A_897 : vector<16xi32> to vector<16xi32>
    %swap3A_899 = vector.shape_cast %or3A_891 : vector<16xi32> to vector<16xi32>
    tpu.vector_store %swap3A_895[%swap3A_896], %swap3A_899 {strides = array<i32>} : memref<128xi32, #tpu.memory_space<vmem>>, vector<16xi32>,
    %get3A_900 = arith.constant 0 : i32
    %get3A_901 = arith.constant 0 : i32
    %get3A_902 = tpu.memref_slice %arg8[%get3A_900, %get3A_901] : memref<4x128xi32, #tpu.memory_space<vmem>> -> memref<1x128xi32, #tpu.memory_space<vmem>>
    %get3A_903 = tpu.memref_squeeze %get3A_902 : memref<1x128xi32, #tpu.memory_space<vmem>> -> memref<128xi32, #tpu.memory_space<vmem>>
    %get3A_904 = arith.constant 16 : index
    %get3A_905 = tpu.vector_load %get3A_903[%get3A_904] {strides = array<i32>} : memref<128xi32, #tpu.memory_space<vmem>>, vector<16xi32>,
    %get3A_906 = vector.shape_cast %get3A_905 : vector<16xi32> to vector<16xi32>
    %shift_right_arithmetic3A_907 = arith.constant 9 : i32
    %shift_right_arithmetic3A_908 = vector.broadcast %shift_right_arithmetic3A_907 : i32 to vector<16xi32>
    %shift_right_arithmetic3A_909 = arith.shrsi %get3A_906, %shift_right_arithmetic3A_908 : vector<16xi32>
    %shift_left3A_910 = arith.constant 7 : i32
    %shift_left3A_911 = vector.broadcast %shift_left3A_910 : i32 to vector<16xi32>
    %shift_left3A_912 = arith.shli %shift_right_arithmetic3A_909, %shift_left3A_911 : vector<16xi32>
    %and3A_913 = arith.constant 127 : i32
    %and3A_914 = vector.broadcast %and3A_913 : i32 to vector<16xi32>
    %and3A_915 = arith.andi %get3A_906, %and3A_914 : vector<16xi32>
    %or3A_916 = arith.ori %shift_left3A_912, %and3A_915 : vector<16xi32>
    %swap3A_917 = arith.constant 0 : i32
    %swap3A_918 = arith.constant 0 : i32
    %swap3A_919 = tpu.memref_slice %arg9[%swap3A_917, %swap3A_918] : memref<4x128xi32, #tpu.memory_space<vmem>> -> memref<1x128xi32, #tpu.memory_space<vmem>>
    %swap3A_920 = tpu.memref_squeeze %swap3A_919 : memref<1x128xi32, #tpu.memory_space<vmem>> -> memref<128xi32, #tpu.memory_space<vmem>>
    %swap3A_921 = arith.constant 16 : index
    %swap3A_922 = tpu.vector_load %swap3A_920[%swap3A_921] {strides = array<i32>} : memref<128xi32, #tpu.memory_space<vmem>>, vector<16xi32>,
    %swap3A_923 = vector.shape_cast %swap3A_922 : vector<16xi32> to vector<16xi32>
    %swap3A_924 = vector.shape_cast %or3A_916 : vector<16xi32> to vector<16xi32>
    tpu.vector_store %swap3A_920[%swap3A_921], %swap3A_924 {strides = array<i32>} : memref<128xi32, #tpu.memory_space<vmem>>, vector<16xi32>,
    %get3A_925 = arith.constant 0 : i32
    %get3A_926 = arith.constant 0 : i32
    %get3A_927 = tpu.memref_slice %arg8[%get3A_925, %get3A_926] : memref<4x128xi32, #tpu.memory_space<vmem>> -> memref<1x128xi32, #tpu.memory_space<vmem>>
    %get3A_928 = tpu.memref_squeeze %get3A_927 : memref<1x128xi32, #tpu.memory_space<vmem>> -> memref<128xi32, #tpu.memory_space<vmem>>
    %get3A_929 = arith.constant 32 : index
    %get3A_930 = tpu.vector_load %get3A_928[%get3A_929] {strides = array<i32>} : memref<128xi32, #tpu.memory_space<vmem>>, vector<16xi32>,
    %get3A_931 = vector.shape_cast %get3A_930 : vector<16xi32> to vector<16xi32>
    %shift_right_arithmetic3A_932 = arith.constant 9 : i32
    %shift_right_arithmetic3A_933 = vector.broadcast %shift_right_arithmetic3A_932 : i32 to vector<16xi32>
    %shift_right_arithmetic3A_934 = arith.shrsi %get3A_931, %shift_right_arithmetic3A_933 : vector<16xi32>
    %shift_left3A_935 = arith.constant 7 : i32
    %shift_left3A_936 = vector.broadcast %shift_left3A_935 : i32 to vector<16xi32>
    %shift_left3A_937 = arith.shli %shift_right_arithmetic3A_934, %shift_left3A_936 : vector<16xi32>
    %and3A_938 = arith.constant 127 : i32
    %and3A_939 = vector.broadcast %and3A_938 : i32 to vector<16xi32>
    %and3A_940 = arith.andi %get3A_931, %and3A_939 : vector<16xi32>
    %or3A_941 = arith.ori %shift_left3A_937, %and3A_940 : vector<16xi32>
    %swap3A_942 = arith.constant 0 : i32
    %swap3A_943 = arith.constant 0 : i32
    %swap3A_944 = tpu.memref_slice %arg9[%swap3A_942, %swap3A_943] : memref<4x128xi32, #tpu.memory_space<vmem>> -> memref<1x128xi32, #tpu.memory_space<vmem>>
    %swap3A_945 = tpu.memref_squeeze %swap3A_944 : memref<1x128xi32, #tpu.memory_space<vmem>> -> memref<128xi32, #tpu.memory_space<vmem>>
    %swap3A_946 = arith.constant 32 : index
    %swap3A_947 = tpu.vector_load %swap3A_945[%swap3A_946] {strides = array<i32>} : memref<128xi32, #tpu.memory_space<vmem>>, vector<16xi32>,
    %swap3A_948 = vector.shape_cast %swap3A_947 : vector<16xi32> to vector<16xi32>
    %swap3A_949 = vector.shape_cast %or3A_941 : vector<16xi32> to vector<16xi32>
    tpu.vector_store %swap3A_945[%swap3A_946], %swap3A_949 {strides = array<i32>} : memref<128xi32, #tpu.memory_space<vmem>>, vector<16xi32>,
    %get3A_950 = arith.constant 0 : i32
    %get3A_951 = arith.constant 0 : i32
    %get3A_952 = tpu.memref_slice %arg8[%get3A_950, %get3A_951] : memref<4x128xi32, #tpu.memory_space<vmem>> -> memref<1x128xi32, #tpu.memory_space<vmem>>
    %get3A_953 = tpu.memref_squeeze %get3A_952 : memref<1x128xi32, #tpu.memory_space<vmem>> -> memref<128xi32, #tpu.memory_space<vmem>>
    %get3A_954 = arith.constant 48 : index
    %get3A_955 = tpu.vector_load %get3A_953[%get3A_954] {strides = array<i32>} : memref<128xi32, #tpu.memory_space<vmem>>, vector<16xi32>,
    %get3A_956 = vector.shape_cast %get3A_955 : vector<16xi32> to vector<16xi32>
    %shift_right_arithmetic3A_957 = arith.constant 9 : i32
    %shift_right_arithmetic3A_958 = vector.broadcast %shift_right_arithmetic3A_957 : i32 to vector<16xi32>
    %shift_right_arithmetic3A_959 = arith.shrsi %get3A_956, %shift_right_arithmetic3A_958 : vector<16xi32>
    %shift_left3A_960 = arith.constant 7 : i32
    %shift_left3A_961 = vector.broadcast %shift_left3A_960 : i32 to vector<16xi32>
    %shift_left3A_962 = arith.shli %shift_right_arithmetic3A_959, %shift_left3A_961 : vector<16xi32>
    %and3A_963 = arith.constant 127 : i32
    %and3A_964 = vector.broadcast %and3A_963 : i32 to vector<16xi32>
    %and3A_965 = arith.andi %get3A_956, %and3A_964 : vector<16xi32>
    %or3A_966 = arith.ori %shift_left3A_962, %and3A_965 : vector<16xi32>
    %swap3A_967 = arith.constant 0 : i32
    %swap3A_968 = arith.constant 0 : i32
    %swap3A_969 = tpu.memref_slice %arg9[%swap3A_967, %swap3A_968] : memref<4x128xi32, #tpu.memory_space<vmem>> -> memref<1x128xi32, #tpu.memory_space<vmem>>
    %swap3A_970 = tpu.memref_squeeze %swap3A_969 : memref<1x128xi32, #tpu.memory_space<vmem>> -> memref<128xi32, #tpu.memory_space<vmem>>
    %swap3A_971 = arith.constant 48 : index
    %swap3A_972 = tpu.vector_load %swap3A_970[%swap3A_971] {strides = array<i32>} : memref<128xi32, #tpu.memory_space<vmem>>, vector<16xi32>,
    %swap3A_973 = vector.shape_cast %swap3A_972 : vector<16xi32> to vector<16xi32>
    %swap3A_974 = vector.shape_cast %or3A_966 : vector<16xi32> to vector<16xi32>
    tpu.vector_store %swap3A_970[%swap3A_971], %swap3A_974 {strides = array<i32>} : memref<128xi32, #tpu.memory_space<vmem>>, vector<16xi32>,
    %get3A_975 = arith.constant 0 : i32
    %get3A_976 = arith.constant 0 : i32
    %get3A_977 = tpu.memref_slice %arg8[%get3A_975, %get3A_976] : memref<4x128xi32, #tpu.memory_space<vmem>> -> memref<1x128xi32, #tpu.memory_space<vmem>>
    %get3A_978 = tpu.memref_squeeze %get3A_977 : memref<1x128xi32, #tpu.memory_space<vmem>> -> memref<128xi32, #tpu.memory_space<vmem>>
    %get3A_979 = arith.constant 64 : index
    %get3A_980 = tpu.vector_load %get3A_978[%get3A_979] {strides = array<i32>} : memref<128xi32, #tpu.memory_space<vmem>>, vector<16xi32>,
    %get3A_981 = vector.shape_cast %get3A_980 : vector<16xi32> to vector<16xi32>
    %shift_right_arithmetic3A_982 = arith.constant 9 : i32
    %shift_right_arithmetic3A_983 = vector.broadcast %shift_right_arithmetic3A_982 : i32 to vector<16xi32>
    %shift_right_arithmetic3A_984 = arith.shrsi %get3A_981, %shift_right_arithmetic3A_983 : vector<16xi32>
    %shift_left3A_985 = arith.constant 7 : i32
    %shift_left3A_986 = vector.broadcast %shift_left3A_985 : i32 to vector<16xi32>
    %shift_left3A_987 = arith.shli %shift_right_arithmetic3A_984, %shift_left3A_986 : vector<16xi32>
    %and3A_988 = arith.constant 127 : i32
    %and3A_989 = vector.broadcast %and3A_988 : i32 to vector<16xi32>
    %and3A_990 = arith.andi %get3A_981, %and3A_989 : vector<16xi32>
    %or3A_991 = arith.ori %shift_left3A_987, %and3A_990 : vector<16xi32>
    %swap3A_992 = arith.constant 0 : i32
    %swap3A_993 = arith.constant 0 : i32
    %swap3A_994 = tpu.memref_slice %arg9[%swap3A_992, %swap3A_993] : memref<4x128xi32, #tpu.memory_space<vmem>> -> memref<1x128xi32, #tpu.memory_space<vmem>>
    %swap3A_995 = tpu.memref_squeeze %swap3A_994 : memref<1x128xi32, #tpu.memory_space<vmem>> -> memref<128xi32, #tpu.memory_space<vmem>>
    %swap3A_996 = arith.constant 64 : index
    %swap3A_997 = tpu.vector_load %swap3A_995[%swap3A_996] {strides = array<i32>} : memref<128xi32, #tpu.memory_space<vmem>>, vector<16xi32>,
    %swap3A_998 = vector.shape_cast %swap3A_997 : vector<16xi32> to vector<16xi32>
    %swap3A_999 = vector.shape_cast %or3A_991 : vector<16xi32> to vector<16xi32>
    tpu.vector_store %swap3A_995[%swap3A_996], %swap3A_999 {strides = array<i32>} : memref<128xi32, #tpu.memory_space<vmem>>, vector<16xi32>,
    %get3A_1000 = arith.constant 0 : i32
    %get3A_1001 = arith.constant 0 : i32
    %get3A_1002 = tpu.memref_slice %arg8[%get3A_1000, %get3A_1001] : memref<4x128xi32, #tpu.memory_space<vmem>> -> memref<1x128xi32, #tpu.memory_space<vmem>>
    %get3A_1003 = tpu.memref_squeeze %get3A_1002 : memref<1x128xi32, #tpu.memory_space<vmem>> -> memref<128xi32, #tpu.memory_space<vmem>>
    %get3A_1004 = arith.constant 80 : index
    %get3A_1005 = tpu.vector_load %get3A_1003[%get3A_1004] {strides = array<i32>} : memref<128xi32, #tpu.memory_space<vmem>>, vector<16xi32>,
    %get3A_1006 = vector.shape_cast %get3A_1005 : vector<16xi32> to vector<16xi32>
    %shift_right_arithmetic3A_1007 = arith.constant 9 : i32
    %shift_right_arithmetic3A_1008 = vector.broadcast %shift_right_arithmetic3A_1007 : i32 to vector<16xi32>
    %shift_right_arithmetic3A_1009 = arith.shrsi %get3A_1006, %shift_right_arithmetic3A_1008 : vector<16xi32>
    %shift_left3A_1010 = arith.constant 7 : i32
    %shift_left3A_1011 = vector.broadcast %shift_left3A_1010 : i32 to vector<16xi32>
    %shift_left3A_1012 = arith.shli %shift_right_arithmetic3A_1009, %shift_left3A_1011 : vector<16xi32>
    %and3A_1013 = arith.constant 127 : i32
    %and3A_1014 = vector.broadcast %and3A_1013 : i32 to vector<16xi32>
    %and3A_1015 = arith.andi %get3A_1006, %and3A_1014 : vector<16xi32>
    %or3A_1016 = arith.ori %shift_left3A_1012, %and3A_1015 : vector<16xi32>
    %swap3A_1017 = arith.constant 0 : i32
    %swap3A_1018 = arith.constant 0 : i32
    %swap3A_1019 = tpu.memref_slice %arg9[%swap3A_1017, %swap3A_1018] : memref<4x128xi32, #tpu.memory_space<vmem>> -> memref<1x128xi32, #tpu.memory_space<vmem>>
    %swap3A_1020 = tpu.memref_squeeze %swap3A_1019 : memref<1x128xi32, #tpu.memory_space<vmem>> -> memref<128xi32, #tpu.memory_space<vmem>>
    %swap3A_1021 = arith.constant 80 : index
    %swap3A_1022 = tpu.vector_load %swap3A_1020[%swap3A_1021] {strides = array<i32>} : memref<128xi32, #tpu.memory_space<vmem>>, vector<16xi32>,
    %swap3A_1023 = vector.shape_cast %swap3A_1022 : vector<16xi32> to vector<16xi32>
    %swap3A_1024 = vector.shape_cast %or3A_1016 : vector<16xi32> to vector<16xi32>
    tpu.vector_store %swap3A_1020[%swap3A_1021], %swap3A_1024 {strides = array<i32>} : memref<128xi32, #tpu.memory_space<vmem>>, vector<16xi32>,
    %get3A_1025 = arith.constant 0 : i32
    %get3A_1026 = arith.constant 0 : i32
    %get3A_1027 = tpu.memref_slice %arg8[%get3A_1025, %get3A_1026] : memref<4x128xi32, #tpu.memory_space<vmem>> -> memref<1x128xi32, #tpu.memory_space<vmem>>
    %get3A_1028 = tpu.memref_squeeze %get3A_1027 : memref<1x128xi32, #tpu.memory_space<vmem>> -> memref<128xi32, #tpu.memory_space<vmem>>
    %get3A_1029 = arith.constant 96 : index
    %get3A_1030 = tpu.vector_load %get3A_1028[%get3A_1029] {strides = array<i32>} : memref<128xi32, #tpu.memory_space<vmem>>, vector<16xi32>,
    %get3A_1031 = vector.shape_cast %get3A_1030 : vector<16xi32> to vector<16xi32>
    %shift_right_arithmetic3A_1032 = arith.constant 9 : i32
    %shift_right_arithmetic3A_1033 = vector.broadcast %shift_right_arithmetic3A_1032 : i32 to vector<16xi32>
    %shift_right_arithmetic3A_1034 = arith.shrsi %get3A_1031, %shift_right_arithmetic3A_1033 : vector<16xi32>
    %shift_left3A_1035 = arith.constant 7 : i32
    %shift_left3A_1036 = vector.broadcast %shift_left3A_1035 : i32 to vector<16xi32>
    %shift_left3A_1037 = arith.shli %shift_right_arithmetic3A_1034, %shift_left3A_1036 : vector<16xi32>
    %and3A_1038 = arith.constant 127 : i32
    %and3A_1039 = vector.broadcast %and3A_1038 : i32 to vector<16xi32>
    %and3A_1040 = arith.andi %get3A_1031, %and3A_1039 : vector<16xi32>
    %or3A_1041 = arith.ori %shift_left3A_1037, %and3A_1040 : vector<16xi32>
    %swap3A_1042 = arith.constant 0 : i32
    %swap3A_1043 = arith.constant 0 : i32
    %swap3A_1044 = tpu.memref_slice %arg9[%swap3A_1042, %swap3A_1043] : memref<4x128xi32, #tpu.memory_space<vmem>> -> memref<1x128xi32, #tpu.memory_space<vmem>>
    %swap3A_1045 = tpu.memref_squeeze %swap3A_1044 : memref<1x128xi32, #tpu.memory_space<vmem>> -> memref<128xi32, #tpu.memory_space<vmem>>
    %swap3A_1046 = arith.constant 96 : index
    %swap3A_1047 = tpu.vector_load %swap3A_1045[%swap3A_1046] {strides = array<i32>} : memref<128xi32, #tpu.memory_space<vmem>>, vector<16xi32>,
    %swap3A_1048 = vector.shape_cast %swap3A_1047 : vector<16xi32> to vector<16xi32>
    %swap3A_1049 = vector.shape_cast %or3A_1041 : vector<16xi32> to vector<16xi32>
    tpu.vector_store %swap3A_1045[%swap3A_1046], %swap3A_1049 {strides = array<i32>} : memref<128xi32, #tpu.memory_space<vmem>>, vector<16xi32>,
    %get3A_1050 = arith.constant 0 : i32
    %get3A_1051 = arith.constant 0 : i32
    %get3A_1052 = tpu.memref_slice %arg8[%get3A_1050, %get3A_1051] : memref<4x128xi32, #tpu.memory_space<vmem>> -> memref<1x128xi32, #tpu.memory_space<vmem>>
    %get3A_1053 = tpu.memref_squeeze %get3A_1052 : memref<1x128xi32, #tpu.memory_space<vmem>> -> memref<128xi32, #tpu.memory_space<vmem>>
    %get3A_1054 = arith.constant 112 : index
    %get3A_1055 = tpu.vector_load %get3A_1053[%get3A_1054] {strides = array<i32>} : memref<128xi32, #tpu.memory_space<vmem>>, vector<16xi32>,
    %get3A_1056 = vector.shape_cast %get3A_1055 : vector<16xi32> to vector<16xi32>
    %shift_right_arithmetic3A_1057 = arith.constant 9 : i32
    %shift_right_arithmetic3A_1058 = vector.broadcast %shift_right_arithmetic3A_1057 : i32 to vector<16xi32>
    %shift_right_arithmetic3A_1059 = arith.shrsi %get3A_1056, %shift_right_arithmetic3A_1058 : vector<16xi32>
    %shift_left3A_1060 = arith.constant 7 : i32
    %shift_left3A_1061 = vector.broadcast %shift_left3A_1060 : i32 to vector<16xi32>
    %shift_left3A_1062 = arith.shli %shift_right_arithmetic3A_1059, %shift_left3A_1061 : vector<16xi32>
    %and3A_1063 = arith.constant 127 : i32
    %and3A_1064 = vector.broadcast %and3A_1063 : i32 to vector<16xi32>
    %and3A_1065 = arith.andi %get3A_1056, %and3A_1064 : vector<16xi32>
    %or3A_1066 = arith.ori %shift_left3A_1062, %and3A_1065 : vector<16xi32>
    %swap3A_1067 = arith.constant 0 : i32
    %swap3A_1068 = arith.constant 0 : i32
    %swap3A_1069 = tpu.memref_slice %arg9[%swap3A_1067, %swap3A_1068] : memref<4x128xi32, #tpu.memory_space<vmem>> -> memref<1x128xi32, #tpu.memory_space<vmem>>
    %swap3A_1070 = tpu.memref_squeeze %swap3A_1069 : memref<1x128xi32, #tpu.memory_space<vmem>> -> memref<128xi32, #tpu.memory_space<vmem>>
    %swap3A_1071 = arith.constant 112 : index
    %swap3A_1072 = tpu.vector_load %swap3A_1070[%swap3A_1071] {strides = array<i32>} : memref<128xi32, #tpu.memory_space<vmem>>, vector<16xi32>,
    %swap3A_1073 = vector.shape_cast %swap3A_1072 : vector<16xi32> to vector<16xi32>
    %swap3A_1074 = vector.shape_cast %or3A_1066 : vector<16xi32> to vector<16xi32>
    tpu.vector_store %swap3A_1070[%swap3A_1071], %swap3A_1074 {strides = array<i32>} : memref<128xi32, #tpu.memory_space<vmem>>, vector<16xi32>,
    %get3A_1075 = arith.constant 1 : i32
    %get3A_1076 = arith.constant 0 : i32
    %get3A_1077 = tpu.memref_slice %arg8[%get3A_1075, %get3A_1076] : memref<4x128xi32, #tpu.memory_space<vmem>> -> memref<1x128xi32, #tpu.memory_space<vmem>>
    %get3A_1078 = tpu.memref_squeeze %get3A_1077 : memref<1x128xi32, #tpu.memory_space<vmem>> -> memref<128xi32, #tpu.memory_space<vmem>>
    %get3A_1079 = arith.constant 0 : index
    %get3A_1080 = tpu.vector_load %get3A_1078[%get3A_1079] {strides = array<i32>} : memref<128xi32, #tpu.memory_space<vmem>>, vector<16xi32>,
    %get3A_1081 = vector.shape_cast %get3A_1080 : vector<16xi32> to vector<16xi32>
    %shift_right_arithmetic3A_1082 = arith.constant 9 : i32
    %shift_right_arithmetic3A_1083 = vector.broadcast %shift_right_arithmetic3A_1082 : i32 to vector<16xi32>
    %shift_right_arithmetic3A_1084 = arith.shrsi %get3A_1081, %shift_right_arithmetic3A_1083 : vector<16xi32>
    %shift_left3A_1085 = arith.constant 7 : i32
    %shift_left3A_1086 = vector.broadcast %shift_left3A_1085 : i32 to vector<16xi32>
    %shift_left3A_1087 = arith.shli %shift_right_arithmetic3A_1084, %shift_left3A_1086 : vector<16xi32>
    %and3A_1088 = arith.constant 127 : i32
    %and3A_1089 = vector.broadcast %and3A_1088 : i32 to vector<16xi32>
    %and3A_1090 = arith.andi %get3A_1081, %and3A_1089 : vector<16xi32>
    %or3A_1091 = arith.ori %shift_left3A_1087, %and3A_1090 : vector<16xi32>
    %swap3A_1092 = arith.constant 1 : i32
    %swap3A_1093 = arith.constant 0 : i32
    %swap3A_1094 = tpu.memref_slice %arg9[%swap3A_1092, %swap3A_1093] : memref<4x128xi32, #tpu.memory_space<vmem>> -> memref<1x128xi32, #tpu.memory_space<vmem>>
    %swap3A_1095 = tpu.memref_squeeze %swap3A_1094 : memref<1x128xi32, #tpu.memory_space<vmem>> -> memref<128xi32, #tpu.memory_space<vmem>>
    %swap3A_1096 = arith.constant 0 : index
    %swap3A_1097 = tpu.vector_load %swap3A_1095[%swap3A_1096] {strides = array<i32>} : memref<128xi32, #tpu.memory_space<vmem>>, vector<16xi32>,
    %swap3A_1098 = vector.shape_cast %swap3A_1097 : vector<16xi32> to vector<16xi32>
    %swap3A_1099 = vector.shape_cast %or3A_1091 : vector<16xi32> to vector<16xi32>
    tpu.vector_store %swap3A_1095[%swap3A_1096], %swap3A_1099 {strides = array<i32>} : memref<128xi32, #tpu.memory_space<vmem>>, vector<16xi32>,
    %get3A_1100 = arith.constant 1 : i32
    %get3A_1101 = arith.constant 0 : i32
    %get3A_1102 = tpu.memref_slice %arg8[%get3A_1100, %get3A_1101] : memref<4x128xi32, #tpu.memory_space<vmem>> -> memref<1x128xi32, #tpu.memory_space<vmem>>
    %get3A_1103 = tpu.memref_squeeze %get3A_1102 : memref<1x128xi32, #tpu.memory_space<vmem>> -> memref<128xi32, #tpu.memory_space<vmem>>
    %get3A_1104 = arith.constant 16 : index
    %get3A_1105 = tpu.vector_load %get3A_1103[%get3A_1104] {strides = array<i32>} : memref<128xi32, #tpu.memory_space<vmem>>, vector<16xi32>,
    %get3A_1106 = vector.shape_cast %get3A_1105 : vector<16xi32> to vector<16xi32>
    %shift_right_arithmetic3A_1107 = arith.constant 9 : i32
    %shift_right_arithmetic3A_1108 = vector.broadcast %shift_right_arithmetic3A_1107 : i32 to vector<16xi32>
    %shift_right_arithmetic3A_1109 = arith.shrsi %get3A_1106, %shift_right_arithmetic3A_1108 : vector<16xi32>
    %shift_left3A_1110 = arith.constant 7 : i32
    %shift_left3A_1111 = vector.broadcast %shift_left3A_1110 : i32 to vector<16xi32>
    %shift_left3A_1112 = arith.shli %shift_right_arithmetic3A_1109, %shift_left3A_1111 : vector<16xi32>
    %and3A_1113 = arith.constant 127 : i32
    %and3A_1114 = vector.broadcast %and3A_1113 : i32 to vector<16xi32>
    %and3A_1115 = arith.andi %get3A_1106, %and3A_1114 : vector<16xi32>
    %or3A_1116 = arith.ori %shift_left3A_1112, %and3A_1115 : vector<16xi32>
    %swap3A_1117 = arith.constant 1 : i32
    %swap3A_1118 = arith.constant 0 : i32
    %swap3A_1119 = tpu.memref_slice %arg9[%swap3A_1117, %swap3A_1118] : memref<4x128xi32, #tpu.memory_space<vmem>> -> memref<1x128xi32, #tpu.memory_space<vmem>>
    %swap3A_1120 = tpu.memref_squeeze %swap3A_1119 : memref<1x128xi32, #tpu.memory_space<vmem>> -> memref<128xi32, #tpu.memory_space<vmem>>
    %swap3A_1121 = arith.constant 16 : index
    %swap3A_1122 = tpu.vector_load %swap3A_1120[%swap3A_1121] {strides = array<i32>} : memref<128xi32, #tpu.memory_space<vmem>>, vector<16xi32>,
    %swap3A_1123 = vector.shape_cast %swap3A_1122 : vector<16xi32> to vector<16xi32>
    %swap3A_1124 = vector.shape_cast %or3A_1116 : vector<16xi32> to vector<16xi32>
    tpu.vector_store %swap3A_1120[%swap3A_1121], %swap3A_1124 {strides = array<i32>} : memref<128xi32, #tpu.memory_space<vmem>>, vector<16xi32>,
    %get3A_1125 = arith.constant 1 : i32
    %get3A_1126 = arith.constant 0 : i32
    %get3A_1127 = tpu.memref_slice %arg8[%get3A_1125, %get3A_1126] : memref<4x128xi32, #tpu.memory_space<vmem>> -> memref<1x128xi32, #tpu.memory_space<vmem>>
    %get3A_1128 = tpu.memref_squeeze %get3A_1127 : memref<1x128xi32, #tpu.memory_space<vmem>> -> memref<128xi32, #tpu.memory_space<vmem>>
    %get3A_1129 = arith.constant 32 : index
    %get3A_1130 = tpu.vector_load %get3A_1128[%get3A_1129] {strides = array<i32>} : memref<128xi32, #tpu.memory_space<vmem>>, vector<16xi32>,
    %get3A_1131 = vector.shape_cast %get3A_1130 : vector<16xi32> to vector<16xi32>
    %shift_right_arithmetic3A_1132 = arith.constant 9 : i32
    %shift_right_arithmetic3A_1133 = vector.broadcast %shift_right_arithmetic3A_1132 : i32 to vector<16xi32>
    %shift_right_arithmetic3A_1134 = arith.shrsi %get3A_1131, %shift_right_arithmetic3A_1133 : vector<16xi32>
    %shift_left3A_1135 = arith.constant 7 : i32
    %shift_left3A_1136 = vector.broadcast %shift_left3A_1135 : i32 to vector<16xi32>
    %shift_left3A_1137 = arith.shli %shift_right_arithmetic3A_1134, %shift_left3A_1136 : vector<16xi32>
    %and3A_1138 = arith.constant 127 : i32
    %and3A_1139 = vector.broadcast %and3A_1138 : i32 to vector<16xi32>
    %and3A_1140 = arith.andi %get3A_1131, %and3A_1139 : vector<16xi32>
    %or3A_1141 = arith.ori %shift_left3A_1137, %and3A_1140 : vector<16xi32>
    %swap3A_1142 = arith.constant 1 : i32
    %swap3A_1143 = arith.constant 0 : i32
    %swap3A_1144 = tpu.memref_slice %arg9[%swap3A_1142, %swap3A_1143] : memref<4x128xi32, #tpu.memory_space<vmem>> -> memref<1x128xi32, #tpu.memory_space<vmem>>
    %swap3A_1145 = tpu.memref_squeeze %swap3A_1144 : memref<1x128xi32, #tpu.memory_space<vmem>> -> memref<128xi32, #tpu.memory_space<vmem>>
    %swap3A_1146 = arith.constant 32 : index
    %swap3A_1147 = tpu.vector_load %swap3A_1145[%swap3A_1146] {strides = array<i32>} : memref<128xi32, #tpu.memory_space<vmem>>, vector<16xi32>,
    %swap3A_1148 = vector.shape_cast %swap3A_1147 : vector<16xi32> to vector<16xi32>
    %swap3A_1149 = vector.shape_cast %or3A_1141 : vector<16xi32> to vector<16xi32>
    tpu.vector_store %swap3A_1145[%swap3A_1146], %swap3A_1149 {strides = array<i32>} : memref<128xi32, #tpu.memory_space<vmem>>, vector<16xi32>,
    %get3A_1150 = arith.constant 1 : i32
    %get3A_1151 = arith.constant 0 : i32
    %get3A_1152 = tpu.memref_slice %arg8[%get3A_1150, %get3A_1151] : memref<4x128xi32, #tpu.memory_space<vmem>> -> memref<1x128xi32, #tpu.memory_space<vmem>>
    %get3A_1153 = tpu.memref_squeeze %get3A_1152 : memref<1x128xi32, #tpu.memory_space<vmem>> -> memref<128xi32, #tpu.memory_space<vmem>>
    %get3A_1154 = arith.constant 48 : index
    %get3A_1155 = tpu.vector_load %get3A_1153[%get3A_1154] {strides = array<i32>} : memref<128xi32, #tpu.memory_space<vmem>>, vector<16xi32>,
    %get3A_1156 = vector.shape_cast %get3A_1155 : vector<16xi32> to vector<16xi32>
    %shift_right_arithmetic3A_1157 = arith.constant 9 : i32
    %shift_right_arithmetic3A_1158 = vector.broadcast %shift_right_arithmetic3A_1157 : i32 to vector<16xi32>
    %shift_right_arithmetic3A_1159 = arith.shrsi %get3A_1156, %shift_right_arithmetic3A_1158 : vector<16xi32>
    %shift_left3A_1160 = arith.constant 7 : i32
    %shift_left3A_1161 = vector.broadcast %shift_left3A_1160 : i32 to vector<16xi32>
    %shift_left3A_1162 = arith.shli %shift_right_arithmetic3A_1159, %shift_left3A_1161 : vector<16xi32>
    %and3A_1163 = arith.constant 127 : i32
    %and3A_1164 = vector.broadcast %and3A_1163 : i32 to vector<16xi32>
    %and3A_1165 = arith.andi %get3A_1156, %and3A_1164 : vector<16xi32>
    %or3A_1166 = arith.ori %shift_left3A_1162, %and3A_1165 : vector<16xi32>
    %swap3A_1167 = arith.constant 1 : i32
    %swap3A_1168 = arith.constant 0 : i32
    %swap3A_1169 = tpu.memref_slice %arg9[%swap3A_1167, %swap3A_1168] : memref<4x128xi32, #tpu.memory_space<vmem>> -> memref<1x128xi32, #tpu.memory_space<vmem>>
    %swap3A_1170 = tpu.memref_squeeze %swap3A_1169 : memref<1x128xi32, #tpu.memory_space<vmem>> -> memref<128xi32, #tpu.memory_space<vmem>>
    %swap3A_1171 = arith.constant 48 : index
    %swap3A_1172 = tpu.vector_load %swap3A_1170[%swap3A_1171] {strides = array<i32>} : memref<128xi32, #tpu.memory_space<vmem>>, vector<16xi32>,
    %swap3A_1173 = vector.shape_cast %swap3A_1172 : vector<16xi32> to vector<16xi32>
    %swap3A_1174 = vector.shape_cast %or3A_1166 : vector<16xi32> to vector<16xi32>
    tpu.vector_store %swap3A_1170[%swap3A_1171], %swap3A_1174 {strides = array<i32>} : memref<128xi32, #tpu.memory_space<vmem>>, vector<16xi32>,
    %get3A_1175 = arith.constant 1 : i32
    %get3A_1176 = arith.constant 0 : i32
    %get3A_1177 = tpu.memref_slice %arg8[%get3A_1175, %get3A_1176] : memref<4x128xi32, #tpu.memory_space<vmem>> -> memref<1x128xi32, #tpu.memory_space<vmem>>
    %get3A_1178 = tpu.memref_squeeze %get3A_1177 : memref<1x128xi32, #tpu.memory_space<vmem>> -> memref<128xi32, #tpu.memory_space<vmem>>
    %get3A_1179 = arith.constant 64 : index
    %get3A_1180 = tpu.vector_load %get3A_1178[%get3A_1179] {strides = array<i32>} : memref<128xi32, #tpu.memory_space<vmem>>, vector<16xi32>,
    %get3A_1181 = vector.shape_cast %get3A_1180 : vector<16xi32> to vector<16xi32>
    %shift_right_arithmetic3A_1182 = arith.constant 9 : i32
    %shift_right_arithmetic3A_1183 = vector.broadcast %shift_right_arithmetic3A_1182 : i32 to vector<16xi32>
    %shift_right_arithmetic3A_1184 = arith.shrsi %get3A_1181, %shift_right_arithmetic3A_1183 : vector<16xi32>
    %shift_left3A_1185 = arith.constant 7 : i32
    %shift_left3A_1186 = vector.broadcast %shift_left3A_1185 : i32 to vector<16xi32>
    %shift_left3A_1187 = arith.shli %shift_right_arithmetic3A_1184, %shift_left3A_1186 : vector<16xi32>
    %and3A_1188 = arith.constant 127 : i32
    %and3A_1189 = vector.broadcast %and3A_1188 : i32 to vector<16xi32>
    %and3A_1190 = arith.andi %get3A_1181, %and3A_1189 : vector<16xi32>
    %or3A_1191 = arith.ori %shift_left3A_1187, %and3A_1190 : vector<16xi32>
    %swap3A_1192 = arith.constant 1 : i32
    %swap3A_1193 = arith.constant 0 : i32
    %swap3A_1194 = tpu.memref_slice %arg9[%swap3A_1192, %swap3A_1193] : memref<4x128xi32, #tpu.memory_space<vmem>> -> memref<1x128xi32, #tpu.memory_space<vmem>>
    %swap3A_1195 = tpu.memref_squeeze %swap3A_1194 : memref<1x128xi32, #tpu.memory_space<vmem>> -> memref<128xi32, #tpu.memory_space<vmem>>
    %swap3A_1196 = arith.constant 64 : index
    %swap3A_1197 = tpu.vector_load %swap3A_1195[%swap3A_1196] {strides = array<i32>} : memref<128xi32, #tpu.memory_space<vmem>>, vector<16xi32>,
    %swap3A_1198 = vector.shape_cast %swap3A_1197 : vector<16xi32> to vector<16xi32>
    %swap3A_1199 = vector.shape_cast %or3A_1191 : vector<16xi32> to vector<16xi32>
    tpu.vector_store %swap3A_1195[%swap3A_1196], %swap3A_1199 {strides = array<i32>} : memref<128xi32, #tpu.memory_space<vmem>>, vector<16xi32>,
    %get3A_1200 = arith.constant 1 : i32
    %get3A_1201 = arith.constant 0 : i32
    %get3A_1202 = tpu.memref_slice %arg8[%get3A_1200, %get3A_1201] : memref<4x128xi32, #tpu.memory_space<vmem>> -> memref<1x128xi32, #tpu.memory_space<vmem>>
    %get3A_1203 = tpu.memref_squeeze %get3A_1202 : memref<1x128xi32, #tpu.memory_space<vmem>> -> memref<128xi32, #tpu.memory_space<vmem>>
    %get3A_1204 = arith.constant 80 : index
    %get3A_1205 = tpu.vector_load %get3A_1203[%get3A_1204] {strides = array<i32>} : memref<128xi32, #tpu.memory_space<vmem>>, vector<16xi32>,
    %get3A_1206 = vector.shape_cast %get3A_1205 : vector<16xi32> to vector<16xi32>
    %shift_right_arithmetic3A_1207 = arith.constant 9 : i32
    %shift_right_arithmetic3A_1208 = vector.broadcast %shift_right_arithmetic3A_1207 : i32 to vector<16xi32>
    %shift_right_arithmetic3A_1209 = arith.shrsi %get3A_1206, %shift_right_arithmetic3A_1208 : vector<16xi32>
    %shift_left3A_1210 = arith.constant 7 : i32
    %shift_left3A_1211 = vector.broadcast %shift_left3A_1210 : i32 to vector<16xi32>
    %shift_left3A_1212 = arith.shli %shift_right_arithmetic3A_1209, %shift_left3A_1211 : vector<16xi32>
    %and3A_1213 = arith.constant 127 : i32
    %and3A_1214 = vector.broadcast %and3A_1213 : i32 to vector<16xi32>
    %and3A_1215 = arith.andi %get3A_1206, %and3A_1214 : vector<16xi32>
    %or3A_1216 = arith.ori %shift_left3A_1212, %and3A_1215 : vector<16xi32>
    %swap3A_1217 = arith.constant 1 : i32
    %swap3A_1218 = arith.constant 0 : i32
    %swap3A_1219 = tpu.memref_slice %arg9[%swap3A_1217, %swap3A_1218] : memref<4x128xi32, #tpu.memory_space<vmem>> -> memref<1x128xi32, #tpu.memory_space<vmem>>
    %swap3A_1220 = tpu.memref_squeeze %swap3A_1219 : memref<1x128xi32, #tpu.memory_space<vmem>> -> memref<128xi32, #tpu.memory_space<vmem>>
    %swap3A_1221 = arith.constant 80 : index
    %swap3A_1222 = tpu.vector_load %swap3A_1220[%swap3A_1221] {strides = array<i32>} : memref<128xi32, #tpu.memory_space<vmem>>, vector<16xi32>,
    %swap3A_1223 = vector.shape_cast %swap3A_1222 : vector<16xi32> to vector<16xi32>
    %swap3A_1224 = vector.shape_cast %or3A_1216 : vector<16xi32> to vector<16xi32>
    tpu.vector_store %swap3A_1220[%swap3A_1221], %swap3A_1224 {strides = array<i32>} : memref<128xi32, #tpu.memory_space<vmem>>, vector<16xi32>,
    %get3A_1225 = arith.constant 1 : i32
    %get3A_1226 = arith.constant 0 : i32
    %get3A_1227 = tpu.memref_slice %arg8[%get3A_1225, %get3A_1226] : memref<4x128xi32, #tpu.memory_space<vmem>> -> memref<1x128xi32, #tpu.memory_space<vmem>>
    %get3A_1228 = tpu.memref_squeeze %get3A_1227 : memref<1x128xi32, #tpu.memory_space<vmem>> -> memref<128xi32, #tpu.memory_space<vmem>>
    %get3A_1229 = arith.constant 96 : index
    %get3A_1230 = tpu.vector_load %get3A_1228[%get3A_1229] {strides = array<i32>} : memref<128xi32, #tpu.memory_space<vmem>>, vector<16xi32>,
    %get3A_1231 = vector.shape_cast %get3A_1230 : vector<16xi32> to vector<16xi32>
    %shift_right_arithmetic3A_1232 = arith.constant 9 : i32
    %shift_right_arithmetic3A_1233 = vector.broadcast %shift_right_arithmetic3A_1232 : i32 to vector<16xi32>
    %shift_right_arithmetic3A_1234 = arith.shrsi %get3A_1231, %shift_right_arithmetic3A_1233 : vector<16xi32>
    %shift_left3A_1235 = arith.constant 7 : i32
    %shift_left3A_1236 = vector.broadcast %shift_left3A_1235 : i32 to vector<16xi32>
    %shift_left3A_1237 = arith.shli %shift_right_arithmetic3A_1234, %shift_left3A_1236 : vector<16xi32>
    %and3A_1238 = arith.constant 127 : i32
    %and3A_1239 = vector.broadcast %and3A_1238 : i32 to vector<16xi32>
    %and3A_1240 = arith.andi %get3A_1231, %and3A_1239 : vector<16xi32>
    %or3A_1241 = arith.ori %shift_left3A_1237, %and3A_1240 : vector<16xi32>
    %swap3A_1242 = arith.constant 1 : i32
    %swap3A_1243 = arith.constant 0 : i32
    %swap3A_1244 = tpu.memref_slice %arg9[%swap3A_1242, %swap3A_1243] : memref<4x128xi32, #tpu.memory_space<vmem>> -> memref<1x128xi32, #tpu.memory_space<vmem>>
    %swap3A_1245 = tpu.memref_squeeze %swap3A_1244 : memref<1x128xi32, #tpu.memory_space<vmem>> -> memref<128xi32, #tpu.memory_space<vmem>>
    %swap3A_1246 = arith.constant 96 : index
    %swap3A_1247 = tpu.vector_load %swap3A_1245[%swap3A_1246] {strides = array<i32>} : memref<128xi32, #tpu.memory_space<vmem>>, vector<16xi32>,
    %swap3A_1248 = vector.shape_cast %swap3A_1247 : vector<16xi32> to vector<16xi32>
    %swap3A_1249 = vector.shape_cast %or3A_1241 : vector<16xi32> to vector<16xi32>
    tpu.vector_store %swap3A_1245[%swap3A_1246], %swap3A_1249 {strides = array<i32>} : memref<128xi32, #tpu.memory_space<vmem>>, vector<16xi32>,
    %get3A_1250 = arith.constant 1 : i32
    %get3A_1251 = arith.constant 0 : i32
    %get3A_1252 = tpu.memref_slice %arg8[%get3A_1250, %get3A_1251] : memref<4x128xi32, #tpu.memory_space<vmem>> -> memref<1x128xi32, #tpu.memory_space<vmem>>
    %get3A_1253 = tpu.memref_squeeze %get3A_1252 : memref<1x128xi32, #tpu.memory_space<vmem>> -> memref<128xi32, #tpu.memory_space<vmem>>
    %get3A_1254 = arith.constant 112 : index
    %get3A_1255 = tpu.vector_load %get3A_1253[%get3A_1254] {strides = array<i32>} : memref<128xi32, #tpu.memory_space<vmem>>, vector<16xi32>,
    %get3A_1256 = vector.shape_cast %get3A_1255 : vector<16xi32> to vector<16xi32>
    %shift_right_arithmetic3A_1257 = arith.constant 9 : i32
    %shift_right_arithmetic3A_1258 = vector.broadcast %shift_right_arithmetic3A_1257 : i32 to vector<16xi32>
    %shift_right_arithmetic3A_1259 = arith.shrsi %get3A_1256, %shift_right_arithmetic3A_1258 : vector<16xi32>
    %shift_left3A_1260 = arith.constant 7 : i32
    %shift_left3A_1261 = vector.broadcast %shift_left3A_1260 : i32 to vector<16xi32>
    %shift_left3A_1262 = arith.shli %shift_right_arithmetic3A_1259, %shift_left3A_1261 : vector<16xi32>
    %and3A_1263 = arith.constant 127 : i32
    %and3A_1264 = vector.broadcast %and3A_1263 : i32 to vector<16xi32>
    %and3A_1265 = arith.andi %get3A_1256, %and3A_1264 : vector<16xi32>
    %or3A_1266 = arith.ori %shift_left3A_1262, %and3A_1265 : vector<16xi32>
    %swap3A_1267 = arith.constant 1 : i32
    %swap3A_1268 = arith.constant 0 : i32
    %swap3A_1269 = tpu.memref_slice %arg9[%swap3A_1267, %swap3A_1268] : memref<4x128xi32, #tpu.memory_space<vmem>> -> memref<1x128xi32, #tpu.memory_space<vmem>>
    %swap3A_1270 = tpu.memref_squeeze %swap3A_1269 : memref<1x128xi32, #tpu.memory_space<vmem>> -> memref<128xi32, #tpu.memory_space<vmem>>
    %swap3A_1271 = arith.constant 112 : index
    %swap3A_1272 = tpu.vector_load %swap3A_1270[%swap3A_1271] {strides = array<i32>} : memref<128xi32, #tpu.memory_space<vmem>>, vector<16xi32>,
    %swap3A_1273 = vector.shape_cast %swap3A_1272 : vector<16xi32> to vector<16xi32>
    %swap3A_1274 = vector.shape_cast %or3A_1266 : vector<16xi32> to vector<16xi32>
    tpu.vector_store %swap3A_1270[%swap3A_1271], %swap3A_1274 {strides = array<i32>} : memref<128xi32, #tpu.memory_space<vmem>>, vector<16xi32>,
    %get3A_1275 = arith.constant 2 : i32
    %get3A_1276 = arith.constant 0 : i32
    %get3A_1277 = tpu.memref_slice %arg8[%get3A_1275, %get3A_1276] : memref<4x128xi32, #tpu.memory_space<vmem>> -> memref<1x128xi32, #tpu.memory_space<vmem>>
    %get3A_1278 = tpu.memref_squeeze %get3A_1277 : memref<1x128xi32, #tpu.memory_space<vmem>> -> memref<128xi32, #tpu.memory_space<vmem>>
    %get3A_1279 = arith.constant 0 : index
    %get3A_1280 = tpu.vector_load %get3A_1278[%get3A_1279] {strides = array<i32>} : memref<128xi32, #tpu.memory_space<vmem>>, vector<16xi32>,
    %get3A_1281 = vector.shape_cast %get3A_1280 : vector<16xi32> to vector<16xi32>
    %shift_right_arithmetic3A_1282 = arith.constant 9 : i32
    %shift_right_arithmetic3A_1283 = vector.broadcast %shift_right_arithmetic3A_1282 : i32 to vector<16xi32>
    %shift_right_arithmetic3A_1284 = arith.shrsi %get3A_1281, %shift_right_arithmetic3A_1283 : vector<16xi32>
    %shift_left3A_1285 = arith.constant 7 : i32
    %shift_left3A_1286 = vector.broadcast %shift_left3A_1285 : i32 to vector<16xi32>
    %shift_left3A_1287 = arith.shli %shift_right_arithmetic3A_1284, %shift_left3A_1286 : vector<16xi32>
    %and3A_1288 = arith.constant 127 : i32
    %and3A_1289 = vector.broadcast %and3A_1288 : i32 to vector<16xi32>
    %and3A_1290 = arith.andi %get3A_1281, %and3A_1289 : vector<16xi32>
    %or3A_1291 = arith.ori %shift_left3A_1287, %and3A_1290 : vector<16xi32>
    %swap3A_1292 = arith.constant 2 : i32
    %swap3A_1293 = arith.constant 0 : i32
    %swap3A_1294 = tpu.memref_slice %arg9[%swap3A_1292, %swap3A_1293] : memref<4x128xi32, #tpu.memory_space<vmem>> -> memref<1x128xi32, #tpu.memory_space<vmem>>
    %swap3A_1295 = tpu.memref_squeeze %swap3A_1294 : memref<1x128xi32, #tpu.memory_space<vmem>> -> memref<128xi32, #tpu.memory_space<vmem>>
    %swap3A_1296 = arith.constant 0 : index
    %swap3A_1297 = tpu.vector_load %swap3A_1295[%swap3A_1296] {strides = array<i32>} : memref<128xi32, #tpu.memory_space<vmem>>, vector<16xi32>,
    %swap3A_1298 = vector.shape_cast %swap3A_1297 : vector<16xi32> to vector<16xi32>
    %swap3A_1299 = vector.shape_cast %or3A_1291 : vector<16xi32> to vector<16xi32>
    tpu.vector_store %swap3A_1295[%swap3A_1296], %swap3A_1299 {strides = array<i32>} : memref<128xi32, #tpu.memory_space<vmem>>, vector<16xi32>,
    %get3A_1300 = arith.constant 2 : i32
    %get3A_1301 = arith.constant 0 : i32
    %get3A_1302 = tpu.memref_slice %arg8[%get3A_1300, %get3A_1301] : memref<4x128xi32, #tpu.memory_space<vmem>> -> memref<1x128xi32, #tpu.memory_space<vmem>>
    %get3A_1303 = tpu.memref_squeeze %get3A_1302 : memref<1x128xi32, #tpu.memory_space<vmem>> -> memref<128xi32, #tpu.memory_space<vmem>>
    %get3A_1304 = arith.constant 16 : index
    %get3A_1305 = tpu.vector_load %get3A_1303[%get3A_1304] {strides = array<i32>} : memref<128xi32, #tpu.memory_space<vmem>>, vector<16xi32>,
    %get3A_1306 = vector.shape_cast %get3A_1305 : vector<16xi32> to vector<16xi32>
    %shift_right_arithmetic3A_1307 = arith.constant 9 : i32
    %shift_right_arithmetic3A_1308 = vector.broadcast %shift_right_arithmetic3A_1307 : i32 to vector<16xi32>
    %shift_right_arithmetic3A_1309 = arith.shrsi %get3A_1306, %shift_right_arithmetic3A_1308 : vector<16xi32>
    %shift_left3A_1310 = arith.constant 7 : i32
    %shift_left3A_1311 = vector.broadcast %shift_left3A_1310 : i32 to vector<16xi32>
    %shift_left3A_1312 = arith.shli %shift_right_arithmetic3A_1309, %shift_left3A_1311 : vector<16xi32>
    %and3A_1313 = arith.constant 127 : i32
    %and3A_1314 = vector.broadcast %and3A_1313 : i32 to vector<16xi32>
    %and3A_1315 = arith.andi %get3A_1306, %and3A_1314 : vector<16xi32>
    %or3A_1316 = arith.ori %shift_left3A_1312, %and3A_1315 : vector<16xi32>
    %swap3A_1317 = arith.constant 2 : i32
    %swap3A_1318 = arith.constant 0 : i32
    %swap3A_1319 = tpu.memref_slice %arg9[%swap3A_1317, %swap3A_1318] : memref<4x128xi32, #tpu.memory_space<vmem>> -> memref<1x128xi32, #tpu.memory_space<vmem>>
    %swap3A_1320 = tpu.memref_squeeze %swap3A_1319 : memref<1x128xi32, #tpu.memory_space<vmem>> -> memref<128xi32, #tpu.memory_space<vmem>>
    %swap3A_1321 = arith.constant 16 : index
    %swap3A_1322 = tpu.vector_load %swap3A_1320[%swap3A_1321] {strides = array<i32>} : memref<128xi32, #tpu.memory_space<vmem>>, vector<16xi32>,
    %swap3A_1323 = vector.shape_cast %swap3A_1322 : vector<16xi32> to vector<16xi32>
    %swap3A_1324 = vector.shape_cast %or3A_1316 : vector<16xi32> to vector<16xi32>
    tpu.vector_store %swap3A_1320[%swap3A_1321], %swap3A_1324 {strides = array<i32>} : memref<128xi32, #tpu.memory_space<vmem>>, vector<16xi32>,
    %get3A_1325 = arith.constant 2 : i32
    %get3A_1326 = arith.constant 0 : i32
    %get3A_1327 = tpu.memref_slice %arg8[%get3A_1325, %get3A_1326] : memref<4x128xi32, #tpu.memory_space<vmem>> -> memref<1x128xi32, #tpu.memory_space<vmem>>
    %get3A_1328 = tpu.memref_squeeze %get3A_1327 : memref<1x128xi32, #tpu.memory_space<vmem>> -> memref<128xi32, #tpu.memory_space<vmem>>
    %get3A_1329 = arith.constant 32 : index
    %get3A_1330 = tpu.vector_load %get3A_1328[%get3A_1329] {strides = array<i32>} : memref<128xi32, #tpu.memory_space<vmem>>, vector<16xi32>,
    %get3A_1331 = vector.shape_cast %get3A_1330 : vector<16xi32> to vector<16xi32>
    %shift_right_arithmetic3A_1332 = arith.constant 9 : i32
    %shift_right_arithmetic3A_1333 = vector.broadcast %shift_right_arithmetic3A_1332 : i32 to vector<16xi32>
    %shift_right_arithmetic3A_1334 = arith.shrsi %get3A_1331, %shift_right_arithmetic3A_1333 : vector<16xi32>
    %shift_left3A_1335 = arith.constant 7 : i32
    %shift_left3A_1336 = vector.broadcast %shift_left3A_1335 : i32 to vector<16xi32>
    %shift_left3A_1337 = arith.shli %shift_right_arithmetic3A_1334, %shift_left3A_1336 : vector<16xi32>
    %and3A_1338 = arith.constant 127 : i32
    %and3A_1339 = vector.broadcast %and3A_1338 : i32 to vector<16xi32>
    %and3A_1340 = arith.andi %get3A_1331, %and3A_1339 : vector<16xi32>
    %or3A_1341 = arith.ori %shift_left3A_1337, %and3A_1340 : vector<16xi32>
    %swap3A_1342 = arith.constant 2 : i32
    %swap3A_1343 = arith.constant 0 : i32
    %swap3A_1344 = tpu.memref_slice %arg9[%swap3A_1342, %swap3A_1343] : memref<4x128xi32, #tpu.memory_space<vmem>> -> memref<1x128xi32, #tpu.memory_space<vmem>>
    %swap3A_1345 = tpu.memref_squeeze %swap3A_1344 : memref<1x128xi32, #tpu.memory_space<vmem>> -> memref<128xi32, #tpu.memory_space<vmem>>
    %swap3A_1346 = arith.constant 32 : index
    %swap3A_1347 = tpu.vector_load %swap3A_1345[%swap3A_1346] {strides = array<i32>} : memref<128xi32, #tpu.memory_space<vmem>>, vector<16xi32>,
    %swap3A_1348 = vector.shape_cast %swap3A_1347 : vector<16xi32> to vector<16xi32>
    %swap3A_1349 = vector.shape_cast %or3A_1341 : vector<16xi32> to vector<16xi32>
    tpu.vector_store %swap3A_1345[%swap3A_1346], %swap3A_1349 {strides = array<i32>} : memref<128xi32, #tpu.memory_space<vmem>>, vector<16xi32>,
    %get3A_1350 = arith.constant 2 : i32
    %get3A_1351 = arith.constant 0 : i32
    %get3A_1352 = tpu.memref_slice %arg8[%get3A_1350, %get3A_1351] : memref<4x128xi32, #tpu.memory_space<vmem>> -> memref<1x128xi32, #tpu.memory_space<vmem>>
    %get3A_1353 = tpu.memref_squeeze %get3A_1352 : memref<1x128xi32, #tpu.memory_space<vmem>> -> memref<128xi32, #tpu.memory_space<vmem>>
    %get3A_1354 = arith.constant 48 : index
    %get3A_1355 = tpu.vector_load %get3A_1353[%get3A_1354] {strides = array<i32>} : memref<128xi32, #tpu.memory_space<vmem>>, vector<16xi32>,
    %get3A_1356 = vector.shape_cast %get3A_1355 : vector<16xi32> to vector<16xi32>
    %shift_right_arithmetic3A_1357 = arith.constant 9 : i32
    %shift_right_arithmetic3A_1358 = vector.broadcast %shift_right_arithmetic3A_1357 : i32 to vector<16xi32>
    %shift_right_arithmetic3A_1359 = arith.shrsi %get3A_1356, %shift_right_arithmetic3A_1358 : vector<16xi32>
    %shift_left3A_1360 = arith.constant 7 : i32
    %shift_left3A_1361 = vector.broadcast %shift_left3A_1360 : i32 to vector<16xi32>
    %shift_left3A_1362 = arith.shli %shift_right_arithmetic3A_1359, %shift_left3A_1361 : vector<16xi32>
    %and3A_1363 = arith.constant 127 : i32
    %and3A_1364 = vector.broadcast %and3A_1363 : i32 to vector<16xi32>
    %and3A_1365 = arith.andi %get3A_1356, %and3A_1364 : vector<16xi32>
    %or3A_1366 = arith.ori %shift_left3A_1362, %and3A_1365 : vector<16xi32>
    %swap3A_1367 = arith.constant 2 : i32
    %swap3A_1368 = arith.constant 0 : i32
    %swap3A_1369 = tpu.memref_slice %arg9[%swap3A_1367, %swap3A_1368] : memref<4x128xi32, #tpu.memory_space<vmem>> -> memref<1x128xi32, #tpu.memory_space<vmem>>
    %swap3A_1370 = tpu.memref_squeeze %swap3A_1369 : memref<1x128xi32, #tpu.memory_space<vmem>> -> memref<128xi32, #tpu.memory_space<vmem>>
    %swap3A_1371 = arith.constant 48 : index
    %swap3A_1372 = tpu.vector_load %swap3A_1370[%swap3A_1371] {strides = array<i32>} : memref<128xi32, #tpu.memory_space<vmem>>, vector<16xi32>,
    %swap3A_1373 = vector.shape_cast %swap3A_1372 : vector<16xi32> to vector<16xi32>
    %swap3A_1374 = vector.shape_cast %or3A_1366 : vector<16xi32> to vector<16xi32>
    tpu.vector_store %swap3A_1370[%swap3A_1371], %swap3A_1374 {strides = array<i32>} : memref<128xi32, #tpu.memory_space<vmem>>, vector<16xi32>,
    %get3A_1375 = arith.constant 2 : i32
    %get3A_1376 = arith.constant 0 : i32
    %get3A_1377 = tpu.memref_slice %arg8[%get3A_1375, %get3A_1376] : memref<4x128xi32, #tpu.memory_space<vmem>> -> memref<1x128xi32, #tpu.memory_space<vmem>>
    %get3A_1378 = tpu.memref_squeeze %get3A_1377 : memref<1x128xi32, #tpu.memory_space<vmem>> -> memref<128xi32, #tpu.memory_space<vmem>>
    %get3A_1379 = arith.constant 64 : index
    %get3A_1380 = tpu.vector_load %get3A_1378[%get3A_1379] {strides = array<i32>} : memref<128xi32, #tpu.memory_space<vmem>>, vector<16xi32>,
    %get3A_1381 = vector.shape_cast %get3A_1380 : vector<16xi32> to vector<16xi32>
    %shift_right_arithmetic3A_1382 = arith.constant 9 : i32
    %shift_right_arithmetic3A_1383 = vector.broadcast %shift_right_arithmetic3A_1382 : i32 to vector<16xi32>
    %shift_right_arithmetic3A_1384 = arith.shrsi %get3A_1381, %shift_right_arithmetic3A_1383 : vector<16xi32>
    %shift_left3A_1385 = arith.constant 7 : i32
    %shift_left3A_1386 = vector.broadcast %shift_left3A_1385 : i32 to vector<16xi32>
    %shift_left3A_1387 = arith.shli %shift_right_arithmetic3A_1384, %shift_left3A_1386 : vector<16xi32>
    %and3A_1388 = arith.constant 127 : i32
    %and3A_1389 = vector.broadcast %and3A_1388 : i32 to vector<16xi32>
    %and3A_1390 = arith.andi %get3A_1381, %and3A_1389 : vector<16xi32>
    %or3A_1391 = arith.ori %shift_left3A_1387, %and3A_1390 : vector<16xi32>
    %swap3A_1392 = arith.constant 2 : i32
    %swap3A_1393 = arith.constant 0 : i32
    %swap3A_1394 = tpu.memref_slice %arg9[%swap3A_1392, %swap3A_1393] : memref<4x128xi32, #tpu.memory_space<vmem>> -> memref<1x128xi32, #tpu.memory_space<vmem>>
    %swap3A_1395 = tpu.memref_squeeze %swap3A_1394 : memref<1x128xi32, #tpu.memory_space<vmem>> -> memref<128xi32, #tpu.memory_space<vmem>>
    %swap3A_1396 = arith.constant 64 : index
    %swap3A_1397 = tpu.vector_load %swap3A_1395[%swap3A_1396] {strides = array<i32>} : memref<128xi32, #tpu.memory_space<vmem>>, vector<16xi32>,
    %swap3A_1398 = vector.shape_cast %swap3A_1397 : vector<16xi32> to vector<16xi32>
    %swap3A_1399 = vector.shape_cast %or3A_1391 : vector<16xi32> to vector<16xi32>
    tpu.vector_store %swap3A_1395[%swap3A_1396], %swap3A_1399 {strides = array<i32>} : memref<128xi32, #tpu.memory_space<vmem>>, vector<16xi32>,
    %get3A_1400 = arith.constant 2 : i32
    %get3A_1401 = arith.constant 0 : i32
    %get3A_1402 = tpu.memref_slice %arg8[%get3A_1400, %get3A_1401] : memref<4x128xi32, #tpu.memory_space<vmem>> -> memref<1x128xi32, #tpu.memory_space<vmem>>
    %get3A_1403 = tpu.memref_squeeze %get3A_1402 : memref<1x128xi32, #tpu.memory_space<vmem>> -> memref<128xi32, #tpu.memory_space<vmem>>
    %get3A_1404 = arith.constant 80 : index
    %get3A_1405 = tpu.vector_load %get3A_1403[%get3A_1404] {strides = array<i32>} : memref<128xi32, #tpu.memory_space<vmem>>, vector<16xi32>,
    %get3A_1406 = vector.shape_cast %get3A_1405 : vector<16xi32> to vector<16xi32>
    %shift_right_arithmetic3A_1407 = arith.constant 9 : i32
    %shift_right_arithmetic3A_1408 = vector.broadcast %shift_right_arithmetic3A_1407 : i32 to vector<16xi32>
    %shift_right_arithmetic3A_1409 = arith.shrsi %get3A_1406, %shift_right_arithmetic3A_1408 : vector<16xi32>
    %shift_left3A_1410 = arith.constant 7 : i32
    %shift_left3A_1411 = vector.broadcast %shift_left3A_1410 : i32 to vector<16xi32>
    %shift_left3A_1412 = arith.shli %shift_right_arithmetic3A_1409, %shift_left3A_1411 : vector<16xi32>
    %and3A_1413 = arith.constant 127 : i32
    %and3A_1414 = vector.broadcast %and3A_1413 : i32 to vector<16xi32>
    %and3A_1415 = arith.andi %get3A_1406, %and3A_1414 : vector<16xi32>
    %or3A_1416 = arith.ori %shift_left3A_1412, %and3A_1415 : vector<16xi32>
    %swap3A_1417 = arith.constant 2 : i32
    %swap3A_1418 = arith.constant 0 : i32
    %swap3A_1419 = tpu.memref_slice %arg9[%swap3A_1417, %swap3A_1418] : memref<4x128xi32, #tpu.memory_space<vmem>> -> memref<1x128xi32, #tpu.memory_space<vmem>>
    %swap3A_1420 = tpu.memref_squeeze %swap3A_1419 : memref<1x128xi32, #tpu.memory_space<vmem>> -> memref<128xi32, #tpu.memory_space<vmem>>
    %swap3A_1421 = arith.constant 80 : index
    %swap3A_1422 = tpu.vector_load %swap3A_1420[%swap3A_1421] {strides = array<i32>} : memref<128xi32, #tpu.memory_space<vmem>>, vector<16xi32>,
    %swap3A_1423 = vector.shape_cast %swap3A_1422 : vector<16xi32> to vector<16xi32>
    %swap3A_1424 = vector.shape_cast %or3A_1416 : vector<16xi32> to vector<16xi32>
    tpu.vector_store %swap3A_1420[%swap3A_1421], %swap3A_1424 {strides = array<i32>} : memref<128xi32, #tpu.memory_space<vmem>>, vector<16xi32>,
    %get3A_1425 = arith.constant 2 : i32
    %get3A_1426 = arith.constant 0 : i32
    %get3A_1427 = tpu.memref_slice %arg8[%get3A_1425, %get3A_1426] : memref<4x128xi32, #tpu.memory_space<vmem>> -> memref<1x128xi32, #tpu.memory_space<vmem>>
    %get3A_1428 = tpu.memref_squeeze %get3A_1427 : memref<1x128xi32, #tpu.memory_space<vmem>> -> memref<128xi32, #tpu.memory_space<vmem>>
    %get3A_1429 = arith.constant 96 : index
    %get3A_1430 = tpu.vector_load %get3A_1428[%get3A_1429] {strides = array<i32>} : memref<128xi32, #tpu.memory_space<vmem>>, vector<16xi32>,
    %get3A_1431 = vector.shape_cast %get3A_1430 : vector<16xi32> to vector<16xi32>
    %shift_right_arithmetic3A_1432 = arith.constant 9 : i32
    %shift_right_arithmetic3A_1433 = vector.broadcast %shift_right_arithmetic3A_1432 : i32 to vector<16xi32>
    %shift_right_arithmetic3A_1434 = arith.shrsi %get3A_1431, %shift_right_arithmetic3A_1433 : vector<16xi32>
    %shift_left3A_1435 = arith.constant 7 : i32
    %shift_left3A_1436 = vector.broadcast %shift_left3A_1435 : i32 to vector<16xi32>
    %shift_left3A_1437 = arith.shli %shift_right_arithmetic3A_1434, %shift_left3A_1436 : vector<16xi32>
    %and3A_1438 = arith.constant 127 : i32
    %and3A_1439 = vector.broadcast %and3A_1438 : i32 to vector<16xi32>
    %and3A_1440 = arith.andi %get3A_1431, %and3A_1439 : vector<16xi32>
    %or3A_1441 = arith.ori %shift_left3A_1437, %and3A_1440 : vector<16xi32>
    %swap3A_1442 = arith.constant 2 : i32
    %swap3A_1443 = arith.constant 0 : i32
    %swap3A_1444 = tpu.memref_slice %arg9[%swap3A_1442, %swap3A_1443] : memref<4x128xi32, #tpu.memory_space<vmem>> -> memref<1x128xi32, #tpu.memory_space<vmem>>
    %swap3A_1445 = tpu.memref_squeeze %swap3A_1444 : memref<1x128xi32, #tpu.memory_space<vmem>> -> memref<128xi32, #tpu.memory_space<vmem>>
    %swap3A_1446 = arith.constant 96 : index
    %swap3A_1447 = tpu.vector_load %swap3A_1445[%swap3A_1446] {strides = array<i32>} : memref<128xi32, #tpu.memory_space<vmem>>, vector<16xi32>,
    %swap3A_1448 = vector.shape_cast %swap3A_1447 : vector<16xi32> to vector<16xi32>
    %swap3A_1449 = vector.shape_cast %or3A_1441 : vector<16xi32> to vector<16xi32>
    tpu.vector_store %swap3A_1445[%swap3A_1446], %swap3A_1449 {strides = array<i32>} : memref<128xi32, #tpu.memory_space<vmem>>, vector<16xi32>,
    %get3A_1450 = arith.constant 2 : i32
    %get3A_1451 = arith.constant 0 : i32
    %get3A_1452 = tpu.memref_slice %arg8[%get3A_1450, %get3A_1451] : memref<4x128xi32, #tpu.memory_space<vmem>> -> memref<1x128xi32, #tpu.memory_space<vmem>>
    %get3A_1453 = tpu.memref_squeeze %get3A_1452 : memref<1x128xi32, #tpu.memory_space<vmem>> -> memref<128xi32, #tpu.memory_space<vmem>>
    %get3A_1454 = arith.constant 112 : index
    %get3A_1455 = tpu.vector_load %get3A_1453[%get3A_1454] {strides = array<i32>} : memref<128xi32, #tpu.memory_space<vmem>>, vector<16xi32>,
    %get3A_1456 = vector.shape_cast %get3A_1455 : vector<16xi32> to vector<16xi32>
    %shift_right_arithmetic3A_1457 = arith.constant 9 : i32
    %shift_right_arithmetic3A_1458 = vector.broadcast %shift_right_arithmetic3A_1457 : i32 to vector<16xi32>
    %shift_right_arithmetic3A_1459 = arith.shrsi %get3A_1456, %shift_right_arithmetic3A_1458 : vector<16xi32>
    %shift_left3A_1460 = arith.constant 7 : i32
    %shift_left3A_1461 = vector.broadcast %shift_left3A_1460 : i32 to vector<16xi32>
    %shift_left3A_1462 = arith.shli %shift_right_arithmetic3A_1459, %shift_left3A_1461 : vector<16xi32>
    %and3A_1463 = arith.constant 127 : i32
    %and3A_1464 = vector.broadcast %and3A_1463 : i32 to vector<16xi32>
    %and3A_1465 = arith.andi %get3A_1456, %and3A_1464 : vector<16xi32>
    %or3A_1466 = arith.ori %shift_left3A_1462, %and3A_1465 : vector<16xi32>
    %swap3A_1467 = arith.constant 2 : i32
    %swap3A_1468 = arith.constant 0 : i32
    %swap3A_1469 = tpu.memref_slice %arg9[%swap3A_1467, %swap3A_1468] : memref<4x128xi32, #tpu.memory_space<vmem>> -> memref<1x128xi32, #tpu.memory_space<vmem>>
    %swap3A_1470 = tpu.memref_squeeze %swap3A_1469 : memref<1x128xi32, #tpu.memory_space<vmem>> -> memref<128xi32, #tpu.memory_space<vmem>>
    %swap3A_1471 = arith.constant 112 : index
    %swap3A_1472 = tpu.vector_load %swap3A_1470[%swap3A_1471] {strides = array<i32>} : memref<128xi32, #tpu.memory_space<vmem>>, vector<16xi32>,
    %swap3A_1473 = vector.shape_cast %swap3A_1472 : vector<16xi32> to vector<16xi32>
    %swap3A_1474 = vector.shape_cast %or3A_1466 : vector<16xi32> to vector<16xi32>
    tpu.vector_store %swap3A_1470[%swap3A_1471], %swap3A_1474 {strides = array<i32>} : memref<128xi32, #tpu.memory_space<vmem>>, vector<16xi32>,
    %get3A_1475 = arith.constant 3 : i32
    %get3A_1476 = arith.constant 0 : i32
    %get3A_1477 = tpu.memref_slice %arg8[%get3A_1475, %get3A_1476] : memref<4x128xi32, #tpu.memory_space<vmem>> -> memref<1x128xi32, #tpu.memory_space<vmem>>
    %get3A_1478 = tpu.memref_squeeze %get3A_1477 : memref<1x128xi32, #tpu.memory_space<vmem>> -> memref<128xi32, #tpu.memory_space<vmem>>
    %get3A_1479 = arith.constant 0 : index
    %get3A_1480 = tpu.vector_load %get3A_1478[%get3A_1479] {strides = array<i32>} : memref<128xi32, #tpu.memory_space<vmem>>, vector<16xi32>,
    %get3A_1481 = vector.shape_cast %get3A_1480 : vector<16xi32> to vector<16xi32>
    %shift_right_arithmetic3A_1482 = arith.constant 9 : i32
    %shift_right_arithmetic3A_1483 = vector.broadcast %shift_right_arithmetic3A_1482 : i32 to vector<16xi32>
    %shift_right_arithmetic3A_1484 = arith.shrsi %get3A_1481, %shift_right_arithmetic3A_1483 : vector<16xi32>
    %shift_left3A_1485 = arith.constant 7 : i32
    %shift_left3A_1486 = vector.broadcast %shift_left3A_1485 : i32 to vector<16xi32>
    %shift_left3A_1487 = arith.shli %shift_right_arithmetic3A_1484, %shift_left3A_1486 : vector<16xi32>
    %and3A_1488 = arith.constant 127 : i32
    %and3A_1489 = vector.broadcast %and3A_1488 : i32 to vector<16xi32>
    %and3A_1490 = arith.andi %get3A_1481, %and3A_1489 : vector<16xi32>
    %or3A_1491 = arith.ori %shift_left3A_1487, %and3A_1490 : vector<16xi32>
    %swap3A_1492 = arith.constant 3 : i32
    %swap3A_1493 = arith.constant 0 : i32
    %swap3A_1494 = tpu.memref_slice %arg9[%swap3A_1492, %swap3A_1493] : memref<4x128xi32, #tpu.memory_space<vmem>> -> memref<1x128xi32, #tpu.memory_space<vmem>>
    %swap3A_1495 = tpu.memref_squeeze %swap3A_1494 : memref<1x128xi32, #tpu.memory_space<vmem>> -> memref<128xi32, #tpu.memory_space<vmem>>
    %swap3A_1496 = arith.constant 0 : index
    %swap3A_1497 = tpu.vector_load %swap3A_1495[%swap3A_1496] {strides = array<i32>} : memref<128xi32, #tpu.memory_space<vmem>>, vector<16xi32>,
    %swap3A_1498 = vector.shape_cast %swap3A_1497 : vector<16xi32> to vector<16xi32>
    %swap3A_1499 = vector.shape_cast %or3A_1491 : vector<16xi32> to vector<16xi32>
    tpu.vector_store %swap3A_1495[%swap3A_1496], %swap3A_1499 {strides = array<i32>} : memref<128xi32, #tpu.memory_space<vmem>>, vector<16xi32>,
    %get3A_1500 = arith.constant 3 : i32
    %get3A_1501 = arith.constant 0 : i32
    %get3A_1502 = tpu.memref_slice %arg8[%get3A_1500, %get3A_1501] : memref<4x128xi32, #tpu.memory_space<vmem>> -> memref<1x128xi32, #tpu.memory_space<vmem>>
    %get3A_1503 = tpu.memref_squeeze %get3A_1502 : memref<1x128xi32, #tpu.memory_space<vmem>> -> memref<128xi32, #tpu.memory_space<vmem>>
    %get3A_1504 = arith.constant 16 : index
    %get3A_1505 = tpu.vector_load %get3A_1503[%get3A_1504] {strides = array<i32>} : memref<128xi32, #tpu.memory_space<vmem>>, vector<16xi32>,
    %get3A_1506 = vector.shape_cast %get3A_1505 : vector<16xi32> to vector<16xi32>
    %shift_right_arithmetic3A_1507 = arith.constant 9 : i32
    %shift_right_arithmetic3A_1508 = vector.broadcast %shift_right_arithmetic3A_1507 : i32 to vector<16xi32>
    %shift_right_arithmetic3A_1509 = arith.shrsi %get3A_1506, %shift_right_arithmetic3A_1508 : vector<16xi32>
    %shift_left3A_1510 = arith.constant 7 : i32
    %shift_left3A_1511 = vector.broadcast %shift_left3A_1510 : i32 to vector<16xi32>
    %shift_left3A_1512 = arith.shli %shift_right_arithmetic3A_1509, %shift_left3A_1511 : vector<16xi32>
    %and3A_1513 = arith.constant 127 : i32
    %and3A_1514 = vector.broadcast %and3A_1513 : i32 to vector<16xi32>
    %and3A_1515 = arith.andi %get3A_1506, %and3A_1514 : vector<16xi32>
    %or3A_1516 = arith.ori %shift_left3A_1512, %and3A_1515 : vector<16xi32>
    %swap3A_1517 = arith.constant 3 : i32
    %swap3A_1518 = arith.constant 0 : i32
    %swap3A_1519 = tpu.memref_slice %arg9[%swap3A_1517, %swap3A_1518] : memref<4x128xi32, #tpu.memory_space<vmem>> -> memref<1x128xi32, #tpu.memory_space<vmem>>
    %swap3A_1520 = tpu.memref_squeeze %swap3A_1519 : memref<1x128xi32, #tpu.memory_space<vmem>> -> memref<128xi32, #tpu.memory_space<vmem>>
    %swap3A_1521 = arith.constant 16 : index
    %swap3A_1522 = tpu.vector_load %swap3A_1520[%swap3A_1521] {strides = array<i32>} : memref<128xi32, #tpu.memory_space<vmem>>, vector<16xi32>,
    %swap3A_1523 = vector.shape_cast %swap3A_1522 : vector<16xi32> to vector<16xi32>
    %swap3A_1524 = vector.shape_cast %or3A_1516 : vector<16xi32> to vector<16xi32>
    tpu.vector_store %swap3A_1520[%swap3A_1521], %swap3A_1524 {strides = array<i32>} : memref<128xi32, #tpu.memory_space<vmem>>, vector<16xi32>,
    %get3A_1525 = arith.constant 3 : i32
    %get3A_1526 = arith.constant 0 : i32
    %get3A_1527 = tpu.memref_slice %arg8[%get3A_1525, %get3A_1526] : memref<4x128xi32, #tpu.memory_space<vmem>> -> memref<1x128xi32, #tpu.memory_space<vmem>>
    %get3A_1528 = tpu.memref_squeeze %get3A_1527 : memref<1x128xi32, #tpu.memory_space<vmem>> -> memref<128xi32, #tpu.memory_space<vmem>>
    %get3A_1529 = arith.constant 32 : index
    %get3A_1530 = tpu.vector_load %get3A_1528[%get3A_1529] {strides = array<i32>} : memref<128xi32, #tpu.memory_space<vmem>>, vector<16xi32>,
    %get3A_1531 = vector.shape_cast %get3A_1530 : vector<16xi32> to vector<16xi32>
    %shift_right_arithmetic3A_1532 = arith.constant 9 : i32
    %shift_right_arithmetic3A_1533 = vector.broadcast %shift_right_arithmetic3A_1532 : i32 to vector<16xi32>
    %shift_right_arithmetic3A_1534 = arith.shrsi %get3A_1531, %shift_right_arithmetic3A_1533 : vector<16xi32>
    %shift_left3A_1535 = arith.constant 7 : i32
    %shift_left3A_1536 = vector.broadcast %shift_left3A_1535 : i32 to vector<16xi32>
    %shift_left3A_1537 = arith.shli %shift_right_arithmetic3A_1534, %shift_left3A_1536 : vector<16xi32>
    %and3A_1538 = arith.constant 127 : i32
    %and3A_1539 = vector.broadcast %and3A_1538 : i32 to vector<16xi32>
    %and3A_1540 = arith.andi %get3A_1531, %and3A_1539 : vector<16xi32>
    %or3A_1541 = arith.ori %shift_left3A_1537, %and3A_1540 : vector<16xi32>
    %swap3A_1542 = arith.constant 3 : i32
    %swap3A_1543 = arith.constant 0 : i32
    %swap3A_1544 = tpu.memref_slice %arg9[%swap3A_1542, %swap3A_1543] : memref<4x128xi32, #tpu.memory_space<vmem>> -> memref<1x128xi32, #tpu.memory_space<vmem>>
    %swap3A_1545 = tpu.memref_squeeze %swap3A_1544 : memref<1x128xi32, #tpu.memory_space<vmem>> -> memref<128xi32, #tpu.memory_space<vmem>>
    %swap3A_1546 = arith.constant 32 : index
    %swap3A_1547 = tpu.vector_load %swap3A_1545[%swap3A_1546] {strides = array<i32>} : memref<128xi32, #tpu.memory_space<vmem>>, vector<16xi32>,
    %swap3A_1548 = vector.shape_cast %swap3A_1547 : vector<16xi32> to vector<16xi32>
    %swap3A_1549 = vector.shape_cast %or3A_1541 : vector<16xi32> to vector<16xi32>
    tpu.vector_store %swap3A_1545[%swap3A_1546], %swap3A_1549 {strides = array<i32>} : memref<128xi32, #tpu.memory_space<vmem>>, vector<16xi32>,
    %get3A_1550 = arith.constant 3 : i32
    %get3A_1551 = arith.constant 0 : i32
    %get3A_1552 = tpu.memref_slice %arg8[%get3A_1550, %get3A_1551] : memref<4x128xi32, #tpu.memory_space<vmem>> -> memref<1x128xi32, #tpu.memory_space<vmem>>
    %get3A_1553 = tpu.memref_squeeze %get3A_1552 : memref<1x128xi32, #tpu.memory_space<vmem>> -> memref<128xi32, #tpu.memory_space<vmem>>
    %get3A_1554 = arith.constant 48 : index
    %get3A_1555 = tpu.vector_load %get3A_1553[%get3A_1554] {strides = array<i32>} : memref<128xi32, #tpu.memory_space<vmem>>, vector<16xi32>,
    %get3A_1556 = vector.shape_cast %get3A_1555 : vector<16xi32> to vector<16xi32>
    %shift_right_arithmetic3A_1557 = arith.constant 9 : i32
    %shift_right_arithmetic3A_1558 = vector.broadcast %shift_right_arithmetic3A_1557 : i32 to vector<16xi32>
    %shift_right_arithmetic3A_1559 = arith.shrsi %get3A_1556, %shift_right_arithmetic3A_1558 : vector<16xi32>
    %shift_left3A_1560 = arith.constant 7 : i32
    %shift_left3A_1561 = vector.broadcast %shift_left3A_1560 : i32 to vector<16xi32>
    %shift_left3A_1562 = arith.shli %shift_right_arithmetic3A_1559, %shift_left3A_1561 : vector<16xi32>
    %and3A_1563 = arith.constant 127 : i32
    %and3A_1564 = vector.broadcast %and3A_1563 : i32 to vector<16xi32>
    %and3A_1565 = arith.andi %get3A_1556, %and3A_1564 : vector<16xi32>
    %or3A_1566 = arith.ori %shift_left3A_1562, %and3A_1565 : vector<16xi32>
    %swap3A_1567 = arith.constant 3 : i32
    %swap3A_1568 = arith.constant 0 : i32
    %swap3A_1569 = tpu.memref_slice %arg9[%swap3A_1567, %swap3A_1568] : memref<4x128xi32, #tpu.memory_space<vmem>> -> memref<1x128xi32, #tpu.memory_space<vmem>>
    %swap3A_1570 = tpu.memref_squeeze %swap3A_1569 : memref<1x128xi32, #tpu.memory_space<vmem>> -> memref<128xi32, #tpu.memory_space<vmem>>
    %swap3A_1571 = arith.constant 48 : index
    %swap3A_1572 = tpu.vector_load %swap3A_1570[%swap3A_1571] {strides = array<i32>} : memref<128xi32, #tpu.memory_space<vmem>>, vector<16xi32>,
    %swap3A_1573 = vector.shape_cast %swap3A_1572 : vector<16xi32> to vector<16xi32>
    %swap3A_1574 = vector.shape_cast %or3A_1566 : vector<16xi32> to vector<16xi32>
    tpu.vector_store %swap3A_1570[%swap3A_1571], %swap3A_1574 {strides = array<i32>} : memref<128xi32, #tpu.memory_space<vmem>>, vector<16xi32>,
    %get3A_1575 = arith.constant 3 : i32
    %get3A_1576 = arith.constant 0 : i32
    %get3A_1577 = tpu.memref_slice %arg8[%get3A_1575, %get3A_1576] : memref<4x128xi32, #tpu.memory_space<vmem>> -> memref<1x128xi32, #tpu.memory_space<vmem>>
    %get3A_1578 = tpu.memref_squeeze %get3A_1577 : memref<1x128xi32, #tpu.memory_space<vmem>> -> memref<128xi32, #tpu.memory_space<vmem>>
    %get3A_1579 = arith.constant 64 : index
    %get3A_1580 = tpu.vector_load %get3A_1578[%get3A_1579] {strides = array<i32>} : memref<128xi32, #tpu.memory_space<vmem>>, vector<16xi32>,
    %get3A_1581 = vector.shape_cast %get3A_1580 : vector<16xi32> to vector<16xi32>
    %shift_right_arithmetic3A_1582 = arith.constant 9 : i32
    %shift_right_arithmetic3A_1583 = vector.broadcast %shift_right_arithmetic3A_1582 : i32 to vector<16xi32>
    %shift_right_arithmetic3A_1584 = arith.shrsi %get3A_1581, %shift_right_arithmetic3A_1583 : vector<16xi32>
    %shift_left3A_1585 = arith.constant 7 : i32
    %shift_left3A_1586 = vector.broadcast %shift_left3A_1585 : i32 to vector<16xi32>
    %shift_left3A_1587 = arith.shli %shift_right_arithmetic3A_1584, %shift_left3A_1586 : vector<16xi32>
    %and3A_1588 = arith.constant 127 : i32
    %and3A_1589 = vector.broadcast %and3A_1588 : i32 to vector<16xi32>
    %and3A_1590 = arith.andi %get3A_1581, %and3A_1589 : vector<16xi32>
    %or3A_1591 = arith.ori %shift_left3A_1587, %and3A_1590 : vector<16xi32>
    %swap3A_1592 = arith.constant 3 : i32
    %swap3A_1593 = arith.constant 0 : i32
    %swap3A_1594 = tpu.memref_slice %arg9[%swap3A_1592, %swap3A_1593] : memref<4x128xi32, #tpu.memory_space<vmem>> -> memref<1x128xi32, #tpu.memory_space<vmem>>
    %swap3A_1595 = tpu.memref_squeeze %swap3A_1594 : memref<1x128xi32, #tpu.memory_space<vmem>> -> memref<128xi32, #tpu.memory_space<vmem>>
    %swap3A_1596 = arith.constant 64 : index
    %swap3A_1597 = tpu.vector_load %swap3A_1595[%swap3A_1596] {strides = array<i32>} : memref<128xi32, #tpu.memory_space<vmem>>, vector<16xi32>,
    %swap3A_1598 = vector.shape_cast %swap3A_1597 : vector<16xi32> to vector<16xi32>
    %swap3A_1599 = vector.shape_cast %or3A_1591 : vector<16xi32> to vector<16xi32>
    tpu.vector_store %swap3A_1595[%swap3A_1596], %swap3A_1599 {strides = array<i32>} : memref<128xi32, #tpu.memory_space<vmem>>, vector<16xi32>,
    %get3A_1600 = arith.constant 3 : i32
    %get3A_1601 = arith.constant 0 : i32
    %get3A_1602 = tpu.memref_slice %arg8[%get3A_1600, %get3A_1601] : memref<4x128xi32, #tpu.memory_space<vmem>> -> memref<1x128xi32, #tpu.memory_space<vmem>>
    %get3A_1603 = tpu.memref_squeeze %get3A_1602 : memref<1x128xi32, #tpu.memory_space<vmem>> -> memref<128xi32, #tpu.memory_space<vmem>>
    %get3A_1604 = arith.constant 80 : index
    %get3A_1605 = tpu.vector_load %get3A_1603[%get3A_1604] {strides = array<i32>} : memref<128xi32, #tpu.memory_space<vmem>>, vector<16xi32>,
    %get3A_1606 = vector.shape_cast %get3A_1605 : vector<16xi32> to vector<16xi32>
    %shift_right_arithmetic3A_1607 = arith.constant 9 : i32
    %shift_right_arithmetic3A_1608 = vector.broadcast %shift_right_arithmetic3A_1607 : i32 to vector<16xi32>
    %shift_right_arithmetic3A_1609 = arith.shrsi %get3A_1606, %shift_right_arithmetic3A_1608 : vector<16xi32>
    %shift_left3A_1610 = arith.constant 7 : i32
    %shift_left3A_1611 = vector.broadcast %shift_left3A_1610 : i32 to vector<16xi32>
    %shift_left3A_1612 = arith.shli %shift_right_arithmetic3A_1609, %shift_left3A_1611 : vector<16xi32>
    %and3A_1613 = arith.constant 127 : i32
    %and3A_1614 = vector.broadcast %and3A_1613 : i32 to vector<16xi32>
    %and3A_1615 = arith.andi %get3A_1606, %and3A_1614 : vector<16xi32>
    %or3A_1616 = arith.ori %shift_left3A_1612, %and3A_1615 : vector<16xi32>
    %swap3A_1617 = arith.constant 3 : i32
    %swap3A_1618 = arith.constant 0 : i32
    %swap3A_1619 = tpu.memref_slice %arg9[%swap3A_1617, %swap3A_1618] : memref<4x128xi32, #tpu.memory_space<vmem>> -> memref<1x128xi32, #tpu.memory_space<vmem>>
    %swap3A_1620 = tpu.memref_squeeze %swap3A_1619 : memref<1x128xi32, #tpu.memory_space<vmem>> -> memref<128xi32, #tpu.memory_space<vmem>>
    %swap3A_1621 = arith.constant 80 : index
    %swap3A_1622 = tpu.vector_load %swap3A_1620[%swap3A_1621] {strides = array<i32>} : memref<128xi32, #tpu.memory_space<vmem>>, vector<16xi32>,
    %swap3A_1623 = vector.shape_cast %swap3A_1622 : vector<16xi32> to vector<16xi32>
    %swap3A_1624 = vector.shape_cast %or3A_1616 : vector<16xi32> to vector<16xi32>
    tpu.vector_store %swap3A_1620[%swap3A_1621], %swap3A_1624 {strides = array<i32>} : memref<128xi32, #tpu.memory_space<vmem>>, vector<16xi32>,
    %get3A_1625 = arith.constant 3 : i32
    %get3A_1626 = arith.constant 0 : i32
    %get3A_1627 = tpu.memref_slice %arg8[%get3A_1625, %get3A_1626] : memref<4x128xi32, #tpu.memory_space<vmem>> -> memref<1x128xi32, #tpu.memory_space<vmem>>
    %get3A_1628 = tpu.memref_squeeze %get3A_1627 : memref<1x128xi32, #tpu.memory_space<vmem>> -> memref<128xi32, #tpu.memory_space<vmem>>
    %get3A_1629 = arith.constant 96 : index
    %get3A_1630 = tpu.vector_load %get3A_1628[%get3A_1629] {strides = array<i32>} : memref<128xi32, #tpu.memory_space<vmem>>, vector<16xi32>,
    %get3A_1631 = vector.shape_cast %get3A_1630 : vector<16xi32> to vector<16xi32>
    %shift_right_arithmetic3A_1632 = arith.constant 9 : i32
    %shift_right_arithmetic3A_1633 = vector.broadcast %shift_right_arithmetic3A_1632 : i32 to vector<16xi32>
    %shift_right_arithmetic3A_1634 = arith.shrsi %get3A_1631, %shift_right_arithmetic3A_1633 : vector<16xi32>
    %shift_left3A_1635 = arith.constant 7 : i32
    %shift_left3A_1636 = vector.broadcast %shift_left3A_1635 : i32 to vector<16xi32>
    %shift_left3A_1637 = arith.shli %shift_right_arithmetic3A_1634, %shift_left3A_1636 : vector<16xi32>
    %and3A_1638 = arith.constant 127 : i32
    %and3A_1639 = vector.broadcast %and3A_1638 : i32 to vector<16xi32>
    %and3A_1640 = arith.andi %get3A_1631, %and3A_1639 : vector<16xi32>
    %or3A_1641 = arith.ori %shift_left3A_1637, %and3A_1640 : vector<16xi32>
    %swap3A_1642 = arith.constant 3 : i32
    %swap3A_1643 = arith.constant 0 : i32
    %swap3A_1644 = tpu.memref_slice %arg9[%swap3A_1642, %swap3A_1643] : memref<4x128xi32, #tpu.memory_space<vmem>> -> memref<1x128xi32, #tpu.memory_space<vmem>>
    %swap3A_1645 = tpu.memref_squeeze %swap3A_1644 : memref<1x128xi32, #tpu.memory_space<vmem>> -> memref<128xi32, #tpu.memory_space<vmem>>
    %swap3A_1646 = arith.constant 96 : index
    %swap3A_1647 = tpu.vector_load %swap3A_1645[%swap3A_1646] {strides = array<i32>} : memref<128xi32, #tpu.memory_space<vmem>>, vector<16xi32>,
    %swap3A_1648 = vector.shape_cast %swap3A_1647 : vector<16xi32> to vector<16xi32>
    %swap3A_1649 = vector.shape_cast %or3A_1641 : vector<16xi32> to vector<16xi32>
    tpu.vector_store %swap3A_1645[%swap3A_1646], %swap3A_1649 {strides = array<i32>} : memref<128xi32, #tpu.memory_space<vmem>>, vector<16xi32>,
    %get3A_1650 = arith.constant 3 : i32
    %get3A_1651 = arith.constant 0 : i32
    %get3A_1652 = tpu.memref_slice %arg8[%get3A_1650, %get3A_1651] : memref<4x128xi32, #tpu.memory_space<vmem>> -> memref<1x128xi32, #tpu.memory_space<vmem>>
    %get3A_1653 = tpu.memref_squeeze %get3A_1652 : memref<1x128xi32, #tpu.memory_space<vmem>> -> memref<128xi32, #tpu.memory_space<vmem>>
    %get3A_1654 = arith.constant 112 : index
    %get3A_1655 = tpu.vector_load %get3A_1653[%get3A_1654] {strides = array<i32>} : memref<128xi32, #tpu.memory_space<vmem>>, vector<16xi32>,
    %get3A_1656 = vector.shape_cast %get3A_1655 : vector<16xi32> to vector<16xi32>
    %shift_right_arithmetic3A_1657 = arith.constant 9 : i32
    %shift_right_arithmetic3A_1658 = vector.broadcast %shift_right_arithmetic3A_1657 : i32 to vector<16xi32>
    %shift_right_arithmetic3A_1659 = arith.shrsi %get3A_1656, %shift_right_arithmetic3A_1658 : vector<16xi32>
    %shift_left3A_1660 = arith.constant 7 : i32
    %shift_left3A_1661 = vector.broadcast %shift_left3A_1660 : i32 to vector<16xi32>
    %shift_left3A_1662 = arith.shli %shift_right_arithmetic3A_1659, %shift_left3A_1661 : vector<16xi32>
    %and3A_1663 = arith.constant 127 : i32
    %and3A_1664 = vector.broadcast %and3A_1663 : i32 to vector<16xi32>
    %and3A_1665 = arith.andi %get3A_1656, %and3A_1664 : vector<16xi32>
    %or3A_1666 = arith.ori %shift_left3A_1662, %and3A_1665 : vector<16xi32>
    %swap3A_1667 = arith.constant 3 : i32
    %swap3A_1668 = arith.constant 0 : i32
    %swap3A_1669 = tpu.memref_slice %arg9[%swap3A_1667, %swap3A_1668] : memref<4x128xi32, #tpu.memory_space<vmem>> -> memref<1x128xi32, #tpu.memory_space<vmem>>
    %swap3A_1670 = tpu.memref_squeeze %swap3A_1669 : memref<1x128xi32, #tpu.memory_space<vmem>> -> memref<128xi32, #tpu.memory_space<vmem>>
    %swap3A_1671 = arith.constant 112 : index
    %swap3A_1672 = tpu.vector_load %swap3A_1670[%swap3A_1671] {strides = array<i32>} : memref<128xi32, #tpu.memory_space<vmem>>, vector<16xi32>,
    %swap3A_1673 = vector.shape_cast %swap3A_1672 : vector<16xi32> to vector<16xi32>
    %swap3A_1674 = vector.shape_cast %or3A_1666 : vector<16xi32> to vector<16xi32>
    tpu.vector_store %swap3A_1670[%swap3A_1671], %swap3A_1674 {strides = array<i32>} : memref<128xi32, #tpu.memory_space<vmem>>, vector<16xi32>,
    %dma_start3A_1675 = arith.constant 0 : i32
    %dma_start3A_1676 = arith.constant 0 : i32
    %dma_start3A_1677 = arith.constant 0 : i32
    %dma_start3A_1678 = tpu.memref_slice %arg10[%dma_start3A_1676, %dma_start3A_1677] : memref<512x128xf32, #tpu.memory_space<vmem>> -> memref<128x128xf32, #tpu.memory_space<vmem>>
    %dma_start3A_1679 = arith.constant 0 : i32
    %dma_start3A_1680 = tpu.memref_slice %arg9[%dma_start3A_1675, %dma_start3A_1679] : memref<4x128xi32, #tpu.memory_space<vmem>> -> memref<1x128xi32, #tpu.memory_space<vmem>>
    %dma_start3A_1681 = tpu.memref_squeeze %dma_start3A_1680 : memref<1x128xi32, #tpu.memory_space<vmem>> -> memref<128xi32, #tpu.memory_space<vmem>>
    %dma_start3A_1682 = arith.constant 0 : i32
    %dma_start3A_1683 = arith.constant 0 : i32
    %dma_start3A_1684 = tpu.memref_slice %arg5[%dma_start3A_1682, %dma_start3A_1683] : memref<250112x128xf32, #tpu.memory_space<hbm>> -> memref<250112x128xf32, #tpu.memory_space<hbm>>
    tpu.enqueue_indirect_dma source(%dma_start3A_1684 : memref<250112x128xf32, #tpu.memory_space<hbm>>) target(%dma_start3A_1678 : memref<128x128xf32, #tpu.memory_space<vmem>>) offsets(%dma_start3A_1681 : memref<128xi32, #tpu.memory_space<vmem>>) semaphore(%arg11 : memref<!tpu.dma_semaphore, #tpu.memory_space<semaphore_mem>>)
    %dma_start3A_1685 = arith.constant 1 : i32
    %dma_start3A_1686 = arith.constant 128 : i32
    %dma_start3A_1687 = arith.constant 0 : i32
    %dma_start3A_1688 = tpu.memref_slice %arg10[%dma_start3A_1686, %dma_start3A_1687] : memref<512x128xf32, #tpu.memory_space<vmem>> -> memref<128x128xf32, #tpu.memory_space<vmem>>
    %dma_start3A_1689 = arith.constant 0 : i32
    %dma_start3A_1690 = tpu.memref_slice %arg9[%dma_start3A_1685, %dma_start3A_1689] : memref<4x128xi32, #tpu.memory_space<vmem>> -> memref<1x128xi32, #tpu.memory_space<vmem>>
    %dma_start3A_1691 = tpu.memref_squeeze %dma_start3A_1690 : memref<1x128xi32, #tpu.memory_space<vmem>> -> memref<128xi32, #tpu.memory_space<vmem>>
    %dma_start3A_1692 = arith.constant 0 : i32
    %dma_start3A_1693 = arith.constant 0 : i32
    %dma_start3A_1694 = tpu.memref_slice %arg5[%dma_start3A_1692, %dma_start3A_1693] : memref<250112x128xf32, #tpu.memory_space<hbm>> -> memref<250112x128xf32, #tpu.memory_space<hbm>>
    tpu.enqueue_indirect_dma source(%dma_start3A_1694 : memref<250112x128xf32, #tpu.memory_space<hbm>>) target(%dma_start3A_1688 : memref<128x128xf32, #tpu.memory_space<vmem>>) offsets(%dma_start3A_1691 : memref<128xi32, #tpu.memory_space<vmem>>) semaphore(%arg11 : memref<!tpu.dma_semaphore, #tpu.memory_space<semaphore_mem>>)
    %dma_start3A_1695 = arith.constant 2 : i32
    %dma_start3A_1696 = arith.constant 256 : i32
    %dma_start3A_1697 = arith.constant 0 : i32
    %dma_start3A_1698 = tpu.memref_slice %arg10[%dma_start3A_1696, %dma_start3A_1697] : memref<512x128xf32, #tpu.memory_space<vmem>> -> memref<128x128xf32, #tpu.memory_space<vmem>>
    %dma_start3A_1699 = arith.constant 0 : i32
    %dma_start3A_1700 = tpu.memref_slice %arg9[%dma_start3A_1695, %dma_start3A_1699] : memref<4x128xi32, #tpu.memory_space<vmem>> -> memref<1x128xi32, #tpu.memory_space<vmem>>
    %dma_start3A_1701 = tpu.memref_squeeze %dma_start3A_1700 : memref<1x128xi32, #tpu.memory_space<vmem>> -> memref<128xi32, #tpu.memory_space<vmem>>
    %dma_start3A_1702 = arith.constant 0 : i32
    %dma_start3A_1703 = arith.constant 0 : i32
    %dma_start3A_1704 = tpu.memref_slice %arg5[%dma_start3A_1702, %dma_start3A_1703] : memref<250112x128xf32, #tpu.memory_space<hbm>> -> memref<250112x128xf32, #tpu.memory_space<hbm>>
    tpu.enqueue_indirect_dma source(%dma_start3A_1704 : memref<250112x128xf32, #tpu.memory_space<hbm>>) target(%dma_start3A_1698 : memref<128x128xf32, #tpu.memory_space<vmem>>) offsets(%dma_start3A_1701 : memref<128xi32, #tpu.memory_space<vmem>>) semaphore(%arg11 : memref<!tpu.dma_semaphore, #tpu.memory_space<semaphore_mem>>)
    %dma_start3A_1705 = arith.constant 3 : i32
    %dma_start3A_1706 = arith.constant 384 : i32
    %dma_start3A_1707 = arith.constant 0 : i32
    %dma_start3A_1708 = tpu.memref_slice %arg10[%dma_start3A_1706, %dma_start3A_1707] : memref<512x128xf32, #tpu.memory_space<vmem>> -> memref<128x128xf32, #tpu.memory_space<vmem>>
    %dma_start3A_1709 = arith.constant 0 : i32
    %dma_start3A_1710 = tpu.memref_slice %arg9[%dma_start3A_1705, %dma_start3A_1709] : memref<4x128xi32, #tpu.memory_space<vmem>> -> memref<1x128xi32, #tpu.memory_space<vmem>>
    %dma_start3A_1711 = tpu.memref_squeeze %dma_start3A_1710 : memref<1x128xi32, #tpu.memory_space<vmem>> -> memref<128xi32, #tpu.memory_space<vmem>>
    %dma_start3A_1712 = arith.constant 0 : i32
    %dma_start3A_1713 = arith.constant 0 : i32
    %dma_start3A_1714 = tpu.memref_slice %arg5[%dma_start3A_1712, %dma_start3A_1713] : memref<250112x128xf32, #tpu.memory_space<hbm>> -> memref<250112x128xf32, #tpu.memory_space<hbm>>
    tpu.enqueue_indirect_dma source(%dma_start3A_1714 : memref<250112x128xf32, #tpu.memory_space<hbm>>) target(%dma_start3A_1708 : memref<128x128xf32, #tpu.memory_space<vmem>>) offsets(%dma_start3A_1711 : memref<128xi32, #tpu.memory_space<vmem>>) semaphore(%arg11 : memref<!tpu.dma_semaphore, #tpu.memory_space<semaphore_mem>>)
    %dma_wait3A_1715 = arith.constant 0 : i32
    %dma_wait3A_1716 = arith.constant 0 : i32
    %dma_wait3A_1717 = arith.constant 0 : i32
    %dma_wait3A_1718 = tpu.memref_slice %arg10[%dma_wait3A_1716, %dma_wait3A_1717] : memref<512x128xf32, #tpu.memory_space<vmem>> -> memref<128x128xf32, #tpu.memory_space<vmem>>
    %dma_wait3A_1719 = arith.constant 0 : i32
    %dma_wait3A_1720 = tpu.memref_slice %arg9[%dma_wait3A_1715, %dma_wait3A_1719] : memref<4x128xi32, #tpu.memory_space<vmem>> -> memref<1x128xi32, #tpu.memory_space<vmem>>
    %dma_wait3A_1721 = tpu.memref_squeeze %dma_wait3A_1720 : memref<1x128xi32, #tpu.memory_space<vmem>> -> memref<128xi32, #tpu.memory_space<vmem>>
    %dma_wait3A_1722 = arith.constant 0 : i32
    %dma_wait3A_1723 = arith.constant 0 : i32
    %dma_wait3A_1724 = tpu.memref_slice %arg5[%dma_wait3A_1722, %dma_wait3A_1723] : memref<250112x128xf32, #tpu.memory_space<hbm>> -> memref<250112x128xf32, #tpu.memory_space<hbm>>
    tpu.wait_indirect_dma semaphore(%arg11 : memref<!tpu.dma_semaphore, #tpu.memory_space<semaphore_mem>>) src(%dma_wait3A_1724 : memref<250112x128xf32, #tpu.memory_space<hbm>>) dst(%dma_wait3A_1718 : memref<128x128xf32, #tpu.memory_space<vmem>>)
    %dma_wait3A_1725 = arith.constant 1 : i32
    %dma_wait3A_1726 = arith.constant 128 : i32
    %dma_wait3A_1727 = arith.constant 0 : i32
    %dma_wait3A_1728 = tpu.memref_slice %arg10[%dma_wait3A_1726, %dma_wait3A_1727] : memref<512x128xf32, #tpu.memory_space<vmem>> -> memref<128x128xf32, #tpu.memory_space<vmem>>
    %dma_wait3A_1729 = arith.constant 0 : i32
    %dma_wait3A_1730 = tpu.memref_slice %arg9[%dma_wait3A_1725, %dma_wait3A_1729] : memref<4x128xi32, #tpu.memory_space<vmem>> -> memref<1x128xi32, #tpu.memory_space<vmem>>
    %dma_wait3A_1731 = tpu.memref_squeeze %dma_wait3A_1730 : memref<1x128xi32, #tpu.memory_space<vmem>> -> memref<128xi32, #tpu.memory_space<vmem>>
    %dma_wait3A_1732 = arith.constant 0 : i32
    %dma_wait3A_1733 = arith.constant 0 : i32
    %dma_wait3A_1734 = tpu.memref_slice %arg5[%dma_wait3A_1732, %dma_wait3A_1733] : memref<250112x128xf32, #tpu.memory_space<hbm>> -> memref<250112x128xf32, #tpu.memory_space<hbm>>
    tpu.wait_indirect_dma semaphore(%arg11 : memref<!tpu.dma_semaphore, #tpu.memory_space<semaphore_mem>>) src(%dma_wait3A_1734 : memref<250112x128xf32, #tpu.memory_space<hbm>>) dst(%dma_wait3A_1728 : memref<128x128xf32, #tpu.memory_space<vmem>>)
    %dma_wait3A_1735 = arith.constant 2 : i32
    %dma_wait3A_1736 = arith.constant 256 : i32
    %dma_wait3A_1737 = arith.constant 0 : i32
    %dma_wait3A_1738 = tpu.memref_slice %arg10[%dma_wait3A_1736, %dma_wait3A_1737] : memref<512x128xf32, #tpu.memory_space<vmem>> -> memref<128x128xf32, #tpu.memory_space<vmem>>
    %dma_wait3A_1739 = arith.constant 0 : i32
    %dma_wait3A_1740 = tpu.memref_slice %arg9[%dma_wait3A_1735, %dma_wait3A_1739] : memref<4x128xi32, #tpu.memory_space<vmem>> -> memref<1x128xi32, #tpu.memory_space<vmem>>
    %dma_wait3A_1741 = tpu.memref_squeeze %dma_wait3A_1740 : memref<1x128xi32, #tpu.memory_space<vmem>> -> memref<128xi32, #tpu.memory_space<vmem>>
    %dma_wait3A_1742 = arith.constant 0 : i32
    %dma_wait3A_1743 = arith.constant 0 : i32
    %dma_wait3A_1744 = tpu.memref_slice %arg5[%dma_wait3A_1742, %dma_wait3A_1743] : memref<250112x128xf32, #tpu.memory_space<hbm>> -> memref<250112x128xf32, #tpu.memory_space<hbm>>
    tpu.wait_indirect_dma semaphore(%arg11 : memref<!tpu.dma_semaphore, #tpu.memory_space<semaphore_mem>>) src(%dma_wait3A_1744 : memref<250112x128xf32, #tpu.memory_space<hbm>>) dst(%dma_wait3A_1738 : memref<128x128xf32, #tpu.memory_space<vmem>>)
    %dma_wait3A_1745 = arith.constant 3 : i32
    %dma_wait3A_1746 = arith.constant 384 : i32
    %dma_wait3A_1747 = arith.constant 0 : i32
    %dma_wait3A_1748 = tpu.memref_slice %arg10[%dma_wait3A_1746, %dma_wait3A_1747] : memref<512x128xf32, #tpu.memory_space<vmem>> -> memref<128x128xf32, #tpu.memory_space<vmem>>
    %dma_wait3A_1749 = arith.constant 0 : i32
    %dma_wait3A_1750 = tpu.memref_slice %arg9[%dma_wait3A_1745, %dma_wait3A_1749] : memref<4x128xi32, #tpu.memory_space<vmem>> -> memref<1x128xi32, #tpu.memory_space<vmem>>
    %dma_wait3A_1751 = tpu.memref_squeeze %dma_wait3A_1750 : memref<1x128xi32, #tpu.memory_space<vmem>> -> memref<128xi32, #tpu.memory_space<vmem>>
    %dma_wait3A_1752 = arith.constant 0 : i32
    %dma_wait3A_1753 = arith.constant 0 : i32
    %dma_wait3A_1754 = tpu.memref_slice %arg5[%dma_wait3A_1752, %dma_wait3A_1753] : memref<250112x128xf32, #tpu.memory_space<hbm>> -> memref<250112x128xf32, #tpu.memory_space<hbm>>
    tpu.wait_indirect_dma semaphore(%arg11 : memref<!tpu.dma_semaphore, #tpu.memory_space<semaphore_mem>>) src(%dma_wait3A_1754 : memref<250112x128xf32, #tpu.memory_space<hbm>>) dst(%dma_wait3A_1748 : memref<128x128xf32, #tpu.memory_space<vmem>>)
    "tpu.region"() ({
      %run_scoped3A = tpu.sem_alloc : memref<!tpu.dma_semaphore, #tpu.memory_space<semaphore_mem>>
      %dma_start3A_1755 = arith.constant 0 : i32
      %dma_start3A_1756 = tpu.memref_slice %arg7[%mul3A_2, %dma_start3A_1755] : memref<16384x128xf32, #tpu.memory_space<hbm>> -> memref<512x128xf32, #tpu.memory_space<hbm>>
      %dma_start3A_1757 = arith.constant 0 : i32
      %dma_start3A_1758 = tpu.memref_slice %arg7[%mul3A_2, %dma_start3A_1757] : memref<16384x128xf32, #tpu.memory_space<hbm>> -> memref<512x128xf32, #tpu.memory_space<hbm>>
      tpu.enqueue_dma source(%arg10 : memref<512x128xf32, #tpu.memory_space<vmem>>) target(%dma_start3A_1758 : memref<512x128xf32, #tpu.memory_space<hbm>>) target_semaphore(%run_scoped3A : memref<!tpu.dma_semaphore, #tpu.memory_space<semaphore_mem>>)
      %dma_wait3A_1759 = arith.constant 0 : i32
      %dma_wait3A_1760 = tpu.memref_slice %arg7[%mul3A_2, %dma_wait3A_1759] : memref<16384x128xf32, #tpu.memory_space<hbm>> -> memref<512x128xf32, #tpu.memory_space<hbm>>
      %dma_wait3A_1761 = arith.constant 0 : i32
      %dma_wait3A_1762 = tpu.memref_slice %arg7[%mul3A_2, %dma_wait3A_1761] : memref<16384x128xf32, #tpu.memory_space<hbm>> -> memref<512x128xf32, #tpu.memory_space<hbm>>
      tpu.wait_dma2 semaphore(%run_scoped3A : memref<!tpu.dma_semaphore, #tpu.memory_space<semaphore_mem>>) src(%arg10 : memref<512x128xf32, #tpu.memory_space<vmem>>) dst(%dma_wait3A_1762 : memref<512x128xf32, #tpu.memory_space<hbm>>)
      tpu.yield
    }) : () -> ()
    return
  }
}

module attributes {stable_mosaic.version = 14 : i64} {
  func.func @_transpose_body(%arg0: i32, %arg1: memref<32x4096xf32, #tpu.memory_space<vmem>>, %arg2: memref<32x4096xf32, #tpu.memory_space<vmem>>, %arg3: memref<1024x128xf32, #tpu.memory_space<vmem>>, %arg4: memref<1024x128xf32, #tpu.memory_space<vmem>>) attributes {dimension_semantics = [#tpu.dimension_semantics<arbitrary>], iteration_bounds = array<i64: 245>, scalar_prefetch = 0 : i64, scratch_operands = 0 : i64, tpu.core_type = #tpu.core_type<tc>, window_params = [{transform_indices = @transform_0, window_bounds = array<i64: 32, 4096>}, {transform_indices = @transform_1, window_bounds = array<i64: 32, 4096>}, {transform_indices = @transform_2, window_bounds = array<i64: 1024, 128>}, {transform_indices = @transform_3, window_bounds = array<i64: 1024, 128>}]} {
    %get3A = arith.constant 0 : index
    %get3A_0 = arith.constant 0 : index
    %get3A_1 = vector.load %arg1[%get3A, %get3A_0] : memref<32x4096xf32, #tpu.memory_space<vmem>>, vector<32x4096xf32>
    %slice3A = vector.extract_strided_slice %get3A_1 {offsets = [0, 0], sizes = [32, 128], strides = [1, 1]} : vector<32x4096xf32> to vector<32x128xf32>
    %slice3A_2 = vector.extract_strided_slice %get3A_1 {offsets = [0, 128], sizes = [32, 128], strides = [1, 1]} : vector<32x4096xf32> to vector<32x128xf32>
    %slice3A_3 = vector.extract_strided_slice %get3A_1 {offsets = [0, 256], sizes = [32, 128], strides = [1, 1]} : vector<32x4096xf32> to vector<32x128xf32>
    %slice3A_4 = vector.extract_strided_slice %get3A_1 {offsets = [0, 384], sizes = [32, 128], strides = [1, 1]} : vector<32x4096xf32> to vector<32x128xf32>
    %concatenate3A = tpu.concatenate %slice3A, %slice3A_2, %slice3A_3, %slice3A_4 in 0 : vector<32x128xf32>, vector<32x128xf32>, vector<32x128xf32>, vector<32x128xf32> -> vector<128x128xf32>
    %transpose3A = tpu.transpose %concatenate3A, [1, 0] : vector<128x128xf32> -> vector<128x128xf32>
    %slice3A_5 = vector.extract_strided_slice %get3A_1 {offsets = [0, 512], sizes = [32, 128], strides = [1, 1]} : vector<32x4096xf32> to vector<32x128xf32>
    %slice3A_6 = vector.extract_strided_slice %get3A_1 {offsets = [0, 640], sizes = [32, 128], strides = [1, 1]} : vector<32x4096xf32> to vector<32x128xf32>
    %slice3A_7 = vector.extract_strided_slice %get3A_1 {offsets = [0, 768], sizes = [32, 128], strides = [1, 1]} : vector<32x4096xf32> to vector<32x128xf32>
    %slice3A_8 = vector.extract_strided_slice %get3A_1 {offsets = [0, 896], sizes = [32, 128], strides = [1, 1]} : vector<32x4096xf32> to vector<32x128xf32>
    %concatenate3A_9 = tpu.concatenate %slice3A_5, %slice3A_6, %slice3A_7, %slice3A_8 in 0 : vector<32x128xf32>, vector<32x128xf32>, vector<32x128xf32>, vector<32x128xf32> -> vector<128x128xf32>
    %transpose3A_10 = tpu.transpose %concatenate3A_9, [1, 0] : vector<128x128xf32> -> vector<128x128xf32>
    %slice3A_11 = vector.extract_strided_slice %get3A_1 {offsets = [0, 1024], sizes = [32, 128], strides = [1, 1]} : vector<32x4096xf32> to vector<32x128xf32>
    %slice3A_12 = vector.extract_strided_slice %get3A_1 {offsets = [0, 1152], sizes = [32, 128], strides = [1, 1]} : vector<32x4096xf32> to vector<32x128xf32>
    %slice3A_13 = vector.extract_strided_slice %get3A_1 {offsets = [0, 1280], sizes = [32, 128], strides = [1, 1]} : vector<32x4096xf32> to vector<32x128xf32>
    %slice3A_14 = vector.extract_strided_slice %get3A_1 {offsets = [0, 1408], sizes = [32, 128], strides = [1, 1]} : vector<32x4096xf32> to vector<32x128xf32>
    %concatenate3A_15 = tpu.concatenate %slice3A_11, %slice3A_12, %slice3A_13, %slice3A_14 in 0 : vector<32x128xf32>, vector<32x128xf32>, vector<32x128xf32>, vector<32x128xf32> -> vector<128x128xf32>
    %transpose3A_16 = tpu.transpose %concatenate3A_15, [1, 0] : vector<128x128xf32> -> vector<128x128xf32>
    %slice3A_17 = vector.extract_strided_slice %get3A_1 {offsets = [0, 1536], sizes = [32, 128], strides = [1, 1]} : vector<32x4096xf32> to vector<32x128xf32>
    %slice3A_18 = vector.extract_strided_slice %get3A_1 {offsets = [0, 1664], sizes = [32, 128], strides = [1, 1]} : vector<32x4096xf32> to vector<32x128xf32>
    %slice3A_19 = vector.extract_strided_slice %get3A_1 {offsets = [0, 1792], sizes = [32, 128], strides = [1, 1]} : vector<32x4096xf32> to vector<32x128xf32>
    %slice3A_20 = vector.extract_strided_slice %get3A_1 {offsets = [0, 1920], sizes = [32, 128], strides = [1, 1]} : vector<32x4096xf32> to vector<32x128xf32>
    %concatenate3A_21 = tpu.concatenate %slice3A_17, %slice3A_18, %slice3A_19, %slice3A_20 in 0 : vector<32x128xf32>, vector<32x128xf32>, vector<32x128xf32>, vector<32x128xf32> -> vector<128x128xf32>
    %transpose3A_22 = tpu.transpose %concatenate3A_21, [1, 0] : vector<128x128xf32> -> vector<128x128xf32>
    %slice3A_23 = vector.extract_strided_slice %get3A_1 {offsets = [0, 2048], sizes = [32, 128], strides = [1, 1]} : vector<32x4096xf32> to vector<32x128xf32>
    %slice3A_24 = vector.extract_strided_slice %get3A_1 {offsets = [0, 2176], sizes = [32, 128], strides = [1, 1]} : vector<32x4096xf32> to vector<32x128xf32>
    %slice3A_25 = vector.extract_strided_slice %get3A_1 {offsets = [0, 2304], sizes = [32, 128], strides = [1, 1]} : vector<32x4096xf32> to vector<32x128xf32>
    %slice3A_26 = vector.extract_strided_slice %get3A_1 {offsets = [0, 2432], sizes = [32, 128], strides = [1, 1]} : vector<32x4096xf32> to vector<32x128xf32>
    %concatenate3A_27 = tpu.concatenate %slice3A_23, %slice3A_24, %slice3A_25, %slice3A_26 in 0 : vector<32x128xf32>, vector<32x128xf32>, vector<32x128xf32>, vector<32x128xf32> -> vector<128x128xf32>
    %transpose3A_28 = tpu.transpose %concatenate3A_27, [1, 0] : vector<128x128xf32> -> vector<128x128xf32>
    %slice3A_29 = vector.extract_strided_slice %get3A_1 {offsets = [0, 2560], sizes = [32, 128], strides = [1, 1]} : vector<32x4096xf32> to vector<32x128xf32>
    %slice3A_30 = vector.extract_strided_slice %get3A_1 {offsets = [0, 2688], sizes = [32, 128], strides = [1, 1]} : vector<32x4096xf32> to vector<32x128xf32>
    %slice3A_31 = vector.extract_strided_slice %get3A_1 {offsets = [0, 2816], sizes = [32, 128], strides = [1, 1]} : vector<32x4096xf32> to vector<32x128xf32>
    %slice3A_32 = vector.extract_strided_slice %get3A_1 {offsets = [0, 2944], sizes = [32, 128], strides = [1, 1]} : vector<32x4096xf32> to vector<32x128xf32>
    %concatenate3A_33 = tpu.concatenate %slice3A_29, %slice3A_30, %slice3A_31, %slice3A_32 in 0 : vector<32x128xf32>, vector<32x128xf32>, vector<32x128xf32>, vector<32x128xf32> -> vector<128x128xf32>
    %transpose3A_34 = tpu.transpose %concatenate3A_33, [1, 0] : vector<128x128xf32> -> vector<128x128xf32>
    %slice3A_35 = vector.extract_strided_slice %get3A_1 {offsets = [0, 3072], sizes = [32, 128], strides = [1, 1]} : vector<32x4096xf32> to vector<32x128xf32>
    %slice3A_36 = vector.extract_strided_slice %get3A_1 {offsets = [0, 3200], sizes = [32, 128], strides = [1, 1]} : vector<32x4096xf32> to vector<32x128xf32>
    %slice3A_37 = vector.extract_strided_slice %get3A_1 {offsets = [0, 3328], sizes = [32, 128], strides = [1, 1]} : vector<32x4096xf32> to vector<32x128xf32>
    %slice3A_38 = vector.extract_strided_slice %get3A_1 {offsets = [0, 3456], sizes = [32, 128], strides = [1, 1]} : vector<32x4096xf32> to vector<32x128xf32>
    %concatenate3A_39 = tpu.concatenate %slice3A_35, %slice3A_36, %slice3A_37, %slice3A_38 in 0 : vector<32x128xf32>, vector<32x128xf32>, vector<32x128xf32>, vector<32x128xf32> -> vector<128x128xf32>
    %transpose3A_40 = tpu.transpose %concatenate3A_39, [1, 0] : vector<128x128xf32> -> vector<128x128xf32>
    %slice3A_41 = vector.extract_strided_slice %get3A_1 {offsets = [0, 3584], sizes = [32, 128], strides = [1, 1]} : vector<32x4096xf32> to vector<32x128xf32>
    %slice3A_42 = vector.extract_strided_slice %get3A_1 {offsets = [0, 3712], sizes = [32, 128], strides = [1, 1]} : vector<32x4096xf32> to vector<32x128xf32>
    %slice3A_43 = vector.extract_strided_slice %get3A_1 {offsets = [0, 3840], sizes = [32, 128], strides = [1, 1]} : vector<32x4096xf32> to vector<32x128xf32>
    %slice3A_44 = vector.extract_strided_slice %get3A_1 {offsets = [0, 3968], sizes = [32, 128], strides = [1, 1]} : vector<32x4096xf32> to vector<32x128xf32>
    %concatenate3A_45 = tpu.concatenate %slice3A_41, %slice3A_42, %slice3A_43, %slice3A_44 in 0 : vector<32x128xf32>, vector<32x128xf32>, vector<32x128xf32>, vector<32x128xf32> -> vector<128x128xf32>
    %transpose3A_46 = tpu.transpose %concatenate3A_45, [1, 0] : vector<128x128xf32> -> vector<128x128xf32>
    %concatenate3A_47 = tpu.concatenate %transpose3A, %transpose3A_10, %transpose3A_16, %transpose3A_22, %transpose3A_28, %transpose3A_34, %transpose3A_40, %transpose3A_46 in 0 : vector<128x128xf32>, vector<128x128xf32>, vector<128x128xf32>, vector<128x128xf32>, vector<128x128xf32>, vector<128x128xf32>, vector<128x128xf32>, vector<128x128xf32> -> vector<1024x128xf32>
    %swap3A = arith.constant 0 : index
    %swap3A_48 = arith.constant 0 : index
    %swap3A_49 = vector.load %arg3[%swap3A, %swap3A_48] : memref<1024x128xf32, #tpu.memory_space<vmem>>, vector<1024x128xf32>
    tpu.vector_store %arg3[%swap3A, %swap3A_48], %concatenate3A_47 {strides = array<i32>} : memref<1024x128xf32, #tpu.memory_space<vmem>>, vector<1024x128xf32>,
    %get3A_50 = arith.constant 0 : index
    %get3A_51 = arith.constant 0 : index
    %get3A_52 = vector.load %arg2[%get3A_50, %get3A_51] : memref<32x4096xf32, #tpu.memory_space<vmem>>, vector<32x4096xf32>
    %slice3A_53 = vector.extract_strided_slice %get3A_52 {offsets = [0, 0], sizes = [32, 128], strides = [1, 1]} : vector<32x4096xf32> to vector<32x128xf32>
    %slice3A_54 = vector.extract_strided_slice %get3A_52 {offsets = [0, 128], sizes = [32, 128], strides = [1, 1]} : vector<32x4096xf32> to vector<32x128xf32>
    %slice3A_55 = vector.extract_strided_slice %get3A_52 {offsets = [0, 256], sizes = [32, 128], strides = [1, 1]} : vector<32x4096xf32> to vector<32x128xf32>
    %slice3A_56 = vector.extract_strided_slice %get3A_52 {offsets = [0, 384], sizes = [32, 128], strides = [1, 1]} : vector<32x4096xf32> to vector<32x128xf32>
    %concatenate3A_57 = tpu.concatenate %slice3A_53, %slice3A_54, %slice3A_55, %slice3A_56 in 0 : vector<32x128xf32>, vector<32x128xf32>, vector<32x128xf32>, vector<32x128xf32> -> vector<128x128xf32>
    %transpose3A_58 = tpu.transpose %concatenate3A_57, [1, 0] : vector<128x128xf32> -> vector<128x128xf32>
    %slice3A_59 = vector.extract_strided_slice %get3A_52 {offsets = [0, 512], sizes = [32, 128], strides = [1, 1]} : vector<32x4096xf32> to vector<32x128xf32>
    %slice3A_60 = vector.extract_strided_slice %get3A_52 {offsets = [0, 640], sizes = [32, 128], strides = [1, 1]} : vector<32x4096xf32> to vector<32x128xf32>
    %slice3A_61 = vector.extract_strided_slice %get3A_52 {offsets = [0, 768], sizes = [32, 128], strides = [1, 1]} : vector<32x4096xf32> to vector<32x128xf32>
    %slice3A_62 = vector.extract_strided_slice %get3A_52 {offsets = [0, 896], sizes = [32, 128], strides = [1, 1]} : vector<32x4096xf32> to vector<32x128xf32>
    %concatenate3A_63 = tpu.concatenate %slice3A_59, %slice3A_60, %slice3A_61, %slice3A_62 in 0 : vector<32x128xf32>, vector<32x128xf32>, vector<32x128xf32>, vector<32x128xf32> -> vector<128x128xf32>
    %transpose3A_64 = tpu.transpose %concatenate3A_63, [1, 0] : vector<128x128xf32> -> vector<128x128xf32>
    %slice3A_65 = vector.extract_strided_slice %get3A_52 {offsets = [0, 1024], sizes = [32, 128], strides = [1, 1]} : vector<32x4096xf32> to vector<32x128xf32>
    %slice3A_66 = vector.extract_strided_slice %get3A_52 {offsets = [0, 1152], sizes = [32, 128], strides = [1, 1]} : vector<32x4096xf32> to vector<32x128xf32>
    %slice3A_67 = vector.extract_strided_slice %get3A_52 {offsets = [0, 1280], sizes = [32, 128], strides = [1, 1]} : vector<32x4096xf32> to vector<32x128xf32>
    %slice3A_68 = vector.extract_strided_slice %get3A_52 {offsets = [0, 1408], sizes = [32, 128], strides = [1, 1]} : vector<32x4096xf32> to vector<32x128xf32>
    %concatenate3A_69 = tpu.concatenate %slice3A_65, %slice3A_66, %slice3A_67, %slice3A_68 in 0 : vector<32x128xf32>, vector<32x128xf32>, vector<32x128xf32>, vector<32x128xf32> -> vector<128x128xf32>
    %transpose3A_70 = tpu.transpose %concatenate3A_69, [1, 0] : vector<128x128xf32> -> vector<128x128xf32>
    %slice3A_71 = vector.extract_strided_slice %get3A_52 {offsets = [0, 1536], sizes = [32, 128], strides = [1, 1]} : vector<32x4096xf32> to vector<32x128xf32>
    %slice3A_72 = vector.extract_strided_slice %get3A_52 {offsets = [0, 1664], sizes = [32, 128], strides = [1, 1]} : vector<32x4096xf32> to vector<32x128xf32>
    %slice3A_73 = vector.extract_strided_slice %get3A_52 {offsets = [0, 1792], sizes = [32, 128], strides = [1, 1]} : vector<32x4096xf32> to vector<32x128xf32>
    %slice3A_74 = vector.extract_strided_slice %get3A_52 {offsets = [0, 1920], sizes = [32, 128], strides = [1, 1]} : vector<32x4096xf32> to vector<32x128xf32>
    %concatenate3A_75 = tpu.concatenate %slice3A_71, %slice3A_72, %slice3A_73, %slice3A_74 in 0 : vector<32x128xf32>, vector<32x128xf32>, vector<32x128xf32>, vector<32x128xf32> -> vector<128x128xf32>
    %transpose3A_76 = tpu.transpose %concatenate3A_75, [1, 0] : vector<128x128xf32> -> vector<128x128xf32>
    %slice3A_77 = vector.extract_strided_slice %get3A_52 {offsets = [0, 2048], sizes = [32, 128], strides = [1, 1]} : vector<32x4096xf32> to vector<32x128xf32>
    %slice3A_78 = vector.extract_strided_slice %get3A_52 {offsets = [0, 2176], sizes = [32, 128], strides = [1, 1]} : vector<32x4096xf32> to vector<32x128xf32>
    %slice3A_79 = vector.extract_strided_slice %get3A_52 {offsets = [0, 2304], sizes = [32, 128], strides = [1, 1]} : vector<32x4096xf32> to vector<32x128xf32>
    %slice3A_80 = vector.extract_strided_slice %get3A_52 {offsets = [0, 2432], sizes = [32, 128], strides = [1, 1]} : vector<32x4096xf32> to vector<32x128xf32>
    %concatenate3A_81 = tpu.concatenate %slice3A_77, %slice3A_78, %slice3A_79, %slice3A_80 in 0 : vector<32x128xf32>, vector<32x128xf32>, vector<32x128xf32>, vector<32x128xf32> -> vector<128x128xf32>
    %transpose3A_82 = tpu.transpose %concatenate3A_81, [1, 0] : vector<128x128xf32> -> vector<128x128xf32>
    %slice3A_83 = vector.extract_strided_slice %get3A_52 {offsets = [0, 2560], sizes = [32, 128], strides = [1, 1]} : vector<32x4096xf32> to vector<32x128xf32>
    %slice3A_84 = vector.extract_strided_slice %get3A_52 {offsets = [0, 2688], sizes = [32, 128], strides = [1, 1]} : vector<32x4096xf32> to vector<32x128xf32>
    %slice3A_85 = vector.extract_strided_slice %get3A_52 {offsets = [0, 2816], sizes = [32, 128], strides = [1, 1]} : vector<32x4096xf32> to vector<32x128xf32>
    %slice3A_86 = vector.extract_strided_slice %get3A_52 {offsets = [0, 2944], sizes = [32, 128], strides = [1, 1]} : vector<32x4096xf32> to vector<32x128xf32>
    %concatenate3A_87 = tpu.concatenate %slice3A_83, %slice3A_84, %slice3A_85, %slice3A_86 in 0 : vector<32x128xf32>, vector<32x128xf32>, vector<32x128xf32>, vector<32x128xf32> -> vector<128x128xf32>
    %transpose3A_88 = tpu.transpose %concatenate3A_87, [1, 0] : vector<128x128xf32> -> vector<128x128xf32>
    %slice3A_89 = vector.extract_strided_slice %get3A_52 {offsets = [0, 3072], sizes = [32, 128], strides = [1, 1]} : vector<32x4096xf32> to vector<32x128xf32>
    %slice3A_90 = vector.extract_strided_slice %get3A_52 {offsets = [0, 3200], sizes = [32, 128], strides = [1, 1]} : vector<32x4096xf32> to vector<32x128xf32>
    %slice3A_91 = vector.extract_strided_slice %get3A_52 {offsets = [0, 3328], sizes = [32, 128], strides = [1, 1]} : vector<32x4096xf32> to vector<32x128xf32>
    %slice3A_92 = vector.extract_strided_slice %get3A_52 {offsets = [0, 3456], sizes = [32, 128], strides = [1, 1]} : vector<32x4096xf32> to vector<32x128xf32>
    %concatenate3A_93 = tpu.concatenate %slice3A_89, %slice3A_90, %slice3A_91, %slice3A_92 in 0 : vector<32x128xf32>, vector<32x128xf32>, vector<32x128xf32>, vector<32x128xf32> -> vector<128x128xf32>
    %transpose3A_94 = tpu.transpose %concatenate3A_93, [1, 0] : vector<128x128xf32> -> vector<128x128xf32>
    %slice3A_95 = vector.extract_strided_slice %get3A_52 {offsets = [0, 3584], sizes = [32, 128], strides = [1, 1]} : vector<32x4096xf32> to vector<32x128xf32>
    %slice3A_96 = vector.extract_strided_slice %get3A_52 {offsets = [0, 3712], sizes = [32, 128], strides = [1, 1]} : vector<32x4096xf32> to vector<32x128xf32>
    %slice3A_97 = vector.extract_strided_slice %get3A_52 {offsets = [0, 3840], sizes = [32, 128], strides = [1, 1]} : vector<32x4096xf32> to vector<32x128xf32>
    %slice3A_98 = vector.extract_strided_slice %get3A_52 {offsets = [0, 3968], sizes = [32, 128], strides = [1, 1]} : vector<32x4096xf32> to vector<32x128xf32>
    %concatenate3A_99 = tpu.concatenate %slice3A_95, %slice3A_96, %slice3A_97, %slice3A_98 in 0 : vector<32x128xf32>, vector<32x128xf32>, vector<32x128xf32>, vector<32x128xf32> -> vector<128x128xf32>
    %transpose3A_100 = tpu.transpose %concatenate3A_99, [1, 0] : vector<128x128xf32> -> vector<128x128xf32>
    %concatenate3A_101 = tpu.concatenate %transpose3A_58, %transpose3A_64, %transpose3A_70, %transpose3A_76, %transpose3A_82, %transpose3A_88, %transpose3A_94, %transpose3A_100 in 0 : vector<128x128xf32>, vector<128x128xf32>, vector<128x128xf32>, vector<128x128xf32>, vector<128x128xf32>, vector<128x128xf32>, vector<128x128xf32>, vector<128x128xf32> -> vector<1024x128xf32>
    %swap3A_102 = arith.constant 0 : index
    %swap3A_103 = arith.constant 0 : index
    %swap3A_104 = vector.load %arg4[%swap3A_102, %swap3A_103] : memref<1024x128xf32, #tpu.memory_space<vmem>>, vector<1024x128xf32>
    tpu.vector_store %arg4[%swap3A_102, %swap3A_103], %concatenate3A_101 {strides = array<i32>} : memref<1024x128xf32, #tpu.memory_space<vmem>>, vector<1024x128xf32>,
    return
  }
  func.func @transform_0(%arg0: i32) -> (i32, i32) {
    %c0_i32 = arith.constant 0 : i32
    %c0_i32_0 = arith.constant 0 : i32
    return %c0_i32, %arg0 : i32, i32
  }
  func.func @transform_1(%arg0: i32) -> (i32, i32) {
    %c0_i32 = arith.constant 0 : i32
    %c0_i32_0 = arith.constant 0 : i32
    return %c0_i32, %arg0 : i32, i32
  }
  func.func @transform_2(%arg0: i32) -> (i32, i32) {
    %c0_i32 = arith.constant 0 : i32
    %c0_i32_0 = arith.constant 0 : i32
    return %arg0, %c0_i32 : i32, i32
  }
  func.func @transform_3(%arg0: i32) -> (i32, i32) {
    %c0_i32 = arith.constant 0 : i32
    %c0_i32_0 = arith.constant 0 : i32
    return %arg0, %c0_i32 : i32, i32
  }
}

module attributes {stable_mosaic.version = 14 : i64} {
  func.func @_mlp_body(%arg0: i32, %arg1: memref<2048x128xf32, #tpu.memory_space<vmem>>, %arg2: memref<2048x128xf32, #tpu.memory_space<vmem>>, %arg3: memref<2048xi32, #tpu.memory_space<vmem>>, %arg4: memref<2048xi32, #tpu.memory_space<vmem>>, %arg5: memref<128x64xf32, #tpu.memory_space<vmem>>, %arg6: memref<128x64xf32, #tpu.memory_space<vmem>>, %arg7: memref<64xf32, #tpu.memory_space<vmem>>, %arg8: memref<64x16xf32, #tpu.memory_space<vmem>>, %arg9: memref<16xf32, #tpu.memory_space<vmem>>, %arg10: memref<1x16xf32, #tpu.memory_space<vmem>>, %arg11: memref<1xf32, #tpu.memory_space<vmem>>, %arg12: memref<2048xf32, #tpu.memory_space<vmem>>) attributes {dimension_semantics = [#tpu.dimension_semantics<arbitrary>], iteration_bounds = array<i64: 8>, scalar_prefetch = 0 : i64, scratch_operands = 0 : i64, tpu.core_type = #tpu.core_type<tc>, window_params = [{transform_indices = @transform_0, window_bounds = array<i64: 2048, 128>}, {transform_indices = @transform_1, window_bounds = array<i64: 2048, 128>}, {transform_indices = @transform_2, window_bounds = array<i64: 2048>}, {transform_indices = @transform_3, window_bounds = array<i64: 2048>}, {pipeline_mode = #tpu.pipeline_mode<synchronous>, transform_indices = @transform_4, window_bounds = array<i64: 128, 64>}, {pipeline_mode = #tpu.pipeline_mode<synchronous>, transform_indices = @transform_5, window_bounds = array<i64: 128, 64>}, {pipeline_mode = #tpu.pipeline_mode<synchronous>, transform_indices = @transform_6, window_bounds = array<i64: 64>}, {pipeline_mode = #tpu.pipeline_mode<synchronous>, transform_indices = @transform_7, window_bounds = array<i64: 64, 16>}, {pipeline_mode = #tpu.pipeline_mode<synchronous>, transform_indices = @transform_8, window_bounds = array<i64: 16>}, {pipeline_mode = #tpu.pipeline_mode<synchronous>, transform_indices = @transform_9, window_bounds = array<i64: 1, 16>}, {pipeline_mode = #tpu.pipeline_mode<synchronous>, transform_indices = @transform_10, window_bounds = array<i64: 1>}, {transform_indices = @transform_11, window_bounds = array<i64: 2048>}]} {
    %iota3A = tpu.iota {dimensions = array<i32: 1>} : vector<2048x128xi32>
    %get3A = arith.constant 0 : index
    %get3A_0 = arith.constant 0 : index
    %get3A_1 = vector.load %arg1[%get3A, %get3A_0] : memref<2048x128xf32, #tpu.memory_space<vmem>>, vector<2048x128xf32>
    %get3A_2 = arith.constant 0 : index
    %get3A_3 = vector.load %arg3[%get3A_2] : memref<2048xi32, #tpu.memory_space<vmem>>, vector<2048xi32>
    %shift_right_arithmetic3A = arith.constant 7 : i32
    %shift_right_arithmetic3A_4 = vector.broadcast %shift_right_arithmetic3A : i32 to vector<2048xi32>
    %shift_right_arithmetic3A_5 = arith.shrsi %get3A_3, %shift_right_arithmetic3A_4 : vector<2048xi32>
    %and3A = arith.constant 3 : i32
    %and3A_6 = vector.broadcast %and3A : i32 to vector<2048xi32>
    %and3A_7 = arith.andi %shift_right_arithmetic3A_5, %and3A_6 : vector<2048xi32>
    %shift_left3A = arith.constant 5 : i32
    %shift_left3A_8 = vector.broadcast %shift_left3A : i32 to vector<2048xi32>
    %shift_left3A_9 = arith.shli %and3A_7, %shift_left3A_8 : vector<2048xi32>
    %broadcast_in_dim3A = vector.shape_cast %shift_left3A_9 : vector<2048xi32> to vector<2048x1xi32>
    %ge3A = vector.broadcast %broadcast_in_dim3A : vector<2048x1xi32> to vector<2048x128xi32>
    %ge3A_10 = arith.cmpi sge, %iota3A, %ge3A : vector<2048x128xi32>
    %add3A = arith.constant 32 : i32
    %add3A_11 = vector.broadcast %add3A : i32 to vector<2048x1xi32>
    %add3A_12 = arith.addi %broadcast_in_dim3A, %add3A_11 : vector<2048x1xi32>
    %lt3A = vector.broadcast %add3A_12 : vector<2048x1xi32> to vector<2048x128xi32>
    %lt3A_13 = arith.cmpi slt, %iota3A, %lt3A : vector<2048x128xi32>
    %and3A_14 = arith.andi %ge3A_10, %lt3A_13 : vector<2048x128xi1>
    %jit3A = arith.constant 0.000000e+00 : f32
    %broadcast_in_dim3A_15 = vector.broadcast %jit3A : f32 to vector<2048x128xf32>
    %select_n3A = arith.select %and3A_14, %get3A_1, %broadcast_in_dim3A_15 : vector<2048x128xi1>, vector<2048x128xf32>
    %get3A_16 = arith.constant 0 : index
    %get3A_17 = arith.constant 0 : index
    %get3A_18 = vector.load %arg2[%get3A_16, %get3A_17] : memref<2048x128xf32, #tpu.memory_space<vmem>>, vector<2048x128xf32>
    %get3A_19 = arith.constant 0 : index
    %get3A_20 = vector.load %arg4[%get3A_19] : memref<2048xi32, #tpu.memory_space<vmem>>, vector<2048xi32>
    %shift_right_arithmetic3A_21 = arith.constant 7 : i32
    %shift_right_arithmetic3A_22 = vector.broadcast %shift_right_arithmetic3A_21 : i32 to vector<2048xi32>
    %shift_right_arithmetic3A_23 = arith.shrsi %get3A_20, %shift_right_arithmetic3A_22 : vector<2048xi32>
    %and3A_24 = arith.constant 3 : i32
    %and3A_25 = vector.broadcast %and3A_24 : i32 to vector<2048xi32>
    %and3A_26 = arith.andi %shift_right_arithmetic3A_23, %and3A_25 : vector<2048xi32>
    %shift_left3A_27 = arith.constant 5 : i32
    %shift_left3A_28 = vector.broadcast %shift_left3A_27 : i32 to vector<2048xi32>
    %shift_left3A_29 = arith.shli %and3A_26, %shift_left3A_28 : vector<2048xi32>
    %broadcast_in_dim3A_30 = vector.shape_cast %shift_left3A_29 : vector<2048xi32> to vector<2048x1xi32>
    %ge3A_31 = vector.broadcast %broadcast_in_dim3A_30 : vector<2048x1xi32> to vector<2048x128xi32>
    %ge3A_32 = arith.cmpi sge, %iota3A, %ge3A_31 : vector<2048x128xi32>
    %add3A_33 = arith.constant 32 : i32
    %add3A_34 = vector.broadcast %add3A_33 : i32 to vector<2048x1xi32>
    %add3A_35 = arith.addi %broadcast_in_dim3A_30, %add3A_34 : vector<2048x1xi32>
    %lt3A_36 = vector.broadcast %add3A_35 : vector<2048x1xi32> to vector<2048x128xi32>
    %lt3A_37 = arith.cmpi slt, %iota3A, %lt3A_36 : vector<2048x128xi32>
    %and3A_38 = arith.andi %ge3A_32, %lt3A_37 : vector<2048x128xi1>
    %jit3A_39 = arith.constant 0.000000e+00 : f32
    %broadcast_in_dim3A_40 = vector.broadcast %jit3A_39 : f32 to vector<2048x128xf32>
    %select_n3A_41 = arith.select %and3A_38, %get3A_18, %broadcast_in_dim3A_40 : vector<2048x128xi1>, vector<2048x128xf32>
    %get3A_42 = arith.constant 0 : index
    %get3A_43 = arith.constant 0 : index
    %get3A_44 = vector.load %arg5[%get3A_42, %get3A_43] : memref<128x64xf32, #tpu.memory_space<vmem>>, vector<128x64xf32>
    %dot_general3A = arith.constant dense<0.000000e+00> : vector<2048x64xf32>
    %dot_general3A_45 = tpu.matmul %select_n3A, %get3A_44, %dot_general3A {dimension_numbers = #tpu.dot_dimension_numbers<[1], [0], [0], [1], [0, 0, 1, 1], [], []>, transpose_lhs_hint = false} : vector<2048x128xf32>, vector<128x64xf32>, vector<2048x64xf32> -> vector<2048x64xf32>
    %get3A_46 = arith.constant 0 : index
    %get3A_47 = arith.constant 0 : index
    %get3A_48 = vector.load %arg6[%get3A_46, %get3A_47] : memref<128x64xf32, #tpu.memory_space<vmem>>, vector<128x64xf32>
    %dot_general3A_49 = arith.constant dense<0.000000e+00> : vector<2048x64xf32>
    %dot_general3A_50 = tpu.matmul %select_n3A_41, %get3A_48, %dot_general3A_49 {dimension_numbers = #tpu.dot_dimension_numbers<[1], [0], [0], [1], [0, 0, 1, 1], [], []>, transpose_lhs_hint = false} : vector<2048x128xf32>, vector<128x64xf32>, vector<2048x64xf32> -> vector<2048x64xf32>
    %add3A_51 = arith.addf %dot_general3A_45, %dot_general3A_50 : vector<2048x64xf32>
    %get3A_52 = arith.constant 0 : index
    %get3A_53 = vector.load %arg7[%get3A_52] : memref<64xf32, #tpu.memory_space<vmem>>, vector<64xf32>
    %broadcast_in_dim3A_54 = vector.shape_cast %get3A_53 : vector<64xf32> to vector<1x64xf32>
    %add3A_55 = vector.broadcast %broadcast_in_dim3A_54 : vector<1x64xf32> to vector<2048x64xf32>
    %add3A_56 = arith.addf %add3A_51, %add3A_55 : vector<2048x64xf32>
    %max3A = arith.constant 0.000000e+00 : f32
    %max3A_57 = vector.broadcast %max3A : f32 to vector<2048x64xf32>
    %max3A_58 = arith.maximumf %add3A_56, %max3A_57 : vector<2048x64xf32>
    %get3A_59 = arith.constant 0 : index
    %get3A_60 = arith.constant 0 : index
    %get3A_61 = vector.load %arg8[%get3A_59, %get3A_60] : memref<64x16xf32, #tpu.memory_space<vmem>>, vector<64x16xf32>
    %dot_general3A_62 = arith.constant dense<0.000000e+00> : vector<2048x16xf32>
    %dot_general3A_63 = tpu.matmul %max3A_58, %get3A_61, %dot_general3A_62 {dimension_numbers = #tpu.dot_dimension_numbers<[1], [0], [0], [1], [0, 0, 1, 1], [], []>, transpose_lhs_hint = false} : vector<2048x64xf32>, vector<64x16xf32>, vector<2048x16xf32> -> vector<2048x16xf32>
    %get3A_64 = arith.constant 0 : index
    %get3A_65 = vector.load %arg9[%get3A_64] : memref<16xf32, #tpu.memory_space<vmem>>, vector<16xf32>
    %broadcast_in_dim3A_66 = vector.shape_cast %get3A_65 : vector<16xf32> to vector<1x16xf32>
    %add3A_67 = vector.broadcast %broadcast_in_dim3A_66 : vector<1x16xf32> to vector<2048x16xf32>
    %add3A_68 = arith.addf %dot_general3A_63, %add3A_67 : vector<2048x16xf32>
    %max3A_69 = arith.constant 0.000000e+00 : f32
    %max3A_70 = vector.broadcast %max3A_69 : f32 to vector<2048x16xf32>
    %max3A_71 = arith.maximumf %add3A_68, %max3A_70 : vector<2048x16xf32>
    %get3A_72 = arith.constant 0 : index
    %get3A_73 = arith.constant 0 : index
    %get3A_74 = vector.load %arg10[%get3A_72, %get3A_73] : memref<1x16xf32, #tpu.memory_space<vmem>>, vector<1x16xf32>
    %mul3A = vector.broadcast %get3A_74 : vector<1x16xf32> to vector<2048x16xf32>
    %mul3A_75 = arith.mulf %max3A_71, %mul3A : vector<2048x16xf32>
    %reduce_sum3A = arith.constant dense<0.000000e+00> : vector<2048xf32>
    %reduce_sum3A_76 = vector.multi_reduction <add>, %mul3A_75, %reduce_sum3A [1] : vector<2048x16xf32> to vector<2048xf32>
    %get3A_77 = arith.constant 0 : index
    %get3A_78 = vector.load %arg11[%get3A_77] : memref<1xf32, #tpu.memory_space<vmem>>, vector<1xf32>
    %add3A_79 = vector.broadcast %get3A_78 : vector<1xf32> to vector<2048xf32>
    %add3A_80 = arith.addf %reduce_sum3A_76, %add3A_79 : vector<2048xf32>
    %swap3A = arith.constant 0 : index
    %swap3A_81 = vector.load %arg12[%swap3A] : memref<2048xf32, #tpu.memory_space<vmem>>, vector<2048xf32>
    tpu.vector_store %arg12[%swap3A], %add3A_80 {strides = array<i32>} : memref<2048xf32, #tpu.memory_space<vmem>>, vector<2048xf32>,
    return
  }
  func.func @transform_0(%arg0: i32) -> (i32, i32) {
    %c0_i32 = arith.constant 0 : i32
    %c0_i32_0 = arith.constant 0 : i32
    return %arg0, %c0_i32 : i32, i32
  }
  func.func @transform_1(%arg0: i32) -> (i32, i32) {
    %c0_i32 = arith.constant 0 : i32
    %c0_i32_0 = arith.constant 0 : i32
    return %arg0, %c0_i32 : i32, i32
  }
  func.func @transform_2(%arg0: i32) -> i32 {
    %c0_i32 = arith.constant 0 : i32
    return %arg0 : i32
  }
  func.func @transform_3(%arg0: i32) -> i32 {
    %c0_i32 = arith.constant 0 : i32
    return %arg0 : i32
  }
  func.func @transform_4(%arg0: i32) -> (i32, i32) {
    %c0_i32 = arith.constant 0 : i32
    %c0_i32_0 = arith.constant 0 : i32
    %c0_i32_1 = arith.constant 0 : i32
    return %c0_i32, %c0_i32_0 : i32, i32
  }
  func.func @transform_5(%arg0: i32) -> (i32, i32) {
    %c0_i32 = arith.constant 0 : i32
    %c0_i32_0 = arith.constant 0 : i32
    %c0_i32_1 = arith.constant 0 : i32
    return %c0_i32, %c0_i32_0 : i32, i32
  }
  func.func @transform_6(%arg0: i32) -> i32 {
    %c0_i32 = arith.constant 0 : i32
    %c0_i32_0 = arith.constant 0 : i32
    return %c0_i32 : i32
  }
  func.func @transform_7(%arg0: i32) -> (i32, i32) {
    %c0_i32 = arith.constant 0 : i32
    %c0_i32_0 = arith.constant 0 : i32
    %c0_i32_1 = arith.constant 0 : i32
    return %c0_i32, %c0_i32_0 : i32, i32
  }
  func.func @transform_8(%arg0: i32) -> i32 {
    %c0_i32 = arith.constant 0 : i32
    %c0_i32_0 = arith.constant 0 : i32
    return %c0_i32 : i32
  }
  func.func @transform_9(%arg0: i32) -> (i32, i32) {
    %c0_i32 = arith.constant 0 : i32
    %c0_i32_0 = arith.constant 0 : i32
    %c0_i32_1 = arith.constant 0 : i32
    return %c0_i32, %c0_i32_0 : i32, i32
  }
  func.func @transform_10(%arg0: i32) -> i32 {
    %c0_i32 = arith.constant 0 : i32
    %c0_i32_0 = arith.constant 0 : i32
    return %c0_i32 : i32
  }
  func.func @transform_11(%arg0: i32) -> i32 {
    %c0_i32 = arith.constant 0 : i32
    return %arg0 : i32
  }
}

</mosaic_0001>

<sc_bundles>
// kernel: kernel.5.cloned.1.call-start
scs
__scs_entry_jumppad:
0x0: {  	(pc) =	sbr.rel $0x88, $3  }
0x1: {  	(tag) =	ssettag $0x0;
	lr =	simm.s32 $0x1  }
0x2: {  	[smem:$0x3F97] =	sst lr;
	_ =	strace $0xD0000000  }
0x3: {  	_ = 	snop  }
0x4: {  	_ = 	snop  }
0x5: {  	_ = 	snop  }
0x6: {  	_ = 	snop  }
0x7: {  	_ = 	snop  }
__scs_overlays_trampoline_lowered:
0x8: {  	[smem:$0x3FA6] =	sst s0  }
0x9: {  	[smem:$0x3FA7] =	sst s1  }
0xa: {  	[smem:$0x3FA8] =	sst s2  }
0xb: {  	[smem:$0x3FA9] =	sst s3  }
0xc: {  	[smem:$0x3FAA] =	sst s4  }
0xd: {  	[smem:$0x3FAB] =	sst s5  }
0xe: {  	[smem:$0x3FAC] =	sst s6  }
0xf: {  	[smem:$0x3FAD] =	sst s7  }
0x10: {  	[smem:$0x3FAE] =	sst s8  }
0x11: {  	[smem:$0x3FAF] =	sst s9;
	s0 =	simm.s32 @!p0 $0x0  }
0x12: {  	s1 =	sld [smem:$0x3F95];
	s0 =	simm.s32 @p0 $0x1  }
0x13: {  	[smem:$0x3FB0] =	sst s0;
	s0 =	simm.s32 @!p1 $0x0  }
0x14: {  	s2 =	sld [smem:$0x3F94];
	s0 =	simm.s32 @p1 $0x1  }
0x15: {  	[smem:$0x3FB1] =	sst s0;
	s0 =	simm.s32 @!p2 $0x0  }
0x16: {  	s3 =	sld [smem:$0x3FDB];
	s0 =	simm.s32 @p2 $0x1  }
0x17: {  	s4 =	simm.s32 $0x1BF5;
	[smem:$0x3FB3] =	sst s0  }
0x18: {  	s0 =	sld [smem:$0x3F96];
	_ =	swait.ge [sflag:s4], $0x0  }
0x19: {  	s7 =	sld [smem:$0x3F97]  }
0x1a: {  	s8 =	sadd.s32 $0xFFFFE003, lr  }
0x1b: {  	s9 =	sadd.s32 $0xFFFFFEF7, lr;
	s5 =	simm.s32 $0xFFFFFFFF;
	p2 =	slt.u32 s8, $0xFFFFF086  }
0x1c: {  	p1 =	slt.u32 s9, $0xF7A;
	s5 =	simm.s32 @!p2 $0x0  }
0x1d: {  	s5 =	simm.s32 @p1 $0x1;
	p0 =	seq.s32 s7, s2  }
0x1e: {  	s7 =	smul.u32 @!p0 $0xF7A, s2;
	p2 =	seq.s32 @!p0 s5, $0x0  }
0x1f: {  	s9 =	smul.u32 $0xF7A, s1;
	s8 =	simm.s32 @!p0 $0x1BF5;
	p2 =	por !p2, p0  }
0x20: {  	[sflag:s8] =	ssyncset.s32 @!p0 $0xFFFFF086;
	s6 =	sadd.s32 @!p0 s3, s7;
	s7 =	simm.s32 @!p0 $0x108  }
0x21: {  	s3 =	sadd.s32 s3, s9;
	s6 =	sadd.s32 @!p0 $0x88, s6;
	s7 =	simm.s32 @p2 $0x1082  }
0x22: {  	[simem:s7], [sflag:s8] =	dma.local @!p0 [hbm:s6], $0xF7A  }
0x23: {  	s9 =	sor.u32 $0xD0000000, s2;
	s6 =	simm.s32 $0x108;
	_ =	swait.ge @!p0 [sflag:s8], $0x0  }
0x24: {  	s3 =	sadd.s32 $0x88, s3;
	s6 =	simm.s32 @!p1 $0x1082;
	[sflag:s4] =	ssyncset.s32 $0xFFFFF086  }
0x25: {  	[simem:s6], [sflag:s4] =	dma.local [hbm:s3], $0xF7A  }
0x26: {  	[smem:$0x3F97] =	sst s1;
	(tag) =	ssettag s2;
	_ =	strace s9  }
0x27: {  	s1 =	sld [smem:$0x3FA7]  }
0x28: {  	s2 =	sld [smem:$0x3FA8]  }
0x29: {  	s4 =	sld [smem:$0x3FAA]  }
0x2a: {  	p0 =	seq.s32 s5, $0x0;
	s5 =	sld [smem:$0x3FAB]  }
0x2b: {  	s6 =	sld [smem:$0x3FAC]  }
0x2c: {  	s7 =	sld [smem:$0x3FAD]  }
0x2d: {  	s3 =	simm.s32 $0x108;
	s8 =	sld [smem:$0x3FAE]  }
0x2e: {  	s3 =	simm.s32 @!p0 $0x1082;
	s9 =	sld [smem:$0x3FAF]  }
0x2f: {  	lr =	sadd.s32 s0, s3;
	s0 =	sld [smem:$0x3FA6]  }
0x30: {  	s3 =	sld [smem:$0x3FA9]  }
0x31: {  	[smem:$0x3FB2] =	sst s10  }
0x32: {  	s10 =	sld [smem:$0x3FB0];
	_ =	sdelay $0x3  }
0x33: {  	p0 =	seq.s32 s10, $0x1;
	s10 =	sld [smem:$0x3FB2];
	_ =	sdelay $0x3  }
0x34: {  	[smem:$0x3FB2] =	sst s10  }
0x35: {  	s10 =	sld [smem:$0x3FB1];
	_ =	sdelay $0x3  }
0x36: {  	p1 =	seq.s32 s10, $0x1;
	s10 =	sld [smem:$0x3FB2];
	_ =	sdelay $0x3  }
0x37: {  	[smem:$0x3FB2] =	sst s10  }
0x38: {  	s10 =	sld [smem:$0x3FB3]  }
0x39: {  	_ = 	snop;
	(pc) =	sbr.ind lr, $3  }
0x3a: {  	_ = 	snop  }
0x3b: {  	_ = 	snop  }
0x3c: {  	p2 =	seq.s32 s10, $0x1;
	s10 =	sld [smem:$0x3FB2]  }
0x3d: {  	_ =	shalt  }
0x3e: {  	_ =	shalt  }
0x3f: {  	_ =	shalt  }
0x40: {  	_ =	shalt  }
0x41: {  	_ =	shalt  }
0x42: {  	_ =	shalt  }
0x43: {  	_ =	shalt  }
0x44: {  	_ =	shalt  }
0x45: {  	_ =	shalt  }
0x46: {  	_ =	shalt  }
0x47: {  	_ =	shalt  }
0x48: {  	_ =	shalt  }
0x49: {  	_ =	shalt  }
0x4a: {  	_ =	shalt  }
0x4b: {  	_ =	shalt  }
0x4c: {  	_ =	shalt  }
0x4d: {  	_ =	shalt  }
0x4e: {  	_ =	shalt  }
0x4f: {  	_ =	shalt  }
0x50: {  	_ =	shalt  }
0x51: {  	_ =	shalt  }
0x52: {  	_ =	shalt  }
0x53: {  	_ =	shalt  }
0x54: {  	_ =	shalt  }
0x55: {  	_ =	shalt  }
0x56: {  	_ =	shalt  }
0x57: {  	_ =	shalt  }
0x58: {  	_ =	shalt  }
0x59: {  	_ =	shalt  }
0x5a: {  	_ =	shalt  }
0x5b: {  	_ =	shalt  }
0x5c: {  	_ =	shalt  }
0x5d: {  	_ =	shalt  }
0x5e: {  	_ =	shalt  }
0x5f: {  	_ =	shalt  }
0x60: {  	_ =	shalt  }
0x61: {  	_ =	shalt  }
0x62: {  	_ =	shalt  }
0x63: {  	_ =	shalt  }
0x64: {  	_ =	shalt  }
0x65: {  	_ =	shalt  }
0x66: {  	_ =	shalt  }
0x67: {  	_ =	shalt  }
0x68: {  	_ =	shalt  }
0x69: {  	_ =	shalt  }
0x6a: {  	_ =	shalt  }
0x6b: {  	_ =	shalt  }
0x6c: {  	_ =	shalt  }
0x6d: {  	_ =	shalt  }
0x6e: {  	_ =	shalt  }
0x6f: {  	_ =	shalt  }
0x70: {  	_ =	shalt  }
0x71: {  	_ =	shalt  }
0x72: {  	_ =	shalt  }
0x73: {  	_ =	shalt  }
0x74: {  	_ =	shalt  }
0x75: {  	_ =	shalt  }
0x76: {  	_ =	shalt  }
0x77: {  	_ =	shalt  }
0x78: {  	_ =	shalt  }
0x79: {  	_ =	shalt  }
0x7a: {  	_ =	shalt  }
0x7b: {  	_ =	shalt  }
0x7c: {  	_ =	shalt  }
0x7d: {  	_ =	shalt  }
0x7e: {  	_ =	shalt  }
0x7f: {  	_ =	shalt  }
0x80: {  	_ =	shalt  }
0x81: {  	_ =	shalt  }
0x82: {  	_ =	shalt  }
0x83: {  	_ =	shalt  }
0x84: {  	_ =	shalt  }
0x85: {  	_ =	shalt  }
0x86: {  	_ =	shalt  }
0x87: {  	_ =	shalt  }
.Lfunc_end0:
.L_simem_size_0:
called_computation_lowered:
.L_overlay_start_0:
0x88: {  	s2 =	sld [smem:$0x3FD9]  }
0x89: {  	s3 =	sld [smem:$0x3FFE];
	_ =	sdelay $0x1  }
0x8a: {  	s1 =	srdreg.scid  }
0x8b: {  	s0 =	sand.u32 $0x1, s1  }
0x8c: {  	s17 =	sshll.u32 s0, $0xA;
	s2 =	sadd.s32 s3, s2  }
0x8d: {  	s2 =	sadd.s32 s2, s17  }
0x8e: {  	[smem:$0x3FBE] =	sst s2  }
0x8f: {  	_ = 	snop  }
0x90: {  	s2 =	sld [smem:$0x3FC9]  }
0x91: {  	s18 =	sld [smem:$0x3FC8];
	(tm) =	ssettm $0x1  }
0x92: {  	s4 =	sld [smem:$0x3FFB];
	_ =	sdelay $0x3  }
0x93: {  	_ =	strace s4  }
0x94: {  	s4 =	sld [smem:$0x3FFC];
	_ =	sdelay $0x3  }
0x95: {  	_ =	strace s4  }
0x96: {  	s4 =	sld [smem:$0x3FFD];
	_ =	sdelay $0x3  }
0x97: {  	_ =	strace s4  }
0x98: {  	_ =	strace $0x8FFFFFFF  }
0x99: {  	s19 =	sld [smem:$0x3FDB];
	_ =	sdelay $0x1  }
0x9a: {  	s5 =	simm.s32 $_scs_section_size  }
0x9b: {  	s6 =	simm.s32 $_size__tile_overlayer_lowered;
	s7 =	simm.s32 $_tile_overlayer_lowered  }
0x9c: {  	s22 =	simm.s32 $0x1BFF;
	s21 =	sshll.u32 s7, $0x1;
	s4 =	sadd.s32 s5, s19  }
0x9d: {  	s8 =	simm.s32 $0x0;
	s20 =	sshll.u32 s6, $0x1;
	s6 =	sadd.s32 s21, s4  }
0x9e: {  	[timem:s8], [sflag:s22] =	dma.local [hbm:s6], s20  }
0x9f: {  	_ =	swait.ge [sflag:s22], s20  }
0xa0: {  	s5 =	ssub.s32 $0x0, s20;
	[sflag:s22] =	ssyncset.done $0x0  }
0xa1: {  	[sflag:s22] =	ssyncadd.s32 s5;
	_ =	sdelay $0x1  }
0xa2: {  	s23 =	simm.s32 $0x1B8B  }
0xa3: {  	_ =	swait.ge [sflag:s23], $0x1  }
0xa4: {  	[sflag:s23] =	ssyncset.done $0x0  }
0xa5: {  	s25 =	simm.s32 $0x1B8E;
	s24 =	sld [smem:$0x3FFE];
	[sflag:s23] =	ssyncadd.s32 $0xFFFFFFFF  }
0xa6: {  	s26 =	simm.s32 $execute0_lowered;
	[smem:$0x3FD2] =	sst s25  }
0xa7: {  	s6 =	sshll.u32 s26, $0x1;
	_ =	strace $0x80000046;
	[dreg:$0x1] =	wrdreg $0xFFFFFFFF  }
0xa8: {  	s28 =	simm.s32 $_size_execute0_lowered;
	s4 =	sadd.s32 s4, s6;
	[dreg:$0x0] =	wrdreg $0x0  }
0xa9: {  	s6 =	sshll.u32 s28, $0x1;
	[dreg:$0x2] =	wrdreg s4  }
0xaa: {  	[dreg:$0x3] =	wrdreg s6  }
0xab: {  	[dreg:$0x4] =	wrdreg $0xC0  }
0xac: {  	_ =	task [dreg:s8], $0x5FFFF  }
0xad: {  	[dreg:$0x1] =	wrdreg $0xFFFFFFFF  }
0xae: {  	[dreg:$0x0] =	wrdreg $0x60  }
0xaf: {  	[dreg:$0x2] =	wrdreg s2  }
0xb0: {  	[dreg:$0x3] =	wrdreg s18  }
0xb1: {  	[dreg:$0x4] =	wrdreg s24  }
0xb2: {  	[dreg:$0x5] =	wrdreg $0x9  }
0xb3: {  	_ =	task.clear_ibuf [dreg:s8], $0x6FFFF;
	_ =	strace $0x90000046  }
0xb4: {  	s29 =	simm.s32 $0x9;
	_ =	strace $0x80000048  }
0xb5: {  	_ =	swait.ge [sflag:s29], $0x1  }
0xb6: {  	[sflag:s29] =	ssyncadd.s32 $0xFFFFFFFF  }
0xb7: {  	_ =	strace $0x90000048  }
0xb8: {  	_ =	sfence  }
0xb9: {  	s30 =	sld [smem:$0x0];
	_ =	sdelay $0x2  }
0xba: {  	s31 =	sshll.u32 s1, $0xD;
	s1 =	sshrl.u32 s1, $0x2  }
0xbb: {  	s3 =	sand.u32 $0x4000, s31;
	s1 =	sadd.s32 s1, s30  }
0xbc: {  	s0 =	sor.u32 s3, s0;
	s1 =	sshll.u32 s1, $0x11  }
0xbd: {  	s0 =	sor.u32 s1, s0  }
0xbe: {  	s0 =	sadd.s32 $0x8F2B, s0  }
0xbf: {  	[sflag:s0] =	ssyncadd.remote.s32 $0x1  }
0xc0: {  	_ =	sfence.sel $0xFFFF  }
0xc1: {  	[dreg:$0x0] =	wrdreg $0xFFFFFFFF;
	(pc) =	sbr.abs _section_cstart, $3  }
0xc2: {  	[dreg:$0x1] =	wrdreg $0xFFFFFFFF  }
0xc3: {  	_ =	task.clear_ibuf [dreg:s8], $0x2FFFF;
	_ =	strace $0x9FFFFFFF  }
0xc4: {  	(tm) =	ssettm $0x7FFFFFFF  }
0xc5: {  	_ =	shalt  }
tec
execute0_lowered:
.L_overlay_start_1:
0x0: {  	(tag) =	ssettag $0x1  }
0x1: {  	s5 =	rddreg [dreg:$0x0]  }
0x2: {  	s7 =	rddreg [dreg:$0x1]  }
0x3: {  	s6 =	rddreg [dreg:$0x2]  }
0x4: {  	s0 =	rddreg [dreg:$0x3]  }
0x5: {  	s2 =	simm.s32 $0x0;
	s3 =	srdreg.scid;
	s1 =	stileid.u32  }
0x6: {  	s12 =	simm.s32 $0x200;
	s13 =	simm.s32 $0x400;
	s14 =	simm.s32 $0x280  }
0x7: {  	s15 =	simm.s32 $0x4400;
	s16 =	simm.s32 $0x300;
	s17 =	simm.s32 $0x8400  }
0x8: {  	s18 =	simm.s32 $0x380;
	s19 =	simm.s32 $0xC400;
	s20 =	simm.s32 $0x1  }
0x9: {  	[smem:$0x7FF] =	sst s2;
	s8 =	sand.u32 $0x1, s3;
	s3 =	sadd.s32 $0x1E00, s6  }
0xa: {  	s9 =	sshll.u32 s1, $0xA;
	s4 =	sadd.s32 $0x3D2E00, s6;
	s10 =	sshll.u32 s8, $0x9  }
0xb: {  	_ =	strace $0x80000047;
	s8 =	ssub.s32 $0x2, s8;
	s9 =	sor.u32 s10, s9  }
0xc: {  	s11 =	sshrl.u32 s8, $0x1;
	s10 =	sshll.u32 s9, $0x4;
	s9 =	sshrl.u32 s9, $0x3  }
0xd: {  	s11 =	ssub.s32 s8, s11;
	s10 =	sadd.s32 s10, s6;
	s5 =	sadd.s32 s5, s9  }
0xe: {  	s7 =	sadd.s32 s7, s9;
	s9 =	smax.u32 s11, $0x1;
	s11 =	simm.s32 $0x80  }
0xf: {  	s6 =	sadd.s32 $0x7A3E00, s10;
	s8 =	sadd.s32 $0x7E3E00, s10;
	s10 =	simm.s32 $0x2  }
.LBB2_1:
0x10: {  	[tilespmem:s2], [sflag:$0x2] =	stream.linear.gather [hbm4b:s5+s2], $0x200, $0x38;
	[tilespmem:$0x10400] =	vst v63  }
0x11: {  	_ =	swait.ge [sflag:s10], $0x200  }
0x12: {  	[sflag:s10] =	ssyncset.done $0x0  }
0x13: {  	[sflag:s10] =	ssyncadd.s32 $0xFFFFFE00  }
0x14: {  	v0 =	vld [tilespmem:$0x0]  }
0x15: {  	v1 =	vld [tilespmem:$0x10]  }
0x16: {  	v2 =	vld [tilespmem:$0x20]  }
0x17: {  	v3 =	vld [tilespmem:$0x30]  }
0x18: {  	v5 =	vld [tilespmem:$0x40]  }
0x19: {  	v7 =	vld [tilespmem:$0x50]  }
0x1a: {  	v8 =	vld [tilespmem:$0x60]  }
0x1b: {  	v43 =	vld [tilespmem:$0x70]  }
0x1c: {  	v10 =	vld [tilespmem:$0x80]  }
0x1d: {  	v11 =	vld [tilespmem:$0x90]  }
0x1e: {  	v48 =	vld [tilespmem:$0xA0]  }
0x1f: {  	v13 =	vld [tilespmem:$0xB0];
	v4 =	vshra.s32 v0, $0x2  }
0x20: {  	v14 =	vld [tilespmem:$0xC0];
	v0 =	vand.u32 $0x7F, v0;
	v6 =	vshra.s32 v1, $0x2;
	v41 =	vshra.s32 v2, $0x2  }
0x21: {  	v53 =	vld [tilespmem:$0xD0];
	v1 =	vand.u32 $0x7F, v1;
	v2 =	vand.u32 $0x7F, v2;
	v42 =	vshra.s32 v3, $0x2  }
0x22: {  	v15 =	vld [tilespmem:$0xE0];
	v3 =	vand.u32 $0x7F, v3;
	v9 =	vshra.s32 v5, $0x2;
	v45 =	vshra.s32 v7, $0x2  }
0x23: {  	v62 =	vld [tilespmem:$0xF0];
	v5 =	vand.u32 $0x7F, v5;
	v7 =	vand.u32 $0x7F, v7;
	v47 =	vshra.s32 v8, $0x2  }
0x24: {  	v17 =	vld [tilespmem:$0x100];
	v8 =	vand.u32 $0x7F, v8;
	v12 =	vshra.s32 v43, $0x2;
	v50 =	vshra.s32 v10, $0x2  }
0x25: {  	v20 =	vld [tilespmem:$0x110];
	v10 =	vand.u32 $0x7F, v10;
	v52 =	vshra.s32 v11, $0x2;
	v55 =	vand.u32 $0x7F, v11  }
0x26: {  	v56 =	vshra.s32 v48, $0x2;
	v58 =	vshra.s32 v13, $0x2;
	v59 =	vand.u32 $0x7F, v48  }
0x27: {  	v61 =	vand.u32 $0x7F, v13;
	v16 =	vshra.s32 v14, $0x2;
	v18 =	vand.u32 $0x7F, v14  }
0x28: {  	v19 =	vshra.s32 v53, $0x2;
	v22 =	vshra.s32 v15, $0x2;
	v23 =	vand.u32 $0x7F, v53  }
0x29: {  	v24 =	vand.u32 $0x7F, v15;
	v26 =	vshra.s32 v62, $0x2;
	v28 =	vand.u32 $0x7F, v62  }
0x2a: {  	v25 =	vld [tilespmem:$0x120];
	v29 =	vshra.s32 v17, $0x2;
	v33 =	vshra.s32 v20, $0x2;
	v4 =	vand.u32 $0xFFFFFF80, v4  }
0x2b: {  	v34 =	vand.u32 $0x7F, v17;
	v40 =	vand.u32 $0xFFFFFF80, v6;
	v0 =	vor.u32 v0, v4  }
0x2c: {  	v35 =	vand.u32 $0x7F, v20;
	v6 =	vand.u32 $0xFFFFFF80, v41;
	v1 =	vor.u32 v1, v40;
	[tilespmem:$0x200] =	vst v0  }
0x2d: {  	v44 =	vand.u32 $0xFFFFFF80, v9;
	v9 =	vand.u32 $0xFFFFFF80, v45;
	v2 =	vor.u32 v2, v6;
	[tilespmem:$0x210] =	vst v1  }
0x2e: {  	v49 =	vand.u32 $0xFFFFFF80, v12;
	v12 =	vand.u32 $0xFFFFFF80, v50;
	v46 =	vor.u32 v7, v9;
	[tilespmem:$0x220] =	vst v2  }
0x2f: {  	v30 =	vld [tilespmem:$0x140];
	v38 =	vshra.s32 v25, $0x2;
	v60 =	vand.u32 $0xFFFFFF80, v58;
	v51 =	vor.u32 v10, v12;
	[tilespmem:$0x250] =	vst v46  }
0x30: {  	v27 =	vld [tilespmem:$0x130];
	v54 =	vand.u32 $0xFFFFFF80, v52;
	v4 =	vand.u32 $0xFFFFFF80, v42;
	v63 =	vor.u32 v61, v60;
	[tilespmem:$0x280] =	vst v51  }
0x31: {  	v57 =	vand.u32 $0xFFFFFF80, v56;
	v21 =	vand.u32 $0xFFFFFF80, v19;
	v3 =	vor.u32 v3, v4;
	[tilespmem:$0x2B0] =	vst v63  }
0x32: {  	v32 =	vand.u32 $0xFFFFFF80, v29;
	v7 =	vand.u32 $0xFFFFFF80, v47;
	v4 =	vor.u32 v5, v44;
	[tilespmem:$0x230] =	vst v3  }
0x33: {  	v36 =	vld [tilespmem:$0x150];
	v41 =	vand.u32 $0x7F, v25;
	v6 =	vand.u32 $0x7F, v43;
	v7 =	vor.u32 v8, v7;
	[tilespmem:$0x240] =	vst v4  }
0x34: {  	v39 =	vld [tilespmem:$0x160];
	v45 =	vshra.s32 v30, $0x2;
	v40 =	vand.u32 $0xFFFFFF80, v38;
	v6 =	vor.u32 v6, v49;
	[tilespmem:$0x260] =	vst v7  }
0x35: {  	v42 =	vshra.s32 v27, $0x2;
	v47 =	vand.u32 $0x7F, v30;
	v0 =	vor.u32 v55, v54;
	[tilespmem:$0x270] =	vst v6  }
0x36: {  	v1 =	vor.u32 v59, v57;
	v5 =	vand.u32 $0xFFFFFF80, v22;
	v8 =	vand.u32 $0xFFFFFF80, v33;
	[tilespmem:$0x290] =	vst v0  }
0x37: {  	v44 =	vand.u32 $0xFFFFFF80, v42;
	v46 =	vand.u32 $0x7F, v27;
	v4 =	vor.u32 v23, v21;
	[tilespmem:$0x2A0] =	vst v1  }
0x38: {  	v48 =	vld [tilespmem:$0x180];
	v51 =	vshra.s32 v36, $0x2;
	v54 =	vand.u32 $0x7F, v36;
	v5 =	vor.u32 v24, v5;
	[tilespmem:$0x2D0] =	vst v4  }
0x39: {  	v13 =	vld [tilespmem:$0x1C0];
	v55 =	vshra.s32 v39, $0x2;
	v59 =	vand.u32 $0x7F, v39;
	v1 =	vor.u32 v34, v32;
	[tilespmem:$0x2E0] =	vst v5  }
0x3a: {  	v52 =	vld [tilespmem:$0x190];
	v3 =	vand.u32 $0xFFFFFF80, v16;
	v6 =	vand.u32 $0xFFFFFF80, v26;
	v37 =	vor.u32 v35, v8;
	[tilespmem:$0x300] =	vst v1  }
0x3b: {  	v56 =	vld [tilespmem:$0x1A0];
	v49 =	vor.u32 v46, v44;
	v53 =	vand.u32 $0xFFFFFF80, v51;
	v57 =	vand.u32 $0xFFFFFF80, v55;
	[tilespmem:$0x310] =	vst v37  }
0x3c: {  	v25 =	vld [tilespmem:$0x1F0];
	v3 =	vor.u32 v18, v3;
	v31 =	vor.u32 v28, v6;
	v6 =	vand.u32 $0xFFFFFF80, v45;
	[tilespmem:$0x330] =	vst v49  }
0x3d: {  	v43 =	vld [tilespmem:$0x170];
	v1 =	vor.u32 v54, v53;
	v62 =	vor.u32 v59, v57;
	v12 =	vshra.s32 v48, $0x2;
	[tilespmem:$0x2C0] =	vst v3  }
0x3e: {  	v14 =	vand.u32 $0x7F, v48;
	v28 =	vshra.s32 v13, $0x2;
	v32 =	vand.u32 $0x7F, v13;
	[tilespmem:$0x2F0] =	vst v31  }
0x3f: {  	v61 =	vld [tilespmem:$0x1B0];
	v3 =	vor.u32 v41, v40;
	v50 =	vor.u32 v47, v6;
	v15 =	vshra.s32 v52, $0x2;
	[tilespmem:$0x350] =	vst v1  }
0x40: {  	v19 =	vshra.s32 v56, $0x2;
	[tilespmem:$0x360] =	vst v62;
	v20 =	vand.u32 $0x7F, v52;
	v21 =	vand.u32 $0x7F, v56  }
0x41: {  	v30 =	vand.u32 $0xFFFFFF80, v28;
	v39 =	vshra.s32 v25, $0x2;
	v41 =	vand.u32 $0x7F, v25;
	[tilespmem:$0x320] =	vst v3  }
0x42: {  	v22 =	vld [tilespmem:$0x1E0];
	v58 =	vshra.s32 v43, $0x2;
	[tilespmem:$0x340] =	vst v50;
	v3 =	vand.u32 $0xFFFFFF80, v12;
	v34 =	vor.u32 v32, v30  }
0x43: {  	v16 =	vld [tilespmem:$0x1D0];
	v60 =	vand.u32 $0x7F, v43;
	v18 =	vand.u32 $0xFFFFFF80, v15;
	v17 =	vor.u32 v14, v3;
	[tilespmem:$0x3C0] =	vst v34  }
0x44: {  	v4 =	vand.u32 $0xFFFFFF80, v19;
	v24 =	vshra.s32 v61, $0x2;
	v0 =	vor.u32 v20, v18;
	[tilespmem:$0x380] =	vst v17  }
0x45: {  	v27 =	vand.u32 $0x7F, v61;
	v40 =	vand.u32 $0xFFFFFF80, v39;
	v23 =	vor.u32 v21, v4;
	[tilespmem:$0x390] =	vst v0  }
0x46: {  	v5 =	vand.u32 $0xFFFFFF80, v58;
	v26 =	vand.u32 $0xFFFFFF80, v24;
	v42 =	vor.u32 v41, v40;
	[tilespmem:$0x3A0] =	vst v23  }
0x47: {  	v36 =	vshra.s32 v22, $0x2;
	v38 =	vand.u32 $0x7F, v22;
	v63 =	vor.u32 v60, v5;
	[tilespmem:$0x3F0] =	vst v42  }
0x48: {  	v29 =	vor.u32 v27, v26;
	v31 =	vshra.s32 v16, $0x2;
	v37 =	vand.u32 $0xFFFFFF80, v36;
	[tilespmem:$0x370] =	vst v63  }
0x49: {  	v33 =	vand.u32 $0x7F, v16;
	v3 =	vand.u32 $0xFFFFFF80, v31;
	[tilespmem:$0x3B0] =	vst v29;
	v0 =	vor.u32 v38, v37  }
0x4a: {  	v35 =	vor.u32 v33, v3;
	[tilespmem:$0x3E0] =	vst v0  }
0x4b: {  	[tilespmem:$0x3D0] =	vst v35  }
0x4c: {  	[tilespmem:s13], [sflag:$0x1] =	stream.indirect.gather [hbm4b:s3+s11], $0x80, s12, s11, $0xb8;
	[tilespmem:$0x10400] =	vst v63  }
0x4d: {  	_ = 	snop  }
0x4e: {  	[tilespmem:s15], [sflag:$0x1] =	stream.indirect.gather [hbm4b:s3+s11], $0x80, s14, s11, $0xb8;
	[tilespmem:$0x10400] =	vst v63  }
0x4f: {  	_ = 	snop  }
0x50: {  	[tilespmem:s17], [sflag:$0x1] =	stream.indirect.gather [hbm4b:s3+s11], $0x80, s16, s11, $0xb8;
	[tilespmem:$0x10400] =	vst v63  }
0x51: {  	_ = 	snop  }
0x52: {  	[tilespmem:s19], [sflag:$0x1] =	stream.indirect.gather [hbm4b:s3+s11], $0x80, s18, s11, $0xb8;
	[tilespmem:$0x10400] =	vst v63  }
0x53: {  	_ =	swait.ge [sflag:s20], $0x4000  }
0x54: {  	[sflag:s20] =	ssyncset.done $0x0  }
0x55: {  	[sflag:s20] =	ssyncadd.s32 $0xFFFFC000  }
0x56: {  	_ =	swait.ge [sflag:s20], $0x4000  }
0x57: {  	[sflag:s20] =	ssyncset.done $0x0  }
0x58: {  	[sflag:s20] =	ssyncadd.s32 $0xFFFFC000  }
0x59: {  	_ =	swait.ge [sflag:s20], $0x4000  }
0x5a: {  	[sflag:s20] =	ssyncset.done $0x0  }
0x5b: {  	[sflag:s20] =	ssyncadd.s32 $0xFFFFC000  }
0x5c: {  	_ =	swait.ge [sflag:s20], $0x4000  }
0x5d: {  	[sflag:s20] =	ssyncset.done $0x0  }
0x5e: {  	[sflag:s20] =	ssyncadd.s32 $0xFFFFC000  }
0x5f: {  	[hbm4b:s6+s2] =	stream.linear.scatter [tilespmem:s13], [sflag:$0x2], $0x10000, $0x38;
	[tilespmem:$0x10400] =	vst v63  }
0x60: {  	_ =	swait.ge [sflag:s10], $0x10000  }
0x61: {  	[sflag:s10] =	ssyncset.done $0x0  }
0x62: {  	[sflag:s10] =	ssyncadd.s32 $0xFFFF0000  }
0x63: {  	[tilespmem:s2], [sflag:$0x2] =	stream.linear.gather [hbm4b:s7+s2], $0x200, $0x38;
	[tilespmem:$0x10400] =	vst v63  }
0x64: {  	_ =	swait.ge [sflag:s10], $0x200  }
0x65: {  	[sflag:s10] =	ssyncset.done $0x0  }
0x66: {  	[sflag:s10] =	ssyncadd.s32 $0xFFFFFE00  }
0x67: {  	v43 =	vld [tilespmem:$0x0]  }
0x68: {  	v44 =	vld [tilespmem:$0x10]  }
0x69: {  	v45 =	vld [tilespmem:$0x20]  }
0x6a: {  	v46 =	vld [tilespmem:$0x30]  }
0x6b: {  	v48 =	vld [tilespmem:$0x40]  }
0x6c: {  	v50 =	vld [tilespmem:$0x50]  }
0x6d: {  	v53 =	vld [tilespmem:$0x60]  }
0x6e: {  	v55 =	vld [tilespmem:$0x70]  }
0x6f: {  	v57 =	vld [tilespmem:$0x80]  }
0x70: {  	v60 =	vld [tilespmem:$0x90]  }
0x71: {  	v63 =	vld [tilespmem:$0xA0];
	v47 =	vshra.s32 v43, $0x2  }
0x72: {  	v18 =	vld [tilespmem:$0xB0];
	v0 =	vand.u32 $0x7F, v43;
	v49 =	vshra.s32 v44, $0x2;
	v52 =	vshra.s32 v45, $0x2  }
0x73: {  	v21 =	vld [tilespmem:$0xC0];
	v1 =	vand.u32 $0x7F, v44;
	v2 =	vand.u32 $0x7F, v45;
	v54 =	vshra.s32 v46, $0x2  }
0x74: {  	v24 =	vld [tilespmem:$0xD0];
	v3 =	vand.u32 $0x7F, v46;
	v56 =	vshra.s32 v48, $0x2;
	v59 =	vshra.s32 v50, $0x2  }
0x75: {  	v28 =	vld [tilespmem:$0xE0];
	v5 =	vand.u32 $0x7F, v48;
	v7 =	vand.u32 $0x7F, v50;
	v62 =	vshra.s32 v53, $0x2  }
0x76: {  	v34 =	vld [tilespmem:$0xF0];
	v8 =	vand.u32 $0x7F, v53;
	v17 =	vshra.s32 v55, $0x2;
	v20 =	vshra.s32 v57, $0x2  }
0x77: {  	v40 =	vld [tilespmem:$0x110];
	v10 =	vand.u32 $0x7F, v57;
	v23 =	vshra.s32 v60, $0x2;
	v26 =	vand.u32 $0x7F, v60  }
0x78: {  	v27 =	vshra.s32 v63, $0x2;
	v30 =	vshra.s32 v18, $0x2;
	v31 =	vand.u32 $0x7F, v63  }
0x79: {  	v33 =	vand.u32 $0x7F, v18;
	v36 =	vshra.s32 v21, $0x2;
	v38 =	vand.u32 $0x7F, v21  }
0x7a: {  	v39 =	vshra.s32 v24, $0x2;
	v42 =	vshra.s32 v28, $0x2;
	v43 =	vand.u32 $0x7F, v24  }
0x7b: {  	v44 =	vand.u32 $0x7F, v28;
	v46 =	vshra.s32 v34, $0x2;
	v48 =	vand.u32 $0x7F, v34  }
0x7c: {  	v37 =	vld [tilespmem:$0x100];
	v53 =	vshra.s32 v40, $0x2;
	v4 =	vand.u32 $0xFFFFFF80, v47;
	v51 =	vand.u32 $0xFFFFFF80, v49  }
0x7d: {  	v6 =	vand.u32 $0xFFFFFF80, v52;
	v58 =	vand.u32 $0xFFFFFF80, v56;
	v0 =	vor.u32 v0, v4  }
0x7e: {  	v9 =	vand.u32 $0xFFFFFF80, v59;
	v19 =	vand.u32 $0xFFFFFF80, v17;
	v1 =	vor.u32 v1, v51;
	[tilespmem:$0x200] =	vst v0  }
0x7f: {  	v12 =	vand.u32 $0xFFFFFF80, v20;
	v25 =	vand.u32 $0xFFFFFF80, v23;
	v2 =	vor.u32 v2, v6;
	[tilespmem:$0x210] =	vst v1  }
0x80: {  	v29 =	vand.u32 $0xFFFFFF80, v27;
	v32 =	vand.u32 $0xFFFFFF80, v30;
	v61 =	vor.u32 v7, v9;
	[tilespmem:$0x220] =	vst v2  }
0x81: {  	v41 =	vand.u32 $0xFFFFFF80, v39;
	v49 =	vshra.s32 v37, $0x2;
	v22 =	vor.u32 v10, v12;
	[tilespmem:$0x250] =	vst v61  }
0x82: {  	v4 =	vand.u32 $0xFFFFFF80, v54;
	v7 =	vand.u32 $0xFFFFFF80, v62;
	v35 =	vor.u32 v33, v32;
	[tilespmem:$0x280] =	vst v22  }
0x83: {  	v45 =	vld [tilespmem:$0x120];
	v6 =	vand.u32 $0x7F, v55;
	v52 =	vand.u32 $0xFFFFFF80, v49;
	v3 =	vor.u32 v3, v4;
	[tilespmem:$0x2B0] =	vst v35  }
0x84: {  	v50 =	vld [tilespmem:$0x140];
	v54 =	vand.u32 $0x7F, v37;
	v55 =	vand.u32 $0x7F, v40;
	v4 =	vor.u32 v5, v58;
	[tilespmem:$0x230] =	vst v3  }
0x85: {  	v63 =	vld [tilespmem:$0x170];
	v7 =	vor.u32 v8, v7;
	v6 =	vor.u32 v6, v19;
	v0 =	vor.u32 v26, v25;
	[tilespmem:$0x240] =	vst v4  }
0x86: {  	v21 =	vld [tilespmem:$0x190];
	v1 =	vor.u32 v31, v29;
	v5 =	vand.u32 $0xFFFFFF80, v42;
	v8 =	vand.u32 $0xFFFFFF80, v53;
	[tilespmem:$0x260] =	vst v7  }
0x87: {  	v34 =	vld [tilespmem:$0x1C0];
	v3 =	vand.u32 $0xFFFFFF80, v36;
	[tilespmem:$0x270] =	vst v6;
	v4 =	vor.u32 v43, v41;
	v5 =	vor.u32 v44, v5  }
0x88: {  	v47 =	vld [tilespmem:$0x130];
	v6 =	vand.u32 $0xFFFFFF80, v46;
	[tilespmem:$0x2A0] =	vst v1;
	v1 =	vor.u32 v54, v52;
	v57 =	vor.u32 v55, v8  }
0x89: {  	v56 =	vld [tilespmem:$0x150];
	[tilespmem:$0x290] =	vst v0;
	v3 =	vor.u32 v38, v3;
	v51 =	vor.u32 v48, v6;
	v58 =	vshra.s32 v45, $0x2  }
0x8a: {  	v59 =	vld [tilespmem:$0x160];
	v61 =	vand.u32 $0x7F, v45;
	[tilespmem:$0x2D0] =	vst v4;
	v14 =	vshra.s32 v50, $0x2;
	v16 =	vand.u32 $0x7F, v50  }
0x8b: {  	v17 =	vld [tilespmem:$0x180];
	[tilespmem:$0x2E0] =	vst v5;
	v27 =	vshra.s32 v63, $0x2;
	v29 =	vand.u32 $0x7F, v63;
	v36 =	vshra.s32 v21, $0x2  }
0x8c: {  	[tilespmem:$0x300] =	vst v1;
	v41 =	vand.u32 $0x7F, v21;
	v49 =	vshra.s32 v34, $0x2;
	v53 =	vand.u32 $0x7F, v34  }
0x8d: {  	v30 =	vld [tilespmem:$0x1B0];
	[tilespmem:$0x310] =	vst v57;
	v60 =	vand.u32 $0xFFFFFF80, v58;
	v62 =	vshra.s32 v47, $0x2;
	v15 =	vand.u32 $0x7F, v47  }
0x8e: {  	[tilespmem:$0x2C0] =	vst v3;
	v6 =	vand.u32 $0xFFFFFF80, v14;
	v20 =	vshra.s32 v56, $0x2;
	v23 =	vand.u32 $0x7F, v56  }
0x8f: {  	[tilespmem:$0x2F0] =	vst v51;
	v24 =	vshra.s32 v59, $0x2;
	v28 =	vand.u32 $0x7F, v59;
	v3 =	vor.u32 v61, v60  }
0x90: {  	v37 =	vld [tilespmem:$0x1D0];
	v5 =	vand.u32 $0xFFFFFF80, v27;
	v33 =	vshra.s32 v17, $0x2;
	v19 =	vor.u32 v16, v6;
	[tilespmem:$0x320] =	vst v3  }
0x91: {  	v35 =	vand.u32 $0x7F, v17;
	v39 =	vand.u32 $0xFFFFFF80, v36;
	v32 =	vor.u32 v29, v5;
	[tilespmem:$0x340] =	vst v19  }
0x92: {  	v25 =	vld [tilespmem:$0x1A0];
	v45 =	vshra.s32 v30, $0x2;
	v51 =	vand.u32 $0xFFFFFF80, v49;
	v0 =	vor.u32 v41, v39;
	[tilespmem:$0x370] =	vst v32  }
0x93: {  	v48 =	vand.u32 $0x7F, v30;
	v13 =	vand.u32 $0xFFFFFF80, v62;
	v55 =	vor.u32 v53, v51;
	[tilespmem:$0x390] =	vst v0  }
0x94: {  	v43 =	vld [tilespmem:$0x1E0];
	v22 =	vand.u32 $0xFFFFFF80, v20;
	v26 =	vand.u32 $0xFFFFFF80, v24;
	v18 =	vor.u32 v15, v13;
	[tilespmem:$0x3C0] =	vst v55  }
0x95: {  	v46 =	vld [tilespmem:$0x1F0];
	v47 =	vand.u32 $0xFFFFFF80, v45;
	v52 =	vshra.s32 v37, $0x2;
	v1 =	vor.u32 v23, v22;
	[tilespmem:$0x330] =	vst v18  }
0x96: {  	v54 =	vand.u32 $0x7F, v37;
	v31 =	vor.u32 v28, v26;
	v3 =	vand.u32 $0xFFFFFF80, v33;
	[tilespmem:$0x350] =	vst v1  }
0x97: {  	v40 =	vshra.s32 v25, $0x2;
	v42 =	vand.u32 $0x7F, v25;
	v50 =	vor.u32 v48, v47;
	[tilespmem:$0x360] =	vst v31  }
0x98: {  	v38 =	vor.u32 v35, v3;
	v4 =	vand.u32 $0xFFFFFF80, v40;
	v3 =	vand.u32 $0xFFFFFF80, v52;
	[tilespmem:$0x3B0] =	vst v50  }
0x99: {  	v57 =	vshra.s32 v43, $0x2;
	v59 =	vand.u32 $0x7F, v43;
	v44 =	vor.u32 v42, v4;
	[tilespmem:$0x380] =	vst v38  }
0x9a: {  	v60 =	vshra.s32 v46, $0x2;
	v56 =	vor.u32 v54, v3;
	v58 =	vand.u32 $0xFFFFFF80, v57;
	[tilespmem:$0x3A0] =	vst v44  }
0x9b: {  	v62 =	vand.u32 $0x7F, v46;
	v61 =	vand.u32 $0xFFFFFF80, v60;
	[tilespmem:$0x3D0] =	vst v56;
	v0 =	vor.u32 v59, v58  }
0x9c: {  	v63 =	vor.u32 v62, v61;
	[tilespmem:$0x3E0] =	vst v0  }
0x9d: {  	[tilespmem:$0x3F0] =	vst v63  }
0x9e: {  	[tilespmem:s13], [sflag:$0x1] =	stream.indirect.gather [hbm4b:s4+s11], $0x80, s12, s11, $0xb8;
	[tilespmem:$0x10400] =	vst v63  }
0x9f: {  	_ = 	snop  }
0xa0: {  	[tilespmem:s15], [sflag:$0x1] =	stream.indirect.gather [hbm4b:s4+s11], $0x80, s14, s11, $0xb8;
	[tilespmem:$0x10400] =	vst v63  }
0xa1: {  	_ = 	snop  }
0xa2: {  	[tilespmem:s17], [sflag:$0x1] =	stream.indirect.gather [hbm4b:s4+s11], $0x80, s16, s11, $0xb8;
	[tilespmem:$0x10400] =	vst v63  }
0xa3: {  	_ = 	snop  }
0xa4: {  	[tilespmem:s19], [sflag:$0x1] =	stream.indirect.gather [hbm4b:s4+s11], $0x80, s18, s11, $0xb8;
	[tilespmem:$0x10400] =	vst v63  }
0xa5: {  	_ =	swait.ge [sflag:s20], $0x4000  }
0xa6: {  	[sflag:s20] =	ssyncset.done $0x0  }
0xa7: {  	[sflag:s20] =	ssyncadd.s32 $0xFFFFC000  }
0xa8: {  	_ =	swait.ge [sflag:s20], $0x4000  }
0xa9: {  	[sflag:s20] =	ssyncset.done $0x0  }
0xaa: {  	[sflag:s20] =	ssyncadd.s32 $0xFFFFC000  }
0xab: {  	_ =	swait.ge [sflag:s20], $0x4000  }
0xac: {  	[sflag:s20] =	ssyncset.done $0x0  }
0xad: {  	[sflag:s20] =	ssyncadd.s32 $0xFFFFC000  }
0xae: {  	_ =	swait.ge [sflag:s20], $0x4000  }
0xaf: {  	p0 =	sne.s32 s9, $0x1;
	[sflag:s20] =	ssyncset.done $0x0  }
.Ltmp0:
0xb0: {  	[sflag:s20] =	ssyncadd.s32 $0xFFFFC000;
	(pc) =	sbr.rel @p0 .LBB2_1-.Ltmp0, $4  }
0xb1: {  	[hbm4b:s8+s2] =	stream.linear.scatter [tilespmem:s13], [sflag:$0x2], $0x10000, $0x38;
	[tilespmem:$0x10400] =	vst v63  }
0xb2: {  	_ =	swait.ge [sflag:s10], $0x10000  }
0xb3: {  	[sflag:s10] =	ssyncset.done $0x0  }
0xb4: {  	s9 =	sadd.s32 $0xFFFFFFFF, s9;
	[sflag:s10] =	ssyncadd.s32 $0xFFFF0000  }
0xb5: {  	_ =	sfence.sel $0x180000  }
0xb6: {  	[bflag:$0x0] =	sbarrier.arrive $0xFFFF  }
0xb7: {  	p0 =	sne.s32 s1, $0x0;
	_ =	strace $0x90000047  }
0xb8: {  	s0 =	sadd.s32 @!p0 $0x100000, s0;
	[bflag:$0x2] =	sbarrier.arrive $0xFFFF  }
0xb9: {  	[sflag:s0] =	ssyncadd.tile.s32 @!p0 $0x1;
	_ =	shalt  }
.Lfunc_end2:
_tile_overlayer_lowered:
.L_overlay_start_2:
0xba: {  	(tag) =	ssettag $0x2  }
0xbb: {  	s0 =	rddreg [dreg:$0x0];
	s2 =	stileid.u32  }
0xbc: {  	s1 =	rddreg [dreg:$0x1];
	p0 =	sne.s32 s2, $0x0  }
0xbd: {  	s3 =	rddreg [dreg:$0x2];
	[bflag:$0x3] =	sbarrier.arrive $0xFFFF;
	s2 =	simm.s32 @!p0 $0x1C02  }
0xbe: {  	[timem:s3], [sflag:s2] =	dma.local @!p0 [hbm:s0], s1  }
0xbf: {  	s0 =	simm.s32 @!p0 $0x2  }
0xc0: {  	_ =	swait.ge @!p0 [sflag:s0], s1  }
0xc1: {  	s1 =	ssub.s32 @!p0 $0x0, s1;
	[sflag:s0] =	ssyncset.done @!p0 $0x0  }
0xc2: {  	[sflag:s0] =	ssyncadd.s32 @!p0 s1  }
0xc3: {  	[bflag:$0x3] =	sbarrier.arrive $0xFFFF  }
0xc4: {  	_ =	shalt  }

</sc_bundles>
